<compile_context>
chip_gen: v7x
topology: tpu7x:2x2x1
jax: 0.10.2.dev20260603
libtpu: 0.0.44.dev20260713+nightly
codegen_flags: <defaults>
</compile_context>

<pallas_src>
import functools

import jax
import jax.numpy as jnp
from jax import lax
from jax.experimental import pallas as pl
from jax.experimental.pallas import tpu as pltpu
from jax.experimental.pallas import tpu_sc as plsc

N, E, F, ED, H = 10000, 320000, 128, 4, 32
RW = 128
NC, NS = 2, 16
NW = NC * NS
CH = 128
EW = -(-E // (NW * CH)) * CH
KCH = EW // CH
E_pad = EW * NW
N_pad = 10240
RPT = N_pad // NS

_HIGH = lax.Precision.HIGHEST


def _silu(v):
    return v * jax.nn.sigmoid(v)


def _ln(v, g, b):
    mu = jnp.mean(v, axis=-1, keepdims=True)
    var = jnp.var(v, axis=-1, keepdims=True)
    return (v - mu) * lax.rsqrt(var + 1e-5) * g + b


def _tables_body(xe_ref, ma_ref, mb_ref, a_ref, b_ref):
    xe = xe_ref[...]
    a_ref[...] = jnp.dot(xe, ma_ref[...], preferred_element_type=jnp.float32,
                         precision=_HIGH)
    b_ref[...] = jnp.dot(xe, mb_ref[...], preferred_element_type=jnp.float32,
                         precision=_HIGH)


def _build_tables(xe, ma, mb):
    blk = 1024
    grid = N_pad // blk
    return pl.pallas_call(
        _tables_body,
        grid=(grid,),
        in_specs=[
            pl.BlockSpec((blk, 136), lambda i: (i, 0)),
            pl.BlockSpec((136, RW), lambda i: (0, 0)),
            pl.BlockSpec((136, RW), lambda i: (0, 0)),
        ],
        out_specs=[
            pl.BlockSpec((blk, RW), lambda i: (i, 0)),
            pl.BlockSpec((blk, RW), lambda i: (i, 0)),
        ],
        out_shape=[
            jax.ShapeDtypeStruct((N_pad, RW), jnp.float32),
            jax.ShapeDtypeStruct((N_pad, RW), jnp.float32),
        ],
    )(xe, ma, mb)


_sc_mesh = plsc.VectorSubcoreMesh(core_axis_name="c", subcore_axis_name="s")


NBUF = 4


def _make_sc_gather(KH):
    EWh = KH * CH

    @functools.partial(
        pl.kernel,
        out_type=jax.ShapeDtypeStruct((NW * EWh, RW), jnp.float32),
        mesh=_sc_mesh,
        scratch_types=[
            pltpu.VMEM((KH, CH), jnp.int32),
            pltpu.VMEM((KH, CH), jnp.int32),
        ] + [pltpu.VMEM((CH, RW), jnp.float32) for _ in range(NBUF)]
          + [pltpu.SemaphoreType.DMA for _ in range(NBUF)],
    )
    def _sc_gather(ta, tb, src_i, dst_i, out, src_v, dst_v, b0, b1, b2, b3,
                   s0, s1, s2, s3):
        bufs = (b0, b1, b2, b3)
        sems = (s0, s1, s2, s3)
        c = lax.axis_index("c")
        s = lax.axis_index("s")
        wid = s * NC + c
        pltpu.sync_copy(src_i.at[wid], src_v)
        pltpu.sync_copy(dst_i.at[wid], dst_v)

        def start_a(j, b):
            pltpu.async_copy(ta.at[src_v.at[j]], bufs[b], sems[b])

        def wait_ab(b):
            pltpu.make_async_copy(ta.at[src_v.at[0]], bufs[b],
                                  sems[b]).wait()

        def start_b(j, b):
            pltpu.async_copy(tb.at[dst_v.at[j]], bufs[b], sems[b], add=True)

        def start_o(j, b):
            pltpu.async_copy(bufs[b], out.at[pl.ds(wid * EWh + j * CH, CH)],
                             sems[b])

        def wait_o(j, b):
            pltpu.make_async_copy(
                bufs[b], out.at[pl.ds(wid * EWh + j * CH, CH)],
                sems[b]).wait()

        start_a(0, 0)
        start_a(1, 1)
        start_a(2, 2)
        wait_ab(0)
        start_b(0, 0)

        def outer(g, carry):
            for b0_ in range(NBUF):
                j = g * NBUF + b0_
                bb = b0_
                nb = (b0_ + 1) % NBUF
                ab = (b0_ + 3) % NBUF

                @pl.when(j < KH)
                def _():
                    wait_ab(bb)
                    start_o(j, bb)

                @pl.when(j + 1 < KH)
                def _():
                    wait_ab(nb)
                    start_b(j + 1, nb)

                @pl.when(j == 0)
                def _():
                    start_a(3, 3)

                @pl.when((j >= 1) & (j + 3 < KH))
                def _():
                    wait_o(j - 1, ab)
                    start_a(j + 3, ab)

            return carry

        lax.fori_loop(0, (KH + NBUF - 1) // NBUF, outer, 0)
        for x in range(max(0, KH - 4), KH):
            wait_o(x, x % NBUF)

    return _sc_gather


_BE = 4096


def _edge_body(hrel_ref, ea_ref, wea_ref, wr2c_ref, be1c_ref, ge1c_ref,
               te1c_ref, we2_ref, be2c_ref, ge2c_ref, te2c_ref, wc1_ref,
               bc1c_ref, wc2_ref, bc2c_ref, out_ref):
    def dotp(a, b):
        return jnp.dot(a, b, preferred_element_type=jnp.float32,
                       precision=_HIGH)

    def ln_t(v, g, t):
        mu = jnp.mean(v, axis=0, keepdims=True)
        var = jnp.mean(v * v, axis=0, keepdims=True) - mu * mu
        return (v - mu) * lax.rsqrt(var + 1e-5) * g + t

    hp = hrel_ref[:, 0:H].T
    rel = hrel_ref[:, H:H + 3].T
    ea = ea_ref[...].T
    r2 = jnp.sum(rel * rel, axis=0, keepdims=True)
    z = (hp + dotp(wea_ref[...], ea) + wr2c_ref[...] * r2 + be1c_ref[...])
    h = ln_t(_silu(z), ge1c_ref[...], te1c_ref[...])
    m = ln_t(_silu(dotp(we2_ref[...], h) + be2c_ref[...]),
             ge2c_ref[...], te2c_ref[...])
    cc = _silu(dotp(wc1_ref[...], m) + bc1c_ref[...])
    c = dotp(wc2_ref[...], cc) + bc2c_ref[...]
    trans = rel * c
    out = jnp.concatenate(
        [m.T, trans.T, jnp.zeros((_BE, RW - H - 3), jnp.float32)], axis=-1)
    out_ref[...] = out


def _edge_mlp(hrel, ea, wea, wr2c, be1c, ge1c, te1c, we2, be2c, ge2c, te2c,
              wc1, bc1c, wc2, bc2c):
    grid = hrel.shape[0] // _BE
    row = lambda i: (0, 0)
    return pl.pallas_call(
        _edge_body,
        grid=(grid,),
        in_specs=[
            pl.BlockSpec((_BE, RW), lambda i: (i, 0)),
            pl.BlockSpec((_BE, ED), lambda i: (i, 0)),
            pl.BlockSpec((H, ED), row),
            pl.BlockSpec((H, 1), row),
            pl.BlockSpec((H, 1), row),
            pl.BlockSpec((H, 1), row),
            pl.BlockSpec((H, 1), row),
            pl.BlockSpec((H, H), row),
            pl.BlockSpec((H, 1), row),
            pl.BlockSpec((H, 1), row),
            pl.BlockSpec((H, 1), row),
            pl.BlockSpec((H, H), row),
            pl.BlockSpec((H, 1), row),
            pl.BlockSpec((1, H), row),
            pl.BlockSpec((1, 1), row),
        ],
        out_specs=pl.BlockSpec((_BE, RW), lambda i: (i, 0)),
        out_shape=jax.ShapeDtypeStruct((hrel.shape[0], RW), jnp.float32),
    )(hrel, ea, wea, wr2c, be1c, ge1c, te1c, we2, be2c, ge2c, te2c,
      wc1, bc1c, wc2, bc2c)


def _make_sc_scatter(KH):
    EWh = KH * CH

    @functools.partial(
        pl.kernel,
        out_type=jax.ShapeDtypeStruct((NC, N_pad, RW), jnp.float32),
        mesh=_sc_mesh,
        scratch_types=[
            pltpu.VMEM((KH, CH), jnp.int32),
            pltpu.VMEM((16, RW), jnp.float32),
            pltpu.VMEM_SHARED((N_pad, RW), jnp.float32),
        ] + [pltpu.VMEM((CH, RW), jnp.float32) for _ in range(2)]
          + [pltpu.SemaphoreType.DMA for _ in range(2)],
    )
    def _sc_scatter(mtr, dst_i, out, dst_v, zbuf, acc, b0, b1, s0, s1):
        bufs = (b0, b1)
        sems = (s0, s1)
        NB = 2
        c = lax.axis_index("c")
        s = lax.axis_index("s")
        wid = s * NC + c
        zv = jnp.zeros((16,), jnp.float32)
        for i in range(16):
            for jj in range(RW // 16):
                zbuf[i, pl.ds(jj * 16, 16)] = zv

        def zbody(t, carry):
            pltpu.sync_copy(zbuf, acc.at[pl.ds(s * RPT + t * 16, 16)])
            return carry

        lax.fori_loop(0, RPT // 16, zbody, 0)
        plsc.subcore_barrier()

        pltpu.sync_copy(dst_i.at[wid], dst_v)

        def start_l(j, b):
            pltpu.async_copy(mtr.at[pl.ds(wid * EWh + j * CH, CH)], bufs[b],
                             sems[b])

        def wait_l(b):
            pltpu.make_async_copy(mtr.at[pl.ds(wid * EWh, CH)], bufs[b],
                                  sems[b]).wait()

        def start_s(j, b):
            pltpu.async_copy(bufs[b], acc.at[dst_v.at[j]], sems[b], add=True)

        def wait_s(j, b):
            pltpu.make_async_copy(bufs[b], acc.at[dst_v.at[j]],
                                  sems[b]).wait()

        start_l(0, 0)

        def outer(g, carry):
            for b0_ in range(NB):
                j = g * NB + b0_
                bb = b0_
                nb = (b0_ + 1) % NB

                @pl.when(j < KH)
                def _():
                    wait_l(bb)
                    start_s(j, bb)

                @pl.when((j >= 1) & (j + 1 < KH))
                def _():
                    wait_s(j - 1, nb)

                @pl.when(j + 1 < KH)
                def _():
                    start_l(j + 1, nb)

            return carry

        lax.fori_loop(0, (KH + NB - 1) // NB, outer, 0)
        for x in range(max(0, KH - 2), KH):
            wait_s(x, x % NB)
        plsc.subcore_barrier()

        def dbody(t, carry):
            pltpu.sync_copy(acc.at[pl.ds(s * RPT + t * CH, CH)],
                            out.at[c].at[pl.ds(s * RPT + t * CH, CH)])
            return carry

        lax.fori_loop(0, RPT // CH, dbody, 0)

    return _sc_scatter


HALVES = ((0, KCH),)
_KHS = sorted({b - a for a, b in HALVES})
_GATHERS = {k: _make_sc_gather(k) for k in _KHS}
_SCATTERS = {k: _make_sc_scatter(k) for k in _KHS}


def _node_mlp(x, pos, parts_list, wn1xT, wn1aT, bn1, gn1, tn1, wn2T, bn2):
    blk = 1000
    grid = N // blk
    row = lambda i: (0, 0)
    nparts = len(parts_list)

    def body(*refs):
        x_ref, pos_ref = refs[0], refs[1]
        p_refs = refs[2:2 + nparts]
        (wn1xT_ref, wn1aT_ref, bn1_ref, gn1_ref, tn1_ref, wn2T_ref,
         bn2_ref) = refs[2 + nparts:2 + nparts + 7]
        xo_ref, po_ref = refs[-2], refs[-1]
        x_ = x_ref[...]
        agg = p_refs[0][0, :, 0:H] + p_refs[0][1, :, 0:H]
        dpos = p_refs[0][0, :, H:H + 3] + p_refs[0][1, :, H:H + 3]
        for p in p_refs[1:]:
            agg = agg + p[0, :, 0:H] + p[1, :, 0:H]
            dpos = dpos + p[0, :, H:H + 3] + p[1, :, H:H + 3]
        z = (jnp.dot(x_, wn1xT_ref[...], preferred_element_type=jnp.float32,
                     precision=_HIGH)
             + jnp.dot(agg, wn1aT_ref[...],
                       preferred_element_type=jnp.float32, precision=_HIGH)
             + bn1_ref[...])
        u = _ln(_silu(z), gn1_ref[...], tn1_ref[...])
        xo_ref[...] = x_ + jnp.dot(u, wn2T_ref[...],
                                   preferred_element_type=jnp.float32,
                                   precision=_HIGH) + bn2_ref[...]
        po_ref[...] = pos_ref[...] + dpos

    return pl.pallas_call(
        body,
        grid=(grid,),
        in_specs=[
            pl.BlockSpec((blk, F), lambda i: (i, 0)),
            pl.BlockSpec((blk, 3), lambda i: (i, 0)),
        ] + [pl.BlockSpec((NC, blk, RW), lambda i: (0, i, 0))
             for _ in range(nparts)] + [
            pl.BlockSpec((F, H), row),
            pl.BlockSpec((H, H), row),
            pl.BlockSpec((1, H), row),
            pl.BlockSpec((1, H), row),
            pl.BlockSpec((1, H), row),
            pl.BlockSpec((H, F), row),
            pl.BlockSpec((1, F), row),
        ],
        out_specs=[
            pl.BlockSpec((blk, F), lambda i: (i, 0)),
            pl.BlockSpec((blk, 3), lambda i: (i, 0)),
        ],
        out_shape=[
            jax.ShapeDtypeStruct((N, F), jnp.float32),
            jax.ShapeDtypeStruct((N, 3), jnp.float32),
        ],
    )(x, pos, *parts_list, wn1xT, wn1aT, bn1, gn1, tn1, wn2T, bn2)


def kernel(x, pos, edge_index, edge_attr, W_e1, b_e1, g_e1, t_e1, W_e2, b_e2,
           g_e2, t_e2, W_n1, b_n1, g_n1, t_n1, W_n2, b_n2, W_c1, b_c1, W_c2,
           b_c2):
    f32 = jnp.float32
    wa = W_e1[:, 0:F]
    wb = W_e1[:, F:2 * F]
    weaT = W_e1[:, 2 * F:2 * F + ED].T
    wr2 = W_e1[:, 2 * F + ED:2 * F + ED + 1].T
    eye3 = jnp.eye(3, dtype=f32)
    ma = jnp.zeros((136, RW), f32)
    ma = ma.at[0:F, 0:H].set(wa.T).at[F:F + 3, H:H + 3].set(-eye3)
    mb = jnp.zeros((136, RW), f32)
    mb = mb.at[0:F, 0:H].set(wb.T).at[F:F + 3, H:H + 3].set(eye3)

    xe = jnp.concatenate([x, pos], axis=1)
    xe = jnp.pad(xe, ((0, N_pad - N), (0, 136 - (F + 3))))

    pad_e = E_pad - E
    src = jnp.pad(edge_index[0], (0, pad_e), constant_values=N)
    dst = jnp.pad(edge_index[1], (0, pad_e), constant_values=N)
    src3 = src.reshape(NW, KCH, CH)
    dst3 = dst.reshape(NW, KCH, CH)
    ea4 = jnp.pad(edge_attr, ((0, pad_e), (0, 0))).reshape(NW, KCH, CH, ED)

    wea = W_e1[:, 2 * F:2 * F + ED]
    wr2c = W_e1[:, 2 * F + ED:2 * F + ED + 1]
    col = lambda v: v.reshape(H, 1)

    ta, tb = _build_tables(xe, ma, mb)
    parts_list = []
    for a, b in HALVES:
        kh = b - a
        hrel_h = _GATHERS[kh](ta, tb, src3[:, a:b], dst3[:, a:b])
        mtr_h = _edge_mlp(
            hrel_h, ea4[:, a:b].reshape(-1, ED), wea, wr2c,
            col(b_e1), col(g_e1), col(t_e1), W_e2, col(b_e2), col(g_e2),
            col(t_e2), W_c1, col(b_c1), W_c2, b_c2.reshape(1, 1))
        parts_list.append(_SCATTERS[kh](mtr_h, dst3[:, a:b]))
    x_new, pos_new = _node_mlp(
        x, pos, parts_list,
        W_n1[:, 0:F].T, W_n1[:, F:F + H].T, b_n1.reshape(1, H),
        g_n1.reshape(1, H), t_n1.reshape(1, H), W_n2.T, b_n2.reshape(1, F))
    return (x_new, pos_new)

# --- scband reference (transcript-rebuilt; emitter-appended) ---
"""Pipeline reference for scband-egnnlayer-30176440221913 (READ-ONLY COPY).

The authoritative reference and input builder live on the scoring server;
editing this copy changes nothing except your own understanding.
"""

import jax, jax.numpy as jnp
import numpy as np

N, E, F, ED, H = 10000, 320000, 128, 4, 32

def _silu(x):
    return x * jax.nn.sigmoid(x)

def _ln(x, g, b):
    m = jnp.mean(x, axis=-1, keepdims=True)
    v = jnp.var(x, axis=-1, keepdims=True)
    return (x - m) * jax.lax.rsqrt(v + 1e-5) * g + b

def setup_inputs(seed: int = 0):
    key = jax.random.key(seed)
    ks = jax.random.split(key, 16)
    def lin(k, fi, fo):
        s = 1.0 / np.sqrt(fi)
        k1, k2 = jax.random.split(k)
        W = jax.random.uniform(k1, (fo, fi), minval=-s, maxval=s, dtype=jnp.float32)
        b = jax.random.uniform(k2, (fo,), minval=-s, maxval=s, dtype=jnp.float32)
        return W, b
    W_e1, b_e1 = lin(ks[0], 2 * F + ED + 1, H)
    W_e2, b_e2 = lin(ks[1], H, H)
    W_n1, b_n1 = lin(ks[2], F + H, H)
    W_n2, b_n2 = lin(ks[3], H, F)
    W_c1, b_c1 = lin(ks[4], H, H)
    lim = 0.001 * np.sqrt(6.0 / (H + 1))
    W_c2 = jax.random.uniform(ks[5], (1, H), minval=-lim, maxval=lim, dtype=jnp.float32)
    b_c2 = jnp.zeros((1,), dtype=jnp.float32)
    return {
        "x": jax.random.normal(ks[6], (N, F), dtype=jnp.float32),
        "pos": jax.random.normal(ks[7], (N, 3), dtype=jnp.float32),
        "edge_index": jax.random.randint(ks[8], (2, E), 0, N, dtype=jnp.int32),
        "edge_attr": jax.random.normal(ks[9], (E, ED), dtype=jnp.float32),
        "W_e1": W_e1, "b_e1": b_e1, "g_e1": jnp.ones((H,), jnp.float32), "t_e1": jnp.zeros((H,), jnp.float32),
        "W_e2": W_e2, "b_e2": b_e2, "g_e2": jnp.ones((H,), jnp.float32), "t_e2": jnp.zeros((H,), jnp.float32),
        "W_n1": W_n1, "b_n1": b_n1, "g_n1": jnp.ones((H,), jnp.float32), "t_n1": jnp.zeros((H,), jnp.float32),
        "W_n2": W_n2, "b_n2": b_n2,
        "W_c1": W_c1, "b_c1": b_c1, "W_c2": W_c2, "b_c2": b_c2,
    }

def reference(x, pos, edge_index, edge_attr, W_e1, b_e1, g_e1, t_e1, W_e2, b_e2, g_e2, t_e2, W_n1, b_n1, g_n1, t_n1, W_n2, b_n2, W_c1, b_c1, W_c2, b_c2):
    src = edge_index[0]
    dst = edge_index[1]
    rel = pos[dst] - pos[src]
    r2 = jnp.sum(rel * rel, axis=-1, keepdims=True)
    h = jnp.concatenate([x[src], x[dst], edge_attr, r2], axis=-1)
    h = _ln(_silu(h @ W_e1.T + b_e1), g_e1, t_e1)
    m = _ln(_silu(h @ W_e2.T + b_e2), g_e2, t_e2)
    agg_m = jnp.zeros((x.shape[0], m.shape[1]), dtype=x.dtype).at[dst].add(m)
    u = jnp.concatenate([x, agg_m], axis=-1)
    u = _ln(_silu(u @ W_n1.T + b_n1), g_n1, t_n1)
    x_new = x + u @ W_n2.T + b_n2
    c = _silu(m @ W_c1.T + b_c1) @ W_c2.T + b_c2
    trans = rel * c
    pos_new = pos + jnp.zeros_like(pos).at[dst].add(trans)
    return (x_new, pos_new)

if __name__ == "__main__":
    import jax
    _d = setup_inputs()
    print(jax.jit(kernel)(*tuple(_d.values())))

</pallas_src>

<mosaic_0001>
#map = affine_map<(d0, d1) -> (0, 0)>
#map1 = affine_map<(d0, d1) -> (0, 0, 0)>
module attributes {stable_mosaic.version = 14 : i64} {
  func.func @_sc_gather(%arg0: i32, %arg1: i32, %arg2: memref<10240x128xf32, #tpu.memory_space<hbm>>, %arg3: memref<10240x128xf32, #tpu.memory_space<hbm>>, %arg4: memref<32x79x128xi32, #tpu.memory_space<hbm>>, %arg5: memref<32x79x128xi32, #tpu.memory_space<hbm>>, %arg6: memref<323584x128xf32, #tpu.memory_space<hbm>>, %arg7: memref<79x128xi32, #tpu.memory_space<vmem>>, %arg8: memref<79x128xi32, #tpu.memory_space<vmem>>, %arg9: memref<128x128xf32, #tpu.memory_space<vmem>>, %arg10: memref<128x128xf32, #tpu.memory_space<vmem>>, %arg11: memref<128x128xf32, #tpu.memory_space<vmem>>, %arg12: memref<128x128xf32, #tpu.memory_space<vmem>>, %arg13: memref<!tpu.dma_semaphore, #tpu.memory_space<semaphore_mem>>, %arg14: memref<!tpu.dma_semaphore, #tpu.memory_space<semaphore_mem>>, %arg15: memref<!tpu.dma_semaphore, #tpu.memory_space<semaphore_mem>>, %arg16: memref<!tpu.dma_semaphore, #tpu.memory_space<semaphore_mem>>) attributes {dimension_semantics = [#tpu.dimension_semantics<core_parallel>, #tpu.dimension_semantics<subcore_parallel>], iteration_bounds = array<i64: 2, 16>, scalar_prefetch = 0 : i64, scratch_operands = 10 : i64, tpu.core_type = #tpu.core_type<sc_vector_subcore>, window_params = [{transform_indices = #map}, {transform_indices = #map}, {transform_indices = #map1}, {transform_indices = #map1}, {transform_indices = #map}]} {
    %mul3A = arith.constant 2 : i32
    %mul3A_0 = arith.muli %arg1, %mul3A : i32
    %add3A = arith.addi %mul3A_0, %arg0 : i32
    "tpu.region"() ({
      %run_scoped3A = tpu.sem_alloc : memref<!tpu.dma_semaphore, #tpu.memory_space<semaphore_mem>>
      %dma_start3A_71 = arith.constant 0 : i32
      %dma_start3A_72 = arith.constant 0 : i32
      %dma_start3A_73 = tpu.memref_slice %arg4[%add3A, %dma_start3A_71, %dma_start3A_72] : memref<32x79x128xi32, #tpu.memory_space<hbm>> -> memref<1x79x128xi32, #tpu.memory_space<hbm>>
      %dma_start3A_74 = tpu.memref_squeeze %dma_start3A_73 : memref<1x79x128xi32, #tpu.memory_space<hbm>> -> memref<79x128xi32, #tpu.memory_space<hbm>>
      %dma_start3A_75 = arith.constant 0 : i32
      %dma_start3A_76 = arith.constant 0 : i32
      %dma_start3A_77 = tpu.memref_slice %arg4[%add3A, %dma_start3A_75, %dma_start3A_76] : memref<32x79x128xi32, #tpu.memory_space<hbm>> -> memref<1x79x128xi32, #tpu.memory_space<hbm>>
      %dma_start3A_78 = tpu.memref_squeeze %dma_start3A_77 : memref<1x79x128xi32, #tpu.memory_space<hbm>> -> memref<79x128xi32, #tpu.memory_space<hbm>>
      tpu.enqueue_dma source(%dma_start3A_78 : memref<79x128xi32, #tpu.memory_space<hbm>>) target(%arg7 : memref<79x128xi32, #tpu.memory_space<vmem>>) target_semaphore(%run_scoped3A : memref<!tpu.dma_semaphore, #tpu.memory_space<semaphore_mem>>)
      %dma_wait3A_79 = arith.constant 0 : i32
      %dma_wait3A_80 = arith.constant 0 : i32
      %dma_wait3A_81 = tpu.memref_slice %arg4[%add3A, %dma_wait3A_79, %dma_wait3A_80] : memref<32x79x128xi32, #tpu.memory_space<hbm>> -> memref<1x79x128xi32, #tpu.memory_space<hbm>>
      %dma_wait3A_82 = tpu.memref_squeeze %dma_wait3A_81 : memref<1x79x128xi32, #tpu.memory_space<hbm>> -> memref<79x128xi32, #tpu.memory_space<hbm>>
      %dma_wait3A_83 = arith.constant 0 : i32
      %dma_wait3A_84 = arith.constant 0 : i32
      %dma_wait3A_85 = tpu.memref_slice %arg4[%add3A, %dma_wait3A_83, %dma_wait3A_84] : memref<32x79x128xi32, #tpu.memory_space<hbm>> -> memref<1x79x128xi32, #tpu.memory_space<hbm>>
      %dma_wait3A_86 = tpu.memref_squeeze %dma_wait3A_85 : memref<1x79x128xi32, #tpu.memory_space<hbm>> -> memref<79x128xi32, #tpu.memory_space<hbm>>
      tpu.wait_dma2 semaphore(%run_scoped3A : memref<!tpu.dma_semaphore, #tpu.memory_space<semaphore_mem>>) src(%dma_wait3A_86 : memref<79x128xi32, #tpu.memory_space<hbm>>) dst(%arg7 : memref<79x128xi32, #tpu.memory_space<vmem>>)
      tpu.yield
    }) : () -> ()
    "tpu.region"() ({
      %run_scoped3A = tpu.sem_alloc : memref<!tpu.dma_semaphore, #tpu.memory_space<semaphore_mem>>
      %dma_start3A_71 = arith.constant 0 : i32
      %dma_start3A_72 = arith.constant 0 : i32
      %dma_start3A_73 = tpu.memref_slice %arg5[%add3A, %dma_start3A_71, %dma_start3A_72] : memref<32x79x128xi32, #tpu.memory_space<hbm>> -> memref<1x79x128xi32, #tpu.memory_space<hbm>>
      %dma_start3A_74 = tpu.memref_squeeze %dma_start3A_73 : memref<1x79x128xi32, #tpu.memory_space<hbm>> -> memref<79x128xi32, #tpu.memory_space<hbm>>
      %dma_start3A_75 = arith.constant 0 : i32
      %dma_start3A_76 = arith.constant 0 : i32
      %dma_start3A_77 = tpu.memref_slice %arg5[%add3A, %dma_start3A_75, %dma_start3A_76] : memref<32x79x128xi32, #tpu.memory_space<hbm>> -> memref<1x79x128xi32, #tpu.memory_space<hbm>>
      %dma_start3A_78 = tpu.memref_squeeze %dma_start3A_77 : memref<1x79x128xi32, #tpu.memory_space<hbm>> -> memref<79x128xi32, #tpu.memory_space<hbm>>
      tpu.enqueue_dma source(%dma_start3A_78 : memref<79x128xi32, #tpu.memory_space<hbm>>) target(%arg8 : memref<79x128xi32, #tpu.memory_space<vmem>>) target_semaphore(%run_scoped3A : memref<!tpu.dma_semaphore, #tpu.memory_space<semaphore_mem>>)
      %dma_wait3A_79 = arith.constant 0 : i32
      %dma_wait3A_80 = arith.constant 0 : i32
      %dma_wait3A_81 = tpu.memref_slice %arg5[%add3A, %dma_wait3A_79, %dma_wait3A_80] : memref<32x79x128xi32, #tpu.memory_space<hbm>> -> memref<1x79x128xi32, #tpu.memory_space<hbm>>
      %dma_wait3A_82 = tpu.memref_squeeze %dma_wait3A_81 : memref<1x79x128xi32, #tpu.memory_space<hbm>> -> memref<79x128xi32, #tpu.memory_space<hbm>>
      %dma_wait3A_83 = arith.constant 0 : i32
      %dma_wait3A_84 = arith.constant 0 : i32
      %dma_wait3A_85 = tpu.memref_slice %arg5[%add3A, %dma_wait3A_83, %dma_wait3A_84] : memref<32x79x128xi32, #tpu.memory_space<hbm>> -> memref<1x79x128xi32, #tpu.memory_space<hbm>>
      %dma_wait3A_86 = tpu.memref_squeeze %dma_wait3A_85 : memref<1x79x128xi32, #tpu.memory_space<hbm>> -> memref<79x128xi32, #tpu.memory_space<hbm>>
      tpu.wait_dma2 semaphore(%run_scoped3A : memref<!tpu.dma_semaphore, #tpu.memory_space<semaphore_mem>>) src(%dma_wait3A_86 : memref<79x128xi32, #tpu.memory_space<hbm>>) dst(%arg8 : memref<79x128xi32, #tpu.memory_space<vmem>>)
      tpu.yield
    }) : () -> ()
    %dma_start3A = arith.constant 0 : i32
    %dma_start3A_1 = arith.constant 0 : i32
    %dma_start3A_2 = tpu.memref_slice %arg7[%dma_start3A, %dma_start3A_1] : memref<79x128xi32, #tpu.memory_space<vmem>> -> memref<1x128xi32, #tpu.memory_space<vmem>>
    %dma_start3A_3 = tpu.memref_squeeze %dma_start3A_2 : memref<1x128xi32, #tpu.memory_space<vmem>> -> memref<128xi32, #tpu.memory_space<vmem>>
    %dma_start3A_4 = arith.constant 0 : i32
    %dma_start3A_5 = arith.constant 0 : i32
    %dma_start3A_6 = tpu.memref_slice %arg2[%dma_start3A_4, %dma_start3A_5] : memref<10240x128xf32, #tpu.memory_space<hbm>> -> memref<10240x128xf32, #tpu.memory_space<hbm>>
    tpu.enqueue_indirect_dma source(%dma_start3A_6 : memref<10240x128xf32, #tpu.memory_space<hbm>>) target(%arg9 : memref<128x128xf32, #tpu.memory_space<vmem>>) offsets(%dma_start3A_3 : memref<128xi32, #tpu.memory_space<vmem>>) semaphore(%arg13 : memref<!tpu.dma_semaphore, #tpu.memory_space<semaphore_mem>>)
    %dma_start3A_7 = arith.constant 1 : i32
    %dma_start3A_8 = arith.constant 0 : i32
    %dma_start3A_9 = tpu.memref_slice %arg7[%dma_start3A_7, %dma_start3A_8] : memref<79x128xi32, #tpu.memory_space<vmem>> -> memref<1x128xi32, #tpu.memory_space<vmem>>
    %dma_start3A_10 = tpu.memref_squeeze %dma_start3A_9 : memref<1x128xi32, #tpu.memory_space<vmem>> -> memref<128xi32, #tpu.memory_space<vmem>>
    %dma_start3A_11 = arith.constant 0 : i32
    %dma_start3A_12 = arith.constant 0 : i32
    %dma_start3A_13 = tpu.memref_slice %arg2[%dma_start3A_11, %dma_start3A_12] : memref<10240x128xf32, #tpu.memory_space<hbm>> -> memref<10240x128xf32, #tpu.memory_space<hbm>>
    tpu.enqueue_indirect_dma source(%dma_start3A_13 : memref<10240x128xf32, #tpu.memory_space<hbm>>) target(%arg10 : memref<128x128xf32, #tpu.memory_space<vmem>>) offsets(%dma_start3A_10 : memref<128xi32, #tpu.memory_space<vmem>>) semaphore(%arg14 : memref<!tpu.dma_semaphore, #tpu.memory_space<semaphore_mem>>)
    %dma_start3A_14 = arith.constant 2 : i32
    %dma_start3A_15 = arith.constant 0 : i32
    %dma_start3A_16 = tpu.memref_slice %arg7[%dma_start3A_14, %dma_start3A_15] : memref<79x128xi32, #tpu.memory_space<vmem>> -> memref<1x128xi32, #tpu.memory_space<vmem>>
    %dma_start3A_17 = tpu.memref_squeeze %dma_start3A_16 : memref<1x128xi32, #tpu.memory_space<vmem>> -> memref<128xi32, #tpu.memory_space<vmem>>
    %dma_start3A_18 = arith.constant 0 : i32
    %dma_start3A_19 = arith.constant 0 : i32
    %dma_start3A_20 = tpu.memref_slice %arg2[%dma_start3A_18, %dma_start3A_19] : memref<10240x128xf32, #tpu.memory_space<hbm>> -> memref<10240x128xf32, #tpu.memory_space<hbm>>
    tpu.enqueue_indirect_dma source(%dma_start3A_20 : memref<10240x128xf32, #tpu.memory_space<hbm>>) target(%arg11 : memref<128x128xf32, #tpu.memory_space<vmem>>) offsets(%dma_start3A_17 : memref<128xi32, #tpu.memory_space<vmem>>) semaphore(%arg15 : memref<!tpu.dma_semaphore, #tpu.memory_space<semaphore_mem>>)
    %dma_wait3A = arith.constant 0 : i32
    %dma_wait3A_21 = arith.constant 0 : i32
    %dma_wait3A_22 = tpu.memref_slice %arg7[%dma_wait3A, %dma_wait3A_21] : memref<79x128xi32, #tpu.memory_space<vmem>> -> memref<1x128xi32, #tpu.memory_space<vmem>>
    %dma_wait3A_23 = tpu.memref_squeeze %dma_wait3A_22 : memref<1x128xi32, #tpu.memory_space<vmem>> -> memref<128xi32, #tpu.memory_space<vmem>>
    %dma_wait3A_24 = arith.constant 0 : i32
    %dma_wait3A_25 = arith.constant 0 : i32
    %dma_wait3A_26 = tpu.memref_slice %arg2[%dma_wait3A_24, %dma_wait3A_25] : memref<10240x128xf32, #tpu.memory_space<hbm>> -> memref<10240x128xf32, #tpu.memory_space<hbm>>
    tpu.wait_indirect_dma semaphore(%arg13 : memref<!tpu.dma_semaphore, #tpu.memory_space<semaphore_mem>>) src(%dma_wait3A_26 : memref<10240x128xf32, #tpu.memory_space<hbm>>) dst(%arg9 : memref<128x128xf32, #tpu.memory_space<vmem>>)
    %dma_start3A_27 = arith.constant 0 : i32
    %dma_start3A_28 = arith.constant 0 : i32
    %dma_start3A_29 = tpu.memref_slice %arg8[%dma_start3A_27, %dma_start3A_28] : memref<79x128xi32, #tpu.memory_space<vmem>> -> memref<1x128xi32, #tpu.memory_space<vmem>>
    %dma_start3A_30 = tpu.memref_squeeze %dma_start3A_29 : memref<1x128xi32, #tpu.memory_space<vmem>> -> memref<128xi32, #tpu.memory_space<vmem>>
    %dma_start3A_31 = arith.constant 0 : i32
    %dma_start3A_32 = arith.constant 0 : i32
    %dma_start3A_33 = tpu.memref_slice %arg3[%dma_start3A_31, %dma_start3A_32] : memref<10240x128xf32, #tpu.memory_space<hbm>> -> memref<10240x128xf32, #tpu.memory_space<hbm>>
    tpu.enqueue_indirect_dma source(%dma_start3A_33 : memref<10240x128xf32, #tpu.memory_space<hbm>>) target(%arg9 : memref<128x128xf32, #tpu.memory_space<vmem>>) offsets(%dma_start3A_30 : memref<128xi32, #tpu.memory_space<vmem>>) semaphore(%arg13 : memref<!tpu.dma_semaphore, #tpu.memory_space<semaphore_mem>>) {add = true}
    %scan3A = arith.constant 0 : i32
    %scan3A_34 = arith.constant 0 : i32
    %scan3A_35 = arith.constant 20 : i32
    %scan3A_36 = arith.addi %scan3A_34, %scan3A_35 : i32
    %scan3A_37 = arith.constant 1 : i32
    scf.for %scan3A_71 = %scan3A_34 to %scan3A_36 step %scan3A_37  : i32 {
      %mul3A_72 = arith.constant 4 : i32
      %mul3A_73 = arith.muli %scan3A_71, %mul3A_72 : i32
      %add3A_74 = arith.constant 0 : i32
      %add3A_75 = arith.addi %mul3A_73, %add3A_74 : i32
      %lt3A = arith.constant 79 : i32
      %lt3A_76 = arith.cmpi slt, %add3A_75, %lt3A : i32
      %convert_element_type3A = arith.extui %lt3A_76 : i1 to i32
      %cond3A = arith.constant 0 : i32
      %cond3A_77 = arith.cmpi ne, %convert_element_type3A, %cond3A : i32
      scf.if %cond3A_77 {
        %dma_wait3A_190 = arith.constant 0 : i32
        %dma_wait3A_191 = arith.constant 0 : i32
        %dma_wait3A_192 = tpu.memref_slice %arg7[%dma_wait3A_190, %dma_wait3A_191] : memref<79x128xi32, #tpu.memory_space<vmem>> -> memref<1x128xi32, #tpu.memory_space<vmem>>
        %dma_wait3A_193 = tpu.memref_squeeze %dma_wait3A_192 : memref<1x128xi32, #tpu.memory_space<vmem>> -> memref<128xi32, #tpu.memory_space<vmem>>
        %dma_wait3A_194 = arith.constant 0 : i32
        %dma_wait3A_195 = arith.constant 0 : i32
        %dma_wait3A_196 = tpu.memref_slice %arg2[%dma_wait3A_194, %dma_wait3A_195] : memref<10240x128xf32, #tpu.memory_space<hbm>> -> memref<10240x128xf32, #tpu.memory_space<hbm>>
        tpu.wait_indirect_dma semaphore(%arg13 : memref<!tpu.dma_semaphore, #tpu.memory_space<semaphore_mem>>) src(%dma_wait3A_196 : memref<10240x128xf32, #tpu.memory_space<hbm>>) dst(%arg9 : memref<128x128xf32, #tpu.memory_space<vmem>>)
        %mul3A_197 = arith.constant 10112 : i32
        %mul3A_198 = arith.muli %add3A, %mul3A_197 : i32
        %mul3A_199 = arith.constant 128 : i32
        %mul3A_200 = arith.muli %add3A_75, %mul3A_199 : i32
        %add3A_201 = arith.addi %mul3A_198, %mul3A_200 : i32
        %dma_start3A_202 = arith.constant 0 : i32
        %dma_start3A_203 = tpu.memref_slice %arg6[%add3A_201, %dma_start3A_202] : memref<323584x128xf32, #tpu.memory_space<hbm>> -> memref<128x128xf32, #tpu.memory_space<hbm>>
        %dma_start3A_204 = arith.constant 0 : i32
        %dma_start3A_205 = tpu.memref_slice %arg6[%add3A_201, %dma_start3A_204] : memref<323584x128xf32, #tpu.memory_space<hbm>> -> memref<128x128xf32, #tpu.memory_space<hbm>>
        tpu.enqueue_dma source(%arg9 : memref<128x128xf32, #tpu.memory_space<vmem>>) target(%dma_start3A_205 : memref<128x128xf32, #tpu.memory_space<hbm>>) target_semaphore(%arg13 : memref<!tpu.dma_semaphore, #tpu.memory_space<semaphore_mem>>)
      } else {
      }
      %add3A_78 = arith.constant 1 : i32
      %add3A_79 = arith.addi %add3A_75, %add3A_78 : i32
      %lt3A_80 = arith.constant 79 : i32
      %lt3A_81 = arith.cmpi slt, %add3A_79, %lt3A_80 : i32
      %convert_element_type3A_82 = arith.extui %lt3A_81 : i1 to i32
      %cond3A_83 = arith.constant 0 : i32
      %cond3A_84 = arith.cmpi ne, %convert_element_type3A_82, %cond3A_83 : i32
      scf.if %cond3A_84 {
        %dma_wait3A_190 = arith.constant 0 : i32
        %dma_wait3A_191 = arith.constant 0 : i32
        %dma_wait3A_192 = tpu.memref_slice %arg7[%dma_wait3A_190, %dma_wait3A_191] : memref<79x128xi32, #tpu.memory_space<vmem>> -> memref<1x128xi32, #tpu.memory_space<vmem>>
        %dma_wait3A_193 = tpu.memref_squeeze %dma_wait3A_192 : memref<1x128xi32, #tpu.memory_space<vmem>> -> memref<128xi32, #tpu.memory_space<vmem>>
        %dma_wait3A_194 = arith.constant 0 : i32
        %dma_wait3A_195 = arith.constant 0 : i32
        %dma_wait3A_196 = tpu.memref_slice %arg2[%dma_wait3A_194, %dma_wait3A_195] : memref<10240x128xf32, #tpu.memory_space<hbm>> -> memref<10240x128xf32, #tpu.memory_space<hbm>>
        tpu.wait_indirect_dma semaphore(%arg14 : memref<!tpu.dma_semaphore, #tpu.memory_space<semaphore_mem>>) src(%dma_wait3A_196 : memref<10240x128xf32, #tpu.memory_space<hbm>>) dst(%arg10 : memref<128x128xf32, #tpu.memory_space<vmem>>)
        %add3A_197 = arith.constant 1 : i32
        %add3A_198 = arith.addi %add3A_75, %add3A_197 : i32
        %dma_start3A_199 = arith.constant 0 : i32
        %dma_start3A_200 = tpu.memref_slice %arg8[%add3A_198, %dma_start3A_199] : memref<79x128xi32, #tpu.memory_space<vmem>> -> memref<1x128xi32, #tpu.memory_space<vmem>>
        %dma_start3A_201 = tpu.memref_squeeze %dma_start3A_200 : memref<1x128xi32, #tpu.memory_space<vmem>> -> memref<128xi32, #tpu.memory_space<vmem>>
        %dma_start3A_202 = arith.constant 0 : i32
        %dma_start3A_203 = arith.constant 0 : i32
        %dma_start3A_204 = tpu.memref_slice %arg3[%dma_start3A_202, %dma_start3A_203] : memref<10240x128xf32, #tpu.memory_space<hbm>> -> memref<10240x128xf32, #tpu.memory_space<hbm>>
        tpu.enqueue_indirect_dma source(%dma_start3A_204 : memref<10240x128xf32, #tpu.memory_space<hbm>>) target(%arg10 : memref<128x128xf32, #tpu.memory_space<vmem>>) offsets(%dma_start3A_201 : memref<128xi32, #tpu.memory_space<vmem>>) semaphore(%arg14 : memref<!tpu.dma_semaphore, #tpu.memory_space<semaphore_mem>>) {add = true}
      } else {
      }
      %eq3A = arith.constant 0 : i32
      %eq3A_85 = arith.cmpi eq, %add3A_75, %eq3A : i32
      %convert_element_type3A_86 = arith.extui %eq3A_85 : i1 to i32
      %cond3A_87 = arith.constant 0 : i32
      %cond3A_88 = arith.cmpi ne, %convert_element_type3A_86, %cond3A_87 : i32
      scf.if %cond3A_88 {
        %dma_start3A_190 = arith.constant 3 : i32
        %dma_start3A_191 = arith.constant 0 : i32
        %dma_start3A_192 = tpu.memref_slice %arg7[%dma_start3A_190, %dma_start3A_191] : memref<79x128xi32, #tpu.memory_space<vmem>> -> memref<1x128xi32, #tpu.memory_space<vmem>>
        %dma_start3A_193 = tpu.memref_squeeze %dma_start3A_192 : memref<1x128xi32, #tpu.memory_space<vmem>> -> memref<128xi32, #tpu.memory_space<vmem>>
        %dma_start3A_194 = arith.constant 0 : i32
        %dma_start3A_195 = arith.constant 0 : i32
        %dma_start3A_196 = tpu.memref_slice %arg2[%dma_start3A_194, %dma_start3A_195] : memref<10240x128xf32, #tpu.memory_space<hbm>> -> memref<10240x128xf32, #tpu.memory_space<hbm>>
        tpu.enqueue_indirect_dma source(%dma_start3A_196 : memref<10240x128xf32, #tpu.memory_space<hbm>>) target(%arg12 : memref<128x128xf32, #tpu.memory_space<vmem>>) offsets(%dma_start3A_193 : memref<128xi32, #tpu.memory_space<vmem>>) semaphore(%arg16 : memref<!tpu.dma_semaphore, #tpu.memory_space<semaphore_mem>>)
      } else {
      }
      %ge3A = arith.constant 1 : i32
      %ge3A_89 = arith.cmpi sge, %add3A_75, %ge3A : i32
      %add3A_90 = arith.constant 3 : i32
      %add3A_91 = arith.addi %add3A_75, %add3A_90 : i32
      %lt3A_92 = arith.constant 79 : i32
      %lt3A_93 = arith.cmpi slt, %add3A_91, %lt3A_92 : i32
      %and3A = arith.andi %ge3A_89, %lt3A_93 : i1
      %convert_element_type3A_94 = arith.extui %and3A : i1 to i32
      %cond3A_95 = arith.constant 0 : i32
      %cond3A_96 = arith.cmpi ne, %convert_element_type3A_94, %cond3A_95 : i32
      scf.if %cond3A_96 {
        %sub3A = arith.constant 1 : i32
        %sub3A_190 = arith.subi %add3A_75, %sub3A : i32
        %mul3A_191 = arith.constant 10112 : i32
        %mul3A_192 = arith.muli %add3A, %mul3A_191 : i32
        %mul3A_193 = arith.constant 128 : i32
        %mul3A_194 = arith.muli %sub3A_190, %mul3A_193 : i32
        %add3A_195 = arith.addi %mul3A_192, %mul3A_194 : i32
        %dma_wait3A_196 = arith.constant 0 : i32
        %dma_wait3A_197 = tpu.memref_slice %arg6[%add3A_195, %dma_wait3A_196] : memref<323584x128xf32, #tpu.memory_space<hbm>> -> memref<128x128xf32, #tpu.memory_space<hbm>>
        %dma_wait3A_198 = arith.constant 0 : i32
        %dma_wait3A_199 = tpu.memref_slice %arg6[%add3A_195, %dma_wait3A_198] : memref<323584x128xf32, #tpu.memory_space<hbm>> -> memref<128x128xf32, #tpu.memory_space<hbm>>
        tpu.wait_dma2 semaphore(%arg16 : memref<!tpu.dma_semaphore, #tpu.memory_space<semaphore_mem>>) src(%arg12 : memref<128x128xf32, #tpu.memory_space<vmem>>) dst(%dma_wait3A_199 : memref<128x128xf32, #tpu.memory_space<hbm>>)
        %add3A_200 = arith.constant 3 : i32
        %add3A_201 = arith.addi %add3A_75, %add3A_200 : i32
        %dma_start3A_202 = arith.constant 0 : i32
        %dma_start3A_203 = tpu.memref_slice %arg7[%add3A_201, %dma_start3A_202] : memref<79x128xi32, #tpu.memory_space<vmem>> -> memref<1x128xi32, #tpu.memory_space<vmem>>
        %dma_start3A_204 = tpu.memref_squeeze %dma_start3A_203 : memref<1x128xi32, #tpu.memory_space<vmem>> -> memref<128xi32, #tpu.memory_space<vmem>>
        %dma_start3A_205 = arith.constant 0 : i32
        %dma_start3A_206 = arith.constant 0 : i32
        %dma_start3A_207 = tpu.memref_slice %arg2[%dma_start3A_205, %dma_start3A_206] : memref<10240x128xf32, #tpu.memory_space<hbm>> -> memref<10240x128xf32, #tpu.memory_space<hbm>>
        tpu.enqueue_indirect_dma source(%dma_start3A_207 : memref<10240x128xf32, #tpu.memory_space<hbm>>) target(%arg12 : memref<128x128xf32, #tpu.memory_space<vmem>>) offsets(%dma_start3A_204 : memref<128xi32, #tpu.memory_space<vmem>>) semaphore(%arg16 : memref<!tpu.dma_semaphore, #tpu.memory_space<semaphore_mem>>)
      } else {
      }
      %mul3A_97 = arith.constant 4 : i32
      %mul3A_98 = arith.muli %scan3A_71, %mul3A_97 : i32
      %add3A_99 = arith.constant 1 : i32
      %add3A_100 = arith.addi %mul3A_98, %add3A_99 : i32
      %lt3A_101 = arith.constant 79 : i32
      %lt3A_102 = arith.cmpi slt, %add3A_100, %lt3A_101 : i32
      %convert_element_type3A_103 = arith.extui %lt3A_102 : i1 to i32
      %cond3A_104 = arith.constant 0 : i32
      %cond3A_105 = arith.cmpi ne, %convert_element_type3A_103, %cond3A_104 : i32
      scf.if %cond3A_105 {
        %dma_wait3A_190 = arith.constant 0 : i32
        %dma_wait3A_191 = arith.constant 0 : i32
        %dma_wait3A_192 = tpu.memref_slice %arg7[%dma_wait3A_190, %dma_wait3A_191] : memref<79x128xi32, #tpu.memory_space<vmem>> -> memref<1x128xi32, #tpu.memory_space<vmem>>
        %dma_wait3A_193 = tpu.memref_squeeze %dma_wait3A_192 : memref<1x128xi32, #tpu.memory_space<vmem>> -> memref<128xi32, #tpu.memory_space<vmem>>
        %dma_wait3A_194 = arith.constant 0 : i32
        %dma_wait3A_195 = arith.constant 0 : i32
        %dma_wait3A_196 = tpu.memref_slice %arg2[%dma_wait3A_194, %dma_wait3A_195] : memref<10240x128xf32, #tpu.memory_space<hbm>> -> memref<10240x128xf32, #tpu.memory_space<hbm>>
        tpu.wait_indirect_dma semaphore(%arg14 : memref<!tpu.dma_semaphore, #tpu.memory_space<semaphore_mem>>) src(%dma_wait3A_196 : memref<10240x128xf32, #tpu.memory_space<hbm>>) dst(%arg10 : memref<128x128xf32, #tpu.memory_space<vmem>>)
        %mul3A_197 = arith.constant 10112 : i32
        %mul3A_198 = arith.muli %add3A, %mul3A_197 : i32
        %mul3A_199 = arith.constant 128 : i32
        %mul3A_200 = arith.muli %add3A_100, %mul3A_199 : i32
        %add3A_201 = arith.addi %mul3A_198, %mul3A_200 : i32
        %dma_start3A_202 = arith.constant 0 : i32
        %dma_start3A_203 = tpu.memref_slice %arg6[%add3A_201, %dma_start3A_202] : memref<323584x128xf32, #tpu.memory_space<hbm>> -> memref<128x128xf32, #tpu.memory_space<hbm>>
        %dma_start3A_204 = arith.constant 0 : i32
        %dma_start3A_205 = tpu.memref_slice %arg6[%add3A_201, %dma_start3A_204] : memref<323584x128xf32, #tpu.memory_space<hbm>> -> memref<128x128xf32, #tpu.memory_space<hbm>>
        tpu.enqueue_dma source(%arg10 : memref<128x128xf32, #tpu.memory_space<vmem>>) target(%dma_start3A_205 : memref<128x128xf32, #tpu.memory_space<hbm>>) target_semaphore(%arg14 : memref<!tpu.dma_semaphore, #tpu.memory_space<semaphore_mem>>)
      } else {
      }
      %add3A_106 = arith.constant 1 : i32
      %add3A_107 = arith.addi %add3A_100, %add3A_106 : i32
      %lt3A_108 = arith.constant 79 : i32
      %lt3A_109 = arith.cmpi slt, %add3A_107, %lt3A_108 : i32
      %convert_element_type3A_110 = arith.extui %lt3A_109 : i1 to i32
      %cond3A_111 = arith.constant 0 : i32
      %cond3A_112 = arith.cmpi ne, %convert_element_type3A_110, %cond3A_111 : i32
      scf.if %cond3A_112 {
        %dma_wait3A_190 = arith.constant 0 : i32
        %dma_wait3A_191 = arith.constant 0 : i32
        %dma_wait3A_192 = tpu.memref_slice %arg7[%dma_wait3A_190, %dma_wait3A_191] : memref<79x128xi32, #tpu.memory_space<vmem>> -> memref<1x128xi32, #tpu.memory_space<vmem>>
        %dma_wait3A_193 = tpu.memref_squeeze %dma_wait3A_192 : memref<1x128xi32, #tpu.memory_space<vmem>> -> memref<128xi32, #tpu.memory_space<vmem>>
        %dma_wait3A_194 = arith.constant 0 : i32
        %dma_wait3A_195 = arith.constant 0 : i32
        %dma_wait3A_196 = tpu.memref_slice %arg2[%dma_wait3A_194, %dma_wait3A_195] : memref<10240x128xf32, #tpu.memory_space<hbm>> -> memref<10240x128xf32, #tpu.memory_space<hbm>>
        tpu.wait_indirect_dma semaphore(%arg15 : memref<!tpu.dma_semaphore, #tpu.memory_space<semaphore_mem>>) src(%dma_wait3A_196 : memref<10240x128xf32, #tpu.memory_space<hbm>>) dst(%arg11 : memref<128x128xf32, #tpu.memory_space<vmem>>)
        %add3A_197 = arith.constant 1 : i32
        %add3A_198 = arith.addi %add3A_100, %add3A_197 : i32
        %dma_start3A_199 = arith.constant 0 : i32
        %dma_start3A_200 = tpu.memref_slice %arg8[%add3A_198, %dma_start3A_199] : memref<79x128xi32, #tpu.memory_space<vmem>> -> memref<1x128xi32, #tpu.memory_space<vmem>>
        %dma_start3A_201 = tpu.memref_squeeze %dma_start3A_200 : memref<1x128xi32, #tpu.memory_space<vmem>> -> memref<128xi32, #tpu.memory_space<vmem>>
        %dma_start3A_202 = arith.constant 0 : i32
        %dma_start3A_203 = arith.constant 0 : i32
        %dma_start3A_204 = tpu.memref_slice %arg3[%dma_start3A_202, %dma_start3A_203] : memref<10240x128xf32, #tpu.memory_space<hbm>> -> memref<10240x128xf32, #tpu.memory_space<hbm>>
        tpu.enqueue_indirect_dma source(%dma_start3A_204 : memref<10240x128xf32, #tpu.memory_space<hbm>>) target(%arg11 : memref<128x128xf32, #tpu.memory_space<vmem>>) offsets(%dma_start3A_201 : memref<128xi32, #tpu.memory_space<vmem>>) semaphore(%arg15 : memref<!tpu.dma_semaphore, #tpu.memory_space<semaphore_mem>>) {add = true}
      } else {
      }
      %eq3A_113 = arith.constant 0 : i32
      %eq3A_114 = arith.cmpi eq, %add3A_100, %eq3A_113 : i32
      %convert_element_type3A_115 = arith.extui %eq3A_114 : i1 to i32
      %cond3A_116 = arith.constant 0 : i32
      %cond3A_117 = arith.cmpi ne, %convert_element_type3A_115, %cond3A_116 : i32
      scf.if %cond3A_117 {
        %dma_start3A_190 = arith.constant 3 : i32
        %dma_start3A_191 = arith.constant 0 : i32
        %dma_start3A_192 = tpu.memref_slice %arg7[%dma_start3A_190, %dma_start3A_191] : memref<79x128xi32, #tpu.memory_space<vmem>> -> memref<1x128xi32, #tpu.memory_space<vmem>>
        %dma_start3A_193 = tpu.memref_squeeze %dma_start3A_192 : memref<1x128xi32, #tpu.memory_space<vmem>> -> memref<128xi32, #tpu.memory_space<vmem>>
        %dma_start3A_194 = arith.constant 0 : i32
        %dma_start3A_195 = arith.constant 0 : i32
        %dma_start3A_196 = tpu.memref_slice %arg2[%dma_start3A_194, %dma_start3A_195] : memref<10240x128xf32, #tpu.memory_space<hbm>> -> memref<10240x128xf32, #tpu.memory_space<hbm>>
        tpu.enqueue_indirect_dma source(%dma_start3A_196 : memref<10240x128xf32, #tpu.memory_space<hbm>>) target(%arg12 : memref<128x128xf32, #tpu.memory_space<vmem>>) offsets(%dma_start3A_193 : memref<128xi32, #tpu.memory_space<vmem>>) semaphore(%arg16 : memref<!tpu.dma_semaphore, #tpu.memory_space<semaphore_mem>>)
      } else {
      }
      %ge3A_118 = arith.constant 1 : i32
      %ge3A_119 = arith.cmpi sge, %add3A_100, %ge3A_118 : i32
      %add3A_120 = arith.constant 3 : i32
      %add3A_121 = arith.addi %add3A_100, %add3A_120 : i32
      %lt3A_122 = arith.constant 79 : i32
      %lt3A_123 = arith.cmpi slt, %add3A_121, %lt3A_122 : i32
      %and3A_124 = arith.andi %ge3A_119, %lt3A_123 : i1
      %convert_element_type3A_125 = arith.extui %and3A_124 : i1 to i32
      %cond3A_126 = arith.constant 0 : i32
      %cond3A_127 = arith.cmpi ne, %convert_element_type3A_125, %cond3A_126 : i32
      scf.if %cond3A_127 {
        %sub3A = arith.constant 1 : i32
        %sub3A_190 = arith.subi %add3A_100, %sub3A : i32
        %mul3A_191 = arith.constant 10112 : i32
        %mul3A_192 = arith.muli %add3A, %mul3A_191 : i32
        %mul3A_193 = arith.constant 128 : i32
        %mul3A_194 = arith.muli %sub3A_190, %mul3A_193 : i32
        %add3A_195 = arith.addi %mul3A_192, %mul3A_194 : i32
        %dma_wait3A_196 = arith.constant 0 : i32
        %dma_wait3A_197 = tpu.memref_slice %arg6[%add3A_195, %dma_wait3A_196] : memref<323584x128xf32, #tpu.memory_space<hbm>> -> memref<128x128xf32, #tpu.memory_space<hbm>>
        %dma_wait3A_198 = arith.constant 0 : i32
        %dma_wait3A_199 = tpu.memref_slice %arg6[%add3A_195, %dma_wait3A_198] : memref<323584x128xf32, #tpu.memory_space<hbm>> -> memref<128x128xf32, #tpu.memory_space<hbm>>
        tpu.wait_dma2 semaphore(%arg13 : memref<!tpu.dma_semaphore, #tpu.memory_space<semaphore_mem>>) src(%arg9 : memref<128x128xf32, #tpu.memory_space<vmem>>) dst(%dma_wait3A_199 : memref<128x128xf32, #tpu.memory_space<hbm>>)
        %add3A_200 = arith.constant 3 : i32
        %add3A_201 = arith.addi %add3A_100, %add3A_200 : i32
        %dma_start3A_202 = arith.constant 0 : i32
        %dma_start3A_203 = tpu.memref_slice %arg7[%add3A_201, %dma_start3A_202] : memref<79x128xi32, #tpu.memory_space<vmem>> -> memref<1x128xi32, #tpu.memory_space<vmem>>
        %dma_start3A_204 = tpu.memref_squeeze %dma_start3A_203 : memref<1x128xi32, #tpu.memory_space<vmem>> -> memref<128xi32, #tpu.memory_space<vmem>>
        %dma_start3A_205 = arith.constant 0 : i32
        %dma_start3A_206 = arith.constant 0 : i32
        %dma_start3A_207 = tpu.memref_slice %arg2[%dma_start3A_205, %dma_start3A_206] : memref<10240x128xf32, #tpu.memory_space<hbm>> -> memref<10240x128xf32, #tpu.memory_space<hbm>>
        tpu.enqueue_indirect_dma source(%dma_start3A_207 : memref<10240x128xf32, #tpu.memory_space<hbm>>) target(%arg9 : memref<128x128xf32, #tpu.memory_space<vmem>>) offsets(%dma_start3A_204 : memref<128xi32, #tpu.memory_space<vmem>>) semaphore(%arg13 : memref<!tpu.dma_semaphore, #tpu.memory_space<semaphore_mem>>)
      } else {
      }
      %mul3A_128 = arith.constant 4 : i32
      %mul3A_129 = arith.muli %scan3A_71, %mul3A_128 : i32
      %add3A_130 = arith.constant 2 : i32
      %add3A_131 = arith.addi %mul3A_129, %add3A_130 : i32
      %lt3A_132 = arith.constant 79 : i32
      %lt3A_133 = arith.cmpi slt, %add3A_131, %lt3A_132 : i32
      %convert_element_type3A_134 = arith.extui %lt3A_133 : i1 to i32
      %cond3A_135 = arith.constant 0 : i32
      %cond3A_136 = arith.cmpi ne, %convert_element_type3A_134, %cond3A_135 : i32
      scf.if %cond3A_136 {
        %dma_wait3A_190 = arith.constant 0 : i32
        %dma_wait3A_191 = arith.constant 0 : i32
        %dma_wait3A_192 = tpu.memref_slice %arg7[%dma_wait3A_190, %dma_wait3A_191] : memref<79x128xi32, #tpu.memory_space<vmem>> -> memref<1x128xi32, #tpu.memory_space<vmem>>
        %dma_wait3A_193 = tpu.memref_squeeze %dma_wait3A_192 : memref<1x128xi32, #tpu.memory_space<vmem>> -> memref<128xi32, #tpu.memory_space<vmem>>
        %dma_wait3A_194 = arith.constant 0 : i32
        %dma_wait3A_195 = arith.constant 0 : i32
        %dma_wait3A_196 = tpu.memref_slice %arg2[%dma_wait3A_194, %dma_wait3A_195] : memref<10240x128xf32, #tpu.memory_space<hbm>> -> memref<10240x128xf32, #tpu.memory_space<hbm>>
        tpu.wait_indirect_dma semaphore(%arg15 : memref<!tpu.dma_semaphore, #tpu.memory_space<semaphore_mem>>) src(%dma_wait3A_196 : memref<10240x128xf32, #tpu.memory_space<hbm>>) dst(%arg11 : memref<128x128xf32, #tpu.memory_space<vmem>>)
        %mul3A_197 = arith.constant 10112 : i32
        %mul3A_198 = arith.muli %add3A, %mul3A_197 : i32
        %mul3A_199 = arith.constant 128 : i32
        %mul3A_200 = arith.muli %add3A_131, %mul3A_199 : i32
        %add3A_201 = arith.addi %mul3A_198, %mul3A_200 : i32
        %dma_start3A_202 = arith.constant 0 : i32
        %dma_start3A_203 = tpu.memref_slice %arg6[%add3A_201, %dma_start3A_202] : memref<323584x128xf32, #tpu.memory_space<hbm>> -> memref<128x128xf32, #tpu.memory_space<hbm>>
        %dma_start3A_204 = arith.constant 0 : i32
        %dma_start3A_205 = tpu.memref_slice %arg6[%add3A_201, %dma_start3A_204] : memref<323584x128xf32, #tpu.memory_space<hbm>> -> memref<128x128xf32, #tpu.memory_space<hbm>>
        tpu.enqueue_dma source(%arg11 : memref<128x128xf32, #tpu.memory_space<vmem>>) target(%dma_start3A_205 : memref<128x128xf32, #tpu.memory_space<hbm>>) target_semaphore(%arg15 : memref<!tpu.dma_semaphore, #tpu.memory_space<semaphore_mem>>)
      } else {
      }
      %add3A_137 = arith.constant 1 : i32
      %add3A_138 = arith.addi %add3A_131, %add3A_137 : i32
      %lt3A_139 = arith.constant 79 : i32
      %lt3A_140 = arith.cmpi slt, %add3A_138, %lt3A_139 : i32
      %convert_element_type3A_141 = arith.extui %lt3A_140 : i1 to i32
      %cond3A_142 = arith.constant 0 : i32
      %cond3A_143 = arith.cmpi ne, %convert_element_type3A_141, %cond3A_142 : i32
      scf.if %cond3A_143 {
        %dma_wait3A_190 = arith.constant 0 : i32
        %dma_wait3A_191 = arith.constant 0 : i32
        %dma_wait3A_192 = tpu.memref_slice %arg7[%dma_wait3A_190, %dma_wait3A_191] : memref<79x128xi32, #tpu.memory_space<vmem>> -> memref<1x128xi32, #tpu.memory_space<vmem>>
        %dma_wait3A_193 = tpu.memref_squeeze %dma_wait3A_192 : memref<1x128xi32, #tpu.memory_space<vmem>> -> memref<128xi32, #tpu.memory_space<vmem>>
        %dma_wait3A_194 = arith.constant 0 : i32
        %dma_wait3A_195 = arith.constant 0 : i32
        %dma_wait3A_196 = tpu.memref_slice %arg2[%dma_wait3A_194, %dma_wait3A_195] : memref<10240x128xf32, #tpu.memory_space<hbm>> -> memref<10240x128xf32, #tpu.memory_space<hbm>>
        tpu.wait_indirect_dma semaphore(%arg16 : memref<!tpu.dma_semaphore, #tpu.memory_space<semaphore_mem>>) src(%dma_wait3A_196 : memref<10240x128xf32, #tpu.memory_space<hbm>>) dst(%arg12 : memref<128x128xf32, #tpu.memory_space<vmem>>)
        %add3A_197 = arith.constant 1 : i32
        %add3A_198 = arith.addi %add3A_131, %add3A_197 : i32
        %dma_start3A_199 = arith.constant 0 : i32
        %dma_start3A_200 = tpu.memref_slice %arg8[%add3A_198, %dma_start3A_199] : memref<79x128xi32, #tpu.memory_space<vmem>> -> memref<1x128xi32, #tpu.memory_space<vmem>>
        %dma_start3A_201 = tpu.memref_squeeze %dma_start3A_200 : memref<1x128xi32, #tpu.memory_space<vmem>> -> memref<128xi32, #tpu.memory_space<vmem>>
        %dma_start3A_202 = arith.constant 0 : i32
        %dma_start3A_203 = arith.constant 0 : i32
        %dma_start3A_204 = tpu.memref_slice %arg3[%dma_start3A_202, %dma_start3A_203] : memref<10240x128xf32, #tpu.memory_space<hbm>> -> memref<10240x128xf32, #tpu.memory_space<hbm>>
        tpu.enqueue_indirect_dma source(%dma_start3A_204 : memref<10240x128xf32, #tpu.memory_space<hbm>>) target(%arg12 : memref<128x128xf32, #tpu.memory_space<vmem>>) offsets(%dma_start3A_201 : memref<128xi32, #tpu.memory_space<vmem>>) semaphore(%arg16 : memref<!tpu.dma_semaphore, #tpu.memory_space<semaphore_mem>>) {add = true}
      } else {
      }
      %eq3A_144 = arith.constant 0 : i32
      %eq3A_145 = arith.cmpi eq, %add3A_131, %eq3A_144 : i32
      %convert_element_type3A_146 = arith.extui %eq3A_145 : i1 to i32
      %cond3A_147 = arith.constant 0 : i32
      %cond3A_148 = arith.cmpi ne, %convert_element_type3A_146, %cond3A_147 : i32
      scf.if %cond3A_148 {
        %dma_start3A_190 = arith.constant 3 : i32
        %dma_start3A_191 = arith.constant 0 : i32
        %dma_start3A_192 = tpu.memref_slice %arg7[%dma_start3A_190, %dma_start3A_191] : memref<79x128xi32, #tpu.memory_space<vmem>> -> memref<1x128xi32, #tpu.memory_space<vmem>>
        %dma_start3A_193 = tpu.memref_squeeze %dma_start3A_192 : memref<1x128xi32, #tpu.memory_space<vmem>> -> memref<128xi32, #tpu.memory_space<vmem>>
        %dma_start3A_194 = arith.constant 0 : i32
        %dma_start3A_195 = arith.constant 0 : i32
        %dma_start3A_196 = tpu.memref_slice %arg2[%dma_start3A_194, %dma_start3A_195] : memref<10240x128xf32, #tpu.memory_space<hbm>> -> memref<10240x128xf32, #tpu.memory_space<hbm>>
        tpu.enqueue_indirect_dma source(%dma_start3A_196 : memref<10240x128xf32, #tpu.memory_space<hbm>>) target(%arg12 : memref<128x128xf32, #tpu.memory_space<vmem>>) offsets(%dma_start3A_193 : memref<128xi32, #tpu.memory_space<vmem>>) semaphore(%arg16 : memref<!tpu.dma_semaphore, #tpu.memory_space<semaphore_mem>>)
      } else {
      }
      %ge3A_149 = arith.constant 1 : i32
      %ge3A_150 = arith.cmpi sge, %add3A_131, %ge3A_149 : i32
      %add3A_151 = arith.constant 3 : i32
      %add3A_152 = arith.addi %add3A_131, %add3A_151 : i32
      %lt3A_153 = arith.constant 79 : i32
      %lt3A_154 = arith.cmpi slt, %add3A_152, %lt3A_153 : i32
      %and3A_155 = arith.andi %ge3A_150, %lt3A_154 : i1
      %convert_element_type3A_156 = arith.extui %and3A_155 : i1 to i32
      %cond3A_157 = arith.constant 0 : i32
      %cond3A_158 = arith.cmpi ne, %convert_element_type3A_156, %cond3A_157 : i32
      scf.if %cond3A_158 {
        %sub3A = arith.constant 1 : i32
        %sub3A_190 = arith.subi %add3A_131, %sub3A : i32
        %mul3A_191 = arith.constant 10112 : i32
        %mul3A_192 = arith.muli %add3A, %mul3A_191 : i32
        %mul3A_193 = arith.constant 128 : i32
        %mul3A_194 = arith.muli %sub3A_190, %mul3A_193 : i32
        %add3A_195 = arith.addi %mul3A_192, %mul3A_194 : i32
        %dma_wait3A_196 = arith.constant 0 : i32
        %dma_wait3A_197 = tpu.memref_slice %arg6[%add3A_195, %dma_wait3A_196] : memref<323584x128xf32, #tpu.memory_space<hbm>> -> memref<128x128xf32, #tpu.memory_space<hbm>>
        %dma_wait3A_198 = arith.constant 0 : i32
        %dma_wait3A_199 = tpu.memref_slice %arg6[%add3A_195, %dma_wait3A_198] : memref<323584x128xf32, #tpu.memory_space<hbm>> -> memref<128x128xf32, #tpu.memory_space<hbm>>
        tpu.wait_dma2 semaphore(%arg14 : memref<!tpu.dma_semaphore, #tpu.memory_space<semaphore_mem>>) src(%arg10 : memref<128x128xf32, #tpu.memory_space<vmem>>) dst(%dma_wait3A_199 : memref<128x128xf32, #tpu.memory_space<hbm>>)
        %add3A_200 = arith.constant 3 : i32
        %add3A_201 = arith.addi %add3A_131, %add3A_200 : i32
        %dma_start3A_202 = arith.constant 0 : i32
        %dma_start3A_203 = tpu.memref_slice %arg7[%add3A_201, %dma_start3A_202] : memref<79x128xi32, #tpu.memory_space<vmem>> -> memref<1x128xi32, #tpu.memory_space<vmem>>
        %dma_start3A_204 = tpu.memref_squeeze %dma_start3A_203 : memref<1x128xi32, #tpu.memory_space<vmem>> -> memref<128xi32, #tpu.memory_space<vmem>>
        %dma_start3A_205 = arith.constant 0 : i32
        %dma_start3A_206 = arith.constant 0 : i32
        %dma_start3A_207 = tpu.memref_slice %arg2[%dma_start3A_205, %dma_start3A_206] : memref<10240x128xf32, #tpu.memory_space<hbm>> -> memref<10240x128xf32, #tpu.memory_space<hbm>>
        tpu.enqueue_indirect_dma source(%dma_start3A_207 : memref<10240x128xf32, #tpu.memory_space<hbm>>) target(%arg10 : memref<128x128xf32, #tpu.memory_space<vmem>>) offsets(%dma_start3A_204 : memref<128xi32, #tpu.memory_space<vmem>>) semaphore(%arg14 : memref<!tpu.dma_semaphore, #tpu.memory_space<semaphore_mem>>)
      } else {
      }
      %mul3A_159 = arith.constant 4 : i32
      %mul3A_160 = arith.muli %scan3A_71, %mul3A_159 : i32
      %add3A_161 = arith.constant 3 : i32
      %add3A_162 = arith.addi %mul3A_160, %add3A_161 : i32
      %lt3A_163 = arith.constant 79 : i32
      %lt3A_164 = arith.cmpi slt, %add3A_162, %lt3A_163 : i32
      %convert_element_type3A_165 = arith.extui %lt3A_164 : i1 to i32
      %cond3A_166 = arith.constant 0 : i32
      %cond3A_167 = arith.cmpi ne, %convert_element_type3A_165, %cond3A_166 : i32
      scf.if %cond3A_167 {
        %dma_wait3A_190 = arith.constant 0 : i32
        %dma_wait3A_191 = arith.constant 0 : i32
        %dma_wait3A_192 = tpu.memref_slice %arg7[%dma_wait3A_190, %dma_wait3A_191] : memref<79x128xi32, #tpu.memory_space<vmem>> -> memref<1x128xi32, #tpu.memory_space<vmem>>
        %dma_wait3A_193 = tpu.memref_squeeze %dma_wait3A_192 : memref<1x128xi32, #tpu.memory_space<vmem>> -> memref<128xi32, #tpu.memory_space<vmem>>
        %dma_wait3A_194 = arith.constant 0 : i32
        %dma_wait3A_195 = arith.constant 0 : i32
        %dma_wait3A_196 = tpu.memref_slice %arg2[%dma_wait3A_194, %dma_wait3A_195] : memref<10240x128xf32, #tpu.memory_space<hbm>> -> memref<10240x128xf32, #tpu.memory_space<hbm>>
        tpu.wait_indirect_dma semaphore(%arg16 : memref<!tpu.dma_semaphore, #tpu.memory_space<semaphore_mem>>) src(%dma_wait3A_196 : memref<10240x128xf32, #tpu.memory_space<hbm>>) dst(%arg12 : memref<128x128xf32, #tpu.memory_space<vmem>>)
        %mul3A_197 = arith.constant 10112 : i32
        %mul3A_198 = arith.muli %add3A, %mul3A_197 : i32
        %mul3A_199 = arith.constant 128 : i32
        %mul3A_200 = arith.muli %add3A_162, %mul3A_199 : i32
        %add3A_201 = arith.addi %mul3A_198, %mul3A_200 : i32
        %dma_start3A_202 = arith.constant 0 : i32
        %dma_start3A_203 = tpu.memref_slice %arg6[%add3A_201, %dma_start3A_202] : memref<323584x128xf32, #tpu.memory_space<hbm>> -> memref<128x128xf32, #tpu.memory_space<hbm>>
        %dma_start3A_204 = arith.constant 0 : i32
        %dma_start3A_205 = tpu.memref_slice %arg6[%add3A_201, %dma_start3A_204] : memref<323584x128xf32, #tpu.memory_space<hbm>> -> memref<128x128xf32, #tpu.memory_space<hbm>>
        tpu.enqueue_dma source(%arg12 : memref<128x128xf32, #tpu.memory_space<vmem>>) target(%dma_start3A_205 : memref<128x128xf32, #tpu.memory_space<hbm>>) target_semaphore(%arg16 : memref<!tpu.dma_semaphore, #tpu.memory_space<semaphore_mem>>)
      } else {
      }
      %add3A_168 = arith.constant 1 : i32
      %add3A_169 = arith.addi %add3A_162, %add3A_168 : i32
      %lt3A_170 = arith.constant 79 : i32
      %lt3A_171 = arith.cmpi slt, %add3A_169, %lt3A_170 : i32
      %convert_element_type3A_172 = arith.extui %lt3A_171 : i1 to i32
      %cond3A_173 = arith.constant 0 : i32
      %cond3A_174 = arith.cmpi ne, %convert_element_type3A_172, %cond3A_173 : i32
      scf.if %cond3A_174 {
        %dma_wait3A_190 = arith.constant 0 : i32
        %dma_wait3A_191 = arith.constant 0 : i32
        %dma_wait3A_192 = tpu.memref_slice %arg7[%dma_wait3A_190, %dma_wait3A_191] : memref<79x128xi32, #tpu.memory_space<vmem>> -> memref<1x128xi32, #tpu.memory_space<vmem>>
        %dma_wait3A_193 = tpu.memref_squeeze %dma_wait3A_192 : memref<1x128xi32, #tpu.memory_space<vmem>> -> memref<128xi32, #tpu.memory_space<vmem>>
        %dma_wait3A_194 = arith.constant 0 : i32
        %dma_wait3A_195 = arith.constant 0 : i32
        %dma_wait3A_196 = tpu.memref_slice %arg2[%dma_wait3A_194, %dma_wait3A_195] : memref<10240x128xf32, #tpu.memory_space<hbm>> -> memref<10240x128xf32, #tpu.memory_space<hbm>>
        tpu.wait_indirect_dma semaphore(%arg13 : memref<!tpu.dma_semaphore, #tpu.memory_space<semaphore_mem>>) src(%dma_wait3A_196 : memref<10240x128xf32, #tpu.memory_space<hbm>>) dst(%arg9 : memref<128x128xf32, #tpu.memory_space<vmem>>)
        %add3A_197 = arith.constant 1 : i32
        %add3A_198 = arith.addi %add3A_162, %add3A_197 : i32
        %dma_start3A_199 = arith.constant 0 : i32
        %dma_start3A_200 = tpu.memref_slice %arg8[%add3A_198, %dma_start3A_199] : memref<79x128xi32, #tpu.memory_space<vmem>> -> memref<1x128xi32, #tpu.memory_space<vmem>>
        %dma_start3A_201 = tpu.memref_squeeze %dma_start3A_200 : memref<1x128xi32, #tpu.memory_space<vmem>> -> memref<128xi32, #tpu.memory_space<vmem>>
        %dma_start3A_202 = arith.constant 0 : i32
        %dma_start3A_203 = arith.constant 0 : i32
        %dma_start3A_204 = tpu.memref_slice %arg3[%dma_start3A_202, %dma_start3A_203] : memref<10240x128xf32, #tpu.memory_space<hbm>> -> memref<10240x128xf32, #tpu.memory_space<hbm>>
        tpu.enqueue_indirect_dma source(%dma_start3A_204 : memref<10240x128xf32, #tpu.memory_space<hbm>>) target(%arg9 : memref<128x128xf32, #tpu.memory_space<vmem>>) offsets(%dma_start3A_201 : memref<128xi32, #tpu.memory_space<vmem>>) semaphore(%arg13 : memref<!tpu.dma_semaphore, #tpu.memory_space<semaphore_mem>>) {add = true}
      } else {
      }
      %eq3A_175 = arith.constant 0 : i32
      %eq3A_176 = arith.cmpi eq, %add3A_162, %eq3A_175 : i32
      %convert_element_type3A_177 = arith.extui %eq3A_176 : i1 to i32
      %cond3A_178 = arith.constant 0 : i32
      %cond3A_179 = arith.cmpi ne, %convert_element_type3A_177, %cond3A_178 : i32
      scf.if %cond3A_179 {
        %dma_start3A_190 = arith.constant 3 : i32
        %dma_start3A_191 = arith.constant 0 : i32
        %dma_start3A_192 = tpu.memref_slice %arg7[%dma_start3A_190, %dma_start3A_191] : memref<79x128xi32, #tpu.memory_space<vmem>> -> memref<1x128xi32, #tpu.memory_space<vmem>>
        %dma_start3A_193 = tpu.memref_squeeze %dma_start3A_192 : memref<1x128xi32, #tpu.memory_space<vmem>> -> memref<128xi32, #tpu.memory_space<vmem>>
        %dma_start3A_194 = arith.constant 0 : i32
        %dma_start3A_195 = arith.constant 0 : i32
        %dma_start3A_196 = tpu.memref_slice %arg2[%dma_start3A_194, %dma_start3A_195] : memref<10240x128xf32, #tpu.memory_space<hbm>> -> memref<10240x128xf32, #tpu.memory_space<hbm>>
        tpu.enqueue_indirect_dma source(%dma_start3A_196 : memref<10240x128xf32, #tpu.memory_space<hbm>>) target(%arg12 : memref<128x128xf32, #tpu.memory_space<vmem>>) offsets(%dma_start3A_193 : memref<128xi32, #tpu.memory_space<vmem>>) semaphore(%arg16 : memref<!tpu.dma_semaphore, #tpu.memory_space<semaphore_mem>>)
      } else {
      }
      %ge3A_180 = arith.constant 1 : i32
      %ge3A_181 = arith.cmpi sge, %add3A_162, %ge3A_180 : i32
      %add3A_182 = arith.constant 3 : i32
      %add3A_183 = arith.addi %add3A_162, %add3A_182 : i32
      %lt3A_184 = arith.constant 79 : i32
      %lt3A_185 = arith.cmpi slt, %add3A_183, %lt3A_184 : i32
      %and3A_186 = arith.andi %ge3A_181, %lt3A_185 : i1
      %convert_element_type3A_187 = arith.extui %and3A_186 : i1 to i32
      %cond3A_188 = arith.constant 0 : i32
      %cond3A_189 = arith.cmpi ne, %convert_element_type3A_187, %cond3A_188 : i32
      scf.if %cond3A_189 {
        %sub3A = arith.constant 1 : i32
        %sub3A_190 = arith.subi %add3A_162, %sub3A : i32
        %mul3A_191 = arith.constant 10112 : i32
        %mul3A_192 = arith.muli %add3A, %mul3A_191 : i32
        %mul3A_193 = arith.constant 128 : i32
        %mul3A_194 = arith.muli %sub3A_190, %mul3A_193 : i32
        %add3A_195 = arith.addi %mul3A_192, %mul3A_194 : i32
        %dma_wait3A_196 = arith.constant 0 : i32
        %dma_wait3A_197 = tpu.memref_slice %arg6[%add3A_195, %dma_wait3A_196] : memref<323584x128xf32, #tpu.memory_space<hbm>> -> memref<128x128xf32, #tpu.memory_space<hbm>>
        %dma_wait3A_198 = arith.constant 0 : i32
        %dma_wait3A_199 = tpu.memref_slice %arg6[%add3A_195, %dma_wait3A_198] : memref<323584x128xf32, #tpu.memory_space<hbm>> -> memref<128x128xf32, #tpu.memory_space<hbm>>
        tpu.wait_dma2 semaphore(%arg15 : memref<!tpu.dma_semaphore, #tpu.memory_space<semaphore_mem>>) src(%arg11 : memref<128x128xf32, #tpu.memory_space<vmem>>) dst(%dma_wait3A_199 : memref<128x128xf32, #tpu.memory_space<hbm>>)
        %add3A_200 = arith.constant 3 : i32
        %add3A_201 = arith.addi %add3A_162, %add3A_200 : i32
        %dma_start3A_202 = arith.constant 0 : i32
        %dma_start3A_203 = tpu.memref_slice %arg7[%add3A_201, %dma_start3A_202] : memref<79x128xi32, #tpu.memory_space<vmem>> -> memref<1x128xi32, #tpu.memory_space<vmem>>
        %dma_start3A_204 = tpu.memref_squeeze %dma_start3A_203 : memref<1x128xi32, #tpu.memory_space<vmem>> -> memref<128xi32, #tpu.memory_space<vmem>>
        %dma_start3A_205 = arith.constant 0 : i32
        %dma_start3A_206 = arith.constant 0 : i32
        %dma_start3A_207 = tpu.memref_slice %arg2[%dma_start3A_205, %dma_start3A_206] : memref<10240x128xf32, #tpu.memory_space<hbm>> -> memref<10240x128xf32, #tpu.memory_space<hbm>>
        tpu.enqueue_indirect_dma source(%dma_start3A_207 : memref<10240x128xf32, #tpu.memory_space<hbm>>) target(%arg11 : memref<128x128xf32, #tpu.memory_space<vmem>>) offsets(%dma_start3A_204 : memref<128xi32, #tpu.memory_space<vmem>>) semaphore(%arg15 : memref<!tpu.dma_semaphore, #tpu.memory_space<semaphore_mem>>)
      } else {
      }
    }
    %scan3A_38 = arith.constant 20 : i32
    %mul3A_39 = arith.constant 10112 : i32
    %mul3A_40 = arith.muli %add3A, %mul3A_39 : i32
    %add3A_41 = arith.constant 9600 : i32
    %add3A_42 = arith.addi %mul3A_40, %add3A_41 : i32
    %dma_wait3A_43 = arith.constant 0 : i32
    %dma_wait3A_44 = tpu.memref_slice %arg6[%add3A_42, %dma_wait3A_43] : memref<323584x128xf32, #tpu.memory_space<hbm>> -> memref<128x128xf32, #tpu.memory_space<hbm>>
    %dma_wait3A_45 = arith.constant 0 : i32
    %dma_wait3A_46 = tpu.memref_slice %arg6[%add3A_42, %dma_wait3A_45] : memref<323584x128xf32, #tpu.memory_space<hbm>> -> memref<128x128xf32, #tpu.memory_space<hbm>>
    tpu.wait_dma2 semaphore(%arg16 : memref<!tpu.dma_semaphore, #tpu.memory_space<semaphore_mem>>) src(%arg12 : memref<128x128xf32, #tpu.memory_space<vmem>>) dst(%dma_wait3A_46 : memref<128x128xf32, #tpu.memory_space<hbm>>)
    %mul3A_47 = arith.constant 10112 : i32
    %mul3A_48 = arith.muli %add3A, %mul3A_47 : i32
    %add3A_49 = arith.constant 9728 : i32
    %add3A_50 = arith.addi %mul3A_48, %add3A_49 : i32
    %dma_wait3A_51 = arith.constant 0 : i32
    %dma_wait3A_52 = tpu.memref_slice %arg6[%add3A_50, %dma_wait3A_51] : memref<323584x128xf32, #tpu.memory_space<hbm>> -> memref<128x128xf32, #tpu.memory_space<hbm>>
    %dma_wait3A_53 = arith.constant 0 : i32
    %dma_wait3A_54 = tpu.memref_slice %arg6[%add3A_50, %dma_wait3A_53] : memref<323584x128xf32, #tpu.memory_space<hbm>> -> memref<128x128xf32, #tpu.memory_space<hbm>>
    tpu.wait_dma2 semaphore(%arg13 : memref<!tpu.dma_semaphore, #tpu.memory_space<semaphore_mem>>) src(%arg9 : memref<128x128xf32, #tpu.memory_space<vmem>>) dst(%dma_wait3A_54 : memref<128x128xf32, #tpu.memory_space<hbm>>)
    %mul3A_55 = arith.constant 10112 : i32
    %mul3A_56 = arith.muli %add3A, %mul3A_55 : i32
    %add3A_57 = arith.constant 9856 : i32
    %add3A_58 = arith.addi %mul3A_56, %add3A_57 : i32
    %dma_wait3A_59 = arith.constant 0 : i32
    %dma_wait3A_60 = tpu.memref_slice %arg6[%add3A_58, %dma_wait3A_59] : memref<323584x128xf32, #tpu.memory_space<hbm>> -> memref<128x128xf32, #tpu.memory_space<hbm>>
    %dma_wait3A_61 = arith.constant 0 : i32
    %dma_wait3A_62 = tpu.memref_slice %arg6[%add3A_58, %dma_wait3A_61] : memref<323584x128xf32, #tpu.memory_space<hbm>> -> memref<128x128xf32, #tpu.memory_space<hbm>>
    tpu.wait_dma2 semaphore(%arg14 : memref<!tpu.dma_semaphore, #tpu.memory_space<semaphore_mem>>) src(%arg10 : memref<128x128xf32, #tpu.memory_space<vmem>>) dst(%dma_wait3A_62 : memref<128x128xf32, #tpu.memory_space<hbm>>)
    %mul3A_63 = arith.constant 10112 : i32
    %mul3A_64 = arith.muli %add3A, %mul3A_63 : i32
    %add3A_65 = arith.constant 9984 : i32
    %add3A_66 = arith.addi %mul3A_64, %add3A_65 : i32
    %dma_wait3A_67 = arith.constant 0 : i32
    %dma_wait3A_68 = tpu.memref_slice %arg6[%add3A_66, %dma_wait3A_67] : memref<323584x128xf32, #tpu.memory_space<hbm>> -> memref<128x128xf32, #tpu.memory_space<hbm>>
    %dma_wait3A_69 = arith.constant 0 : i32
    %dma_wait3A_70 = tpu.memref_slice %arg6[%add3A_66, %dma_wait3A_69] : memref<323584x128xf32, #tpu.memory_space<hbm>> -> memref<128x128xf32, #tpu.memory_space<hbm>>
    tpu.wait_dma2 semaphore(%arg15 : memref<!tpu.dma_semaphore, #tpu.memory_space<semaphore_mem>>) src(%arg11 : memref<128x128xf32, #tpu.memory_space<vmem>>) dst(%dma_wait3A_70 : memref<128x128xf32, #tpu.memory_space<hbm>>)
    return
  }
}

#map = affine_map<(d0, d1) -> (0, 0)>
#map1 = affine_map<(d0, d1) -> (0, 0, 0)>
module attributes {stable_mosaic.version = 14 : i64} {
  func.func @_sc_scatter(%arg0: i32, %arg1: i32, %arg2: memref<323584x128xf32, #tpu.memory_space<hbm>>, %arg3: memref<32x79x128xi32, #tpu.memory_space<hbm>>, %arg4: memref<2x10240x128xf32, #tpu.memory_space<hbm>>, %arg5: memref<79x128xi32, #tpu.memory_space<vmem>>, %arg6: memref<16x128xf32, #tpu.memory_space<vmem>>, %arg7: memref<10240x128xf32, #tpu.memory_space<vmem_shared>>, %arg8: memref<128x128xf32, #tpu.memory_space<vmem>>, %arg9: memref<128x128xf32, #tpu.memory_space<vmem>>, %arg10: memref<!tpu.dma_semaphore, #tpu.memory_space<semaphore_mem>>, %arg11: memref<!tpu.dma_semaphore, #tpu.memory_space<semaphore_mem>>) attributes {dimension_semantics = [#tpu.dimension_semantics<core_parallel>, #tpu.dimension_semantics<subcore_parallel>], iteration_bounds = array<i64: 2, 16>, scalar_prefetch = 0 : i64, scratch_operands = 7 : i64, tpu.core_type = #tpu.core_type<sc_vector_subcore>, window_params = [{transform_indices = #map}, {transform_indices = #map1}, {transform_indices = #map1}]} {
    %mul3A = arith.constant 2 : i32
    %mul3A_0 = arith.muli %arg1, %mul3A : i32
    %add3A = arith.addi %mul3A_0, %arg0 : i32
    %broadcast_in_dim3A = arith.constant 0.000000e+00 : f32
    %broadcast_in_dim3A_1 = vector.broadcast %broadcast_in_dim3A : f32 to vector<16xf32>
    %swap3A = arith.constant 0 : i32
    %swap3A_2 = arith.index_cast %swap3A : i32 to index
    %swap3A_3 = arith.constant 0 : index
    %swap3A_4 = tpu.vector_load %arg6[%swap3A_2, %swap3A_3] {strides = array<i32>} : memref<16x128xf32, #tpu.memory_space<vmem>>, vector<1x16xf32>,
    %swap3A_5 = vector.shape_cast %swap3A_4 : vector<1x16xf32> to vector<16xf32>
    %swap3A_6 = vector.shape_cast %broadcast_in_dim3A_1 : vector<16xf32> to vector<1x16xf32>
    tpu.vector_store %arg6[%swap3A_2, %swap3A_3], %swap3A_6 {strides = array<i32>} : memref<16x128xf32, #tpu.memory_space<vmem>>, vector<1x16xf32>,
    %swap3A_7 = arith.constant 0 : i32
    %swap3A_8 = arith.index_cast %swap3A_7 : i32 to index
    %swap3A_9 = arith.constant 16 : index
    %swap3A_10 = tpu.vector_load %arg6[%swap3A_8, %swap3A_9] {strides = array<i32>} : memref<16x128xf32, #tpu.memory_space<vmem>>, vector<1x16xf32>,
    %swap3A_11 = vector.shape_cast %swap3A_10 : vector<1x16xf32> to vector<16xf32>
    %swap3A_12 = vector.shape_cast %broadcast_in_dim3A_1 : vector<16xf32> to vector<1x16xf32>
    tpu.vector_store %arg6[%swap3A_8, %swap3A_9], %swap3A_12 {strides = array<i32>} : memref<16x128xf32, #tpu.memory_space<vmem>>, vector<1x16xf32>,
    %swap3A_13 = arith.constant 0 : i32
    %swap3A_14 = arith.index_cast %swap3A_13 : i32 to index
    %swap3A_15 = arith.constant 32 : index
    %swap3A_16 = tpu.vector_load %arg6[%swap3A_14, %swap3A_15] {strides = array<i32>} : memref<16x128xf32, #tpu.memory_space<vmem>>, vector<1x16xf32>,
    %swap3A_17 = vector.shape_cast %swap3A_16 : vector<1x16xf32> to vector<16xf32>
    %swap3A_18 = vector.shape_cast %broadcast_in_dim3A_1 : vector<16xf32> to vector<1x16xf32>
    tpu.vector_store %arg6[%swap3A_14, %swap3A_15], %swap3A_18 {strides = array<i32>} : memref<16x128xf32, #tpu.memory_space<vmem>>, vector<1x16xf32>,
    %swap3A_19 = arith.constant 0 : i32
    %swap3A_20 = arith.index_cast %swap3A_19 : i32 to index
    %swap3A_21 = arith.constant 48 : index
    %swap3A_22 = tpu.vector_load %arg6[%swap3A_20, %swap3A_21] {strides = array<i32>} : memref<16x128xf32, #tpu.memory_space<vmem>>, vector<1x16xf32>,
    %swap3A_23 = vector.shape_cast %swap3A_22 : vector<1x16xf32> to vector<16xf32>
    %swap3A_24 = vector.shape_cast %broadcast_in_dim3A_1 : vector<16xf32> to vector<1x16xf32>
    tpu.vector_store %arg6[%swap3A_20, %swap3A_21], %swap3A_24 {strides = array<i32>} : memref<16x128xf32, #tpu.memory_space<vmem>>, vector<1x16xf32>,
    %swap3A_25 = arith.constant 0 : i32
    %swap3A_26 = arith.index_cast %swap3A_25 : i32 to index
    %swap3A_27 = arith.constant 64 : index
    %swap3A_28 = tpu.vector_load %arg6[%swap3A_26, %swap3A_27] {strides = array<i32>} : memref<16x128xf32, #tpu.memory_space<vmem>>, vector<1x16xf32>,
    %swap3A_29 = vector.shape_cast %swap3A_28 : vector<1x16xf32> to vector<16xf32>
    %swap3A_30 = vector.shape_cast %broadcast_in_dim3A_1 : vector<16xf32> to vector<1x16xf32>
    tpu.vector_store %arg6[%swap3A_26, %swap3A_27], %swap3A_30 {strides = array<i32>} : memref<16x128xf32, #tpu.memory_space<vmem>>, vector<1x16xf32>,
    %swap3A_31 = arith.constant 0 : i32
    %swap3A_32 = arith.index_cast %swap3A_31 : i32 to index
    %swap3A_33 = arith.constant 80 : index
    %swap3A_34 = tpu.vector_load %arg6[%swap3A_32, %swap3A_33] {strides = array<i32>} : memref<16x128xf32, #tpu.memory_space<vmem>>, vector<1x16xf32>,
    %swap3A_35 = vector.shape_cast %swap3A_34 : vector<1x16xf32> to vector<16xf32>
    %swap3A_36 = vector.shape_cast %broadcast_in_dim3A_1 : vector<16xf32> to vector<1x16xf32>
    tpu.vector_store %arg6[%swap3A_32, %swap3A_33], %swap3A_36 {strides = array<i32>} : memref<16x128xf32, #tpu.memory_space<vmem>>, vector<1x16xf32>,
    %swap3A_37 = arith.constant 0 : i32
    %swap3A_38 = arith.index_cast %swap3A_37 : i32 to index
    %swap3A_39 = arith.constant 96 : index
    %swap3A_40 = tpu.vector_load %arg6[%swap3A_38, %swap3A_39] {strides = array<i32>} : memref<16x128xf32, #tpu.memory_space<vmem>>, vector<1x16xf32>,
    %swap3A_41 = vector.shape_cast %swap3A_40 : vector<1x16xf32> to vector<16xf32>
    %swap3A_42 = vector.shape_cast %broadcast_in_dim3A_1 : vector<16xf32> to vector<1x16xf32>
    tpu.vector_store %arg6[%swap3A_38, %swap3A_39], %swap3A_42 {strides = array<i32>} : memref<16x128xf32, #tpu.memory_space<vmem>>, vector<1x16xf32>,
    %swap3A_43 = arith.constant 0 : i32
    %swap3A_44 = arith.index_cast %swap3A_43 : i32 to index
    %swap3A_45 = arith.constant 112 : index
    %swap3A_46 = tpu.vector_load %arg6[%swap3A_44, %swap3A_45] {strides = array<i32>} : memref<16x128xf32, #tpu.memory_space<vmem>>, vector<1x16xf32>,
    %swap3A_47 = vector.shape_cast %swap3A_46 : vector<1x16xf32> to vector<16xf32>
    %swap3A_48 = vector.shape_cast %broadcast_in_dim3A_1 : vector<16xf32> to vector<1x16xf32>
    tpu.vector_store %arg6[%swap3A_44, %swap3A_45], %swap3A_48 {strides = array<i32>} : memref<16x128xf32, #tpu.memory_space<vmem>>, vector<1x16xf32>,
    %swap3A_49 = arith.constant 1 : i32
    %swap3A_50 = arith.index_cast %swap3A_49 : i32 to index
    %swap3A_51 = arith.constant 0 : index
    %swap3A_52 = tpu.vector_load %arg6[%swap3A_50, %swap3A_51] {strides = array<i32>} : memref<16x128xf32, #tpu.memory_space<vmem>>, vector<1x16xf32>,
    %swap3A_53 = vector.shape_cast %swap3A_52 : vector<1x16xf32> to vector<16xf32>
    %swap3A_54 = vector.shape_cast %broadcast_in_dim3A_1 : vector<16xf32> to vector<1x16xf32>
    tpu.vector_store %arg6[%swap3A_50, %swap3A_51], %swap3A_54 {strides = array<i32>} : memref<16x128xf32, #tpu.memory_space<vmem>>, vector<1x16xf32>,
    %swap3A_55 = arith.constant 1 : i32
    %swap3A_56 = arith.index_cast %swap3A_55 : i32 to index
    %swap3A_57 = arith.constant 16 : index
    %swap3A_58 = tpu.vector_load %arg6[%swap3A_56, %swap3A_57] {strides = array<i32>} : memref<16x128xf32, #tpu.memory_space<vmem>>, vector<1x16xf32>,
    %swap3A_59 = vector.shape_cast %swap3A_58 : vector<1x16xf32> to vector<16xf32>
    %swap3A_60 = vector.shape_cast %broadcast_in_dim3A_1 : vector<16xf32> to vector<1x16xf32>
    tpu.vector_store %arg6[%swap3A_56, %swap3A_57], %swap3A_60 {strides = array<i32>} : memref<16x128xf32, #tpu.memory_space<vmem>>, vector<1x16xf32>,
    %swap3A_61 = arith.constant 1 : i32
    %swap3A_62 = arith.index_cast %swap3A_61 : i32 to index
    %swap3A_63 = arith.constant 32 : index
    %swap3A_64 = tpu.vector_load %arg6[%swap3A_62, %swap3A_63] {strides = array<i32>} : memref<16x128xf32, #tpu.memory_space<vmem>>, vector<1x16xf32>,
    %swap3A_65 = vector.shape_cast %swap3A_64 : vector<1x16xf32> to vector<16xf32>
    %swap3A_66 = vector.shape_cast %broadcast_in_dim3A_1 : vector<16xf32> to vector<1x16xf32>
    tpu.vector_store %arg6[%swap3A_62, %swap3A_63], %swap3A_66 {strides = array<i32>} : memref<16x128xf32, #tpu.memory_space<vmem>>, vector<1x16xf32>,
    %swap3A_67 = arith.constant 1 : i32
    %swap3A_68 = arith.index_cast %swap3A_67 : i32 to index
    %swap3A_69 = arith.constant 48 : index
    %swap3A_70 = tpu.vector_load %arg6[%swap3A_68, %swap3A_69] {strides = array<i32>} : memref<16x128xf32, #tpu.memory_space<vmem>>, vector<1x16xf32>,
    %swap3A_71 = vector.shape_cast %swap3A_70 : vector<1x16xf32> to vector<16xf32>
    %swap3A_72 = vector.shape_cast %broadcast_in_dim3A_1 : vector<16xf32> to vector<1x16xf32>
    tpu.vector_store %arg6[%swap3A_68, %swap3A_69], %swap3A_72 {strides = array<i32>} : memref<16x128xf32, #tpu.memory_space<vmem>>, vector<1x16xf32>,
    %swap3A_73 = arith.constant 1 : i32
    %swap3A_74 = arith.index_cast %swap3A_73 : i32 to index
    %swap3A_75 = arith.constant 64 : index
    %swap3A_76 = tpu.vector_load %arg6[%swap3A_74, %swap3A_75] {strides = array<i32>} : memref<16x128xf32, #tpu.memory_space<vmem>>, vector<1x16xf32>,
    %swap3A_77 = vector.shape_cast %swap3A_76 : vector<1x16xf32> to vector<16xf32>
    %swap3A_78 = vector.shape_cast %broadcast_in_dim3A_1 : vector<16xf32> to vector<1x16xf32>
    tpu.vector_store %arg6[%swap3A_74, %swap3A_75], %swap3A_78 {strides = array<i32>} : memref<16x128xf32, #tpu.memory_space<vmem>>, vector<1x16xf32>,
    %swap3A_79 = arith.constant 1 : i32
    %swap3A_80 = arith.index_cast %swap3A_79 : i32 to index
    %swap3A_81 = arith.constant 80 : index
    %swap3A_82 = tpu.vector_load %arg6[%swap3A_80, %swap3A_81] {strides = array<i32>} : memref<16x128xf32, #tpu.memory_space<vmem>>, vector<1x16xf32>,
    %swap3A_83 = vector.shape_cast %swap3A_82 : vector<1x16xf32> to vector<16xf32>
    %swap3A_84 = vector.shape_cast %broadcast_in_dim3A_1 : vector<16xf32> to vector<1x16xf32>
    tpu.vector_store %arg6[%swap3A_80, %swap3A_81], %swap3A_84 {strides = array<i32>} : memref<16x128xf32, #tpu.memory_space<vmem>>, vector<1x16xf32>,
    %swap3A_85 = arith.constant 1 : i32
    %swap3A_86 = arith.index_cast %swap3A_85 : i32 to index
    %swap3A_87 = arith.constant 96 : index
    %swap3A_88 = tpu.vector_load %arg6[%swap3A_86, %swap3A_87] {strides = array<i32>} : memref<16x128xf32, #tpu.memory_space<vmem>>, vector<1x16xf32>,
    %swap3A_89 = vector.shape_cast %swap3A_88 : vector<1x16xf32> to vector<16xf32>
    %swap3A_90 = vector.shape_cast %broadcast_in_dim3A_1 : vector<16xf32> to vector<1x16xf32>
    tpu.vector_store %arg6[%swap3A_86, %swap3A_87], %swap3A_90 {strides = array<i32>} : memref<16x128xf32, #tpu.memory_space<vmem>>, vector<1x16xf32>,
    %swap3A_91 = arith.constant 1 : i32
    %swap3A_92 = arith.index_cast %swap3A_91 : i32 to index
    %swap3A_93 = arith.constant 112 : index
    %swap3A_94 = tpu.vector_load %arg6[%swap3A_92, %swap3A_93] {strides = array<i32>} : memref<16x128xf32, #tpu.memory_space<vmem>>, vector<1x16xf32>,
    %swap3A_95 = vector.shape_cast %swap3A_94 : vector<1x16xf32> to vector<16xf32>
    %swap3A_96 = vector.shape_cast %broadcast_in_dim3A_1 : vector<16xf32> to vector<1x16xf32>
    tpu.vector_store %arg6[%swap3A_92, %swap3A_93], %swap3A_96 {strides = array<i32>} : memref<16x128xf32, #tpu.memory_space<vmem>>, vector<1x16xf32>,
    %swap3A_97 = arith.constant 2 : i32
    %swap3A_98 = arith.index_cast %swap3A_97 : i32 to index
    %swap3A_99 = arith.constant 0 : index
    %swap3A_100 = tpu.vector_load %arg6[%swap3A_98, %swap3A_99] {strides = array<i32>} : memref<16x128xf32, #tpu.memory_space<vmem>>, vector<1x16xf32>,
    %swap3A_101 = vector.shape_cast %swap3A_100 : vector<1x16xf32> to vector<16xf32>
    %swap3A_102 = vector.shape_cast %broadcast_in_dim3A_1 : vector<16xf32> to vector<1x16xf32>
    tpu.vector_store %arg6[%swap3A_98, %swap3A_99], %swap3A_102 {strides = array<i32>} : memref<16x128xf32, #tpu.memory_space<vmem>>, vector<1x16xf32>,
    %swap3A_103 = arith.constant 2 : i32
    %swap3A_104 = arith.index_cast %swap3A_103 : i32 to index
    %swap3A_105 = arith.constant 16 : index
    %swap3A_106 = tpu.vector_load %arg6[%swap3A_104, %swap3A_105] {strides = array<i32>} : memref<16x128xf32, #tpu.memory_space<vmem>>, vector<1x16xf32>,
    %swap3A_107 = vector.shape_cast %swap3A_106 : vector<1x16xf32> to vector<16xf32>
    %swap3A_108 = vector.shape_cast %broadcast_in_dim3A_1 : vector<16xf32> to vector<1x16xf32>
    tpu.vector_store %arg6[%swap3A_104, %swap3A_105], %swap3A_108 {strides = array<i32>} : memref<16x128xf32, #tpu.memory_space<vmem>>, vector<1x16xf32>,
    %swap3A_109 = arith.constant 2 : i32
    %swap3A_110 = arith.index_cast %swap3A_109 : i32 to index
    %swap3A_111 = arith.constant 32 : index
    %swap3A_112 = tpu.vector_load %arg6[%swap3A_110, %swap3A_111] {strides = array<i32>} : memref<16x128xf32, #tpu.memory_space<vmem>>, vector<1x16xf32>,
    %swap3A_113 = vector.shape_cast %swap3A_112 : vector<1x16xf32> to vector<16xf32>
    %swap3A_114 = vector.shape_cast %broadcast_in_dim3A_1 : vector<16xf32> to vector<1x16xf32>
    tpu.vector_store %arg6[%swap3A_110, %swap3A_111], %swap3A_114 {strides = array<i32>} : memref<16x128xf32, #tpu.memory_space<vmem>>, vector<1x16xf32>,
    %swap3A_115 = arith.constant 2 : i32
    %swap3A_116 = arith.index_cast %swap3A_115 : i32 to index
    %swap3A_117 = arith.constant 48 : index
    %swap3A_118 = tpu.vector_load %arg6[%swap3A_116, %swap3A_117] {strides = array<i32>} : memref<16x128xf32, #tpu.memory_space<vmem>>, vector<1x16xf32>,
    %swap3A_119 = vector.shape_cast %swap3A_118 : vector<1x16xf32> to vector<16xf32>
    %swap3A_120 = vector.shape_cast %broadcast_in_dim3A_1 : vector<16xf32> to vector<1x16xf32>
    tpu.vector_store %arg6[%swap3A_116, %swap3A_117], %swap3A_120 {strides = array<i32>} : memref<16x128xf32, #tpu.memory_space<vmem>>, vector<1x16xf32>,
    %swap3A_121 = arith.constant 2 : i32
    %swap3A_122 = arith.index_cast %swap3A_121 : i32 to index
    %swap3A_123 = arith.constant 64 : index
    %swap3A_124 = tpu.vector_load %arg6[%swap3A_122, %swap3A_123] {strides = array<i32>} : memref<16x128xf32, #tpu.memory_space<vmem>>, vector<1x16xf32>,
    %swap3A_125 = vector.shape_cast %swap3A_124 : vector<1x16xf32> to vector<16xf32>
    %swap3A_126 = vector.shape_cast %broadcast_in_dim3A_1 : vector<16xf32> to vector<1x16xf32>
    tpu.vector_store %arg6[%swap3A_122, %swap3A_123], %swap3A_126 {strides = array<i32>} : memref<16x128xf32, #tpu.memory_space<vmem>>, vector<1x16xf32>,
    %swap3A_127 = arith.constant 2 : i32
    %swap3A_128 = arith.index_cast %swap3A_127 : i32 to index
    %swap3A_129 = arith.constant 80 : index
    %swap3A_130 = tpu.vector_load %arg6[%swap3A_128, %swap3A_129] {strides = array<i32>} : memref<16x128xf32, #tpu.memory_space<vmem>>, vector<1x16xf32>,
    %swap3A_131 = vector.shape_cast %swap3A_130 : vector<1x16xf32> to vector<16xf32>
    %swap3A_132 = vector.shape_cast %broadcast_in_dim3A_1 : vector<16xf32> to vector<1x16xf32>
    tpu.vector_store %arg6[%swap3A_128, %swap3A_129], %swap3A_132 {strides = array<i32>} : memref<16x128xf32, #tpu.memory_space<vmem>>, vector<1x16xf32>,
    %swap3A_133 = arith.constant 2 : i32
    %swap3A_134 = arith.index_cast %swap3A_133 : i32 to index
    %swap3A_135 = arith.constant 96 : index
    %swap3A_136 = tpu.vector_load %arg6[%swap3A_134, %swap3A_135] {strides = array<i32>} : memref<16x128xf32, #tpu.memory_space<vmem>>, vector<1x16xf32>,
    %swap3A_137 = vector.shape_cast %swap3A_136 : vector<1x16xf32> to vector<16xf32>
    %swap3A_138 = vector.shape_cast %broadcast_in_dim3A_1 : vector<16xf32> to vector<1x16xf32>
    tpu.vector_store %arg6[%swap3A_134, %swap3A_135], %swap3A_138 {strides = array<i32>} : memref<16x128xf32, #tpu.memory_space<vmem>>, vector<1x16xf32>,
    %swap3A_139 = arith.constant 2 : i32
    %swap3A_140 = arith.index_cast %swap3A_139 : i32 to index
    %swap3A_141 = arith.constant 112 : index
    %swap3A_142 = tpu.vector_load %arg6[%swap3A_140, %swap3A_141] {strides = array<i32>} : memref<16x128xf32, #tpu.memory_space<vmem>>, vector<1x16xf32>,
    %swap3A_143 = vector.shape_cast %swap3A_142 : vector<1x16xf32> to vector<16xf32>
    %swap3A_144 = vector.shape_cast %broadcast_in_dim3A_1 : vector<16xf32> to vector<1x16xf32>
    tpu.vector_store %arg6[%swap3A_140, %swap3A_141], %swap3A_144 {strides = array<i32>} : memref<16x128xf32, #tpu.memory_space<vmem>>, vector<1x16xf32>,
    %swap3A_145 = arith.constant 3 : i32
    %swap3A_146 = arith.index_cast %swap3A_145 : i32 to index
    %swap3A_147 = arith.constant 0 : index
    %swap3A_148 = tpu.vector_load %arg6[%swap3A_146, %swap3A_147] {strides = array<i32>} : memref<16x128xf32, #tpu.memory_space<vmem>>, vector<1x16xf32>,
    %swap3A_149 = vector.shape_cast %swap3A_148 : vector<1x16xf32> to vector<16xf32>
    %swap3A_150 = vector.shape_cast %broadcast_in_dim3A_1 : vector<16xf32> to vector<1x16xf32>
    tpu.vector_store %arg6[%swap3A_146, %swap3A_147], %swap3A_150 {strides = array<i32>} : memref<16x128xf32, #tpu.memory_space<vmem>>, vector<1x16xf32>,
    %swap3A_151 = arith.constant 3 : i32
    %swap3A_152 = arith.index_cast %swap3A_151 : i32 to index
    %swap3A_153 = arith.constant 16 : index
    %swap3A_154 = tpu.vector_load %arg6[%swap3A_152, %swap3A_153] {strides = array<i32>} : memref<16x128xf32, #tpu.memory_space<vmem>>, vector<1x16xf32>,
    %swap3A_155 = vector.shape_cast %swap3A_154 : vector<1x16xf32> to vector<16xf32>
    %swap3A_156 = vector.shape_cast %broadcast_in_dim3A_1 : vector<16xf32> to vector<1x16xf32>
    tpu.vector_store %arg6[%swap3A_152, %swap3A_153], %swap3A_156 {strides = array<i32>} : memref<16x128xf32, #tpu.memory_space<vmem>>, vector<1x16xf32>,
    %swap3A_157 = arith.constant 3 : i32
    %swap3A_158 = arith.index_cast %swap3A_157 : i32 to index
    %swap3A_159 = arith.constant 32 : index
    %swap3A_160 = tpu.vector_load %arg6[%swap3A_158, %swap3A_159] {strides = array<i32>} : memref<16x128xf32, #tpu.memory_space<vmem>>, vector<1x16xf32>,
    %swap3A_161 = vector.shape_cast %swap3A_160 : vector<1x16xf32> to vector<16xf32>
    %swap3A_162 = vector.shape_cast %broadcast_in_dim3A_1 : vector<16xf32> to vector<1x16xf32>
    tpu.vector_store %arg6[%swap3A_158, %swap3A_159], %swap3A_162 {strides = array<i32>} : memref<16x128xf32, #tpu.memory_space<vmem>>, vector<1x16xf32>,
    %swap3A_163 = arith.constant 3 : i32
    %swap3A_164 = arith.index_cast %swap3A_163 : i32 to index
    %swap3A_165 = arith.constant 48 : index
    %swap3A_166 = tpu.vector_load %arg6[%swap3A_164, %swap3A_165] {strides = array<i32>} : memref<16x128xf32, #tpu.memory_space<vmem>>, vector<1x16xf32>,
    %swap3A_167 = vector.shape_cast %swap3A_166 : vector<1x16xf32> to vector<16xf32>
    %swap3A_168 = vector.shape_cast %broadcast_in_dim3A_1 : vector<16xf32> to vector<1x16xf32>
    tpu.vector_store %arg6[%swap3A_164, %swap3A_165], %swap3A_168 {strides = array<i32>} : memref<16x128xf32, #tpu.memory_space<vmem>>, vector<1x16xf32>,
    %swap3A_169 = arith.constant 3 : i32
    %swap3A_170 = arith.index_cast %swap3A_169 : i32 to index
    %swap3A_171 = arith.constant 64 : index
    %swap3A_172 = tpu.vector_load %arg6[%swap3A_170, %swap3A_171] {strides = array<i32>} : memref<16x128xf32, #tpu.memory_space<vmem>>, vector<1x16xf32>,
    %swap3A_173 = vector.shape_cast %swap3A_172 : vector<1x16xf32> to vector<16xf32>
    %swap3A_174 = vector.shape_cast %broadcast_in_dim3A_1 : vector<16xf32> to vector<1x16xf32>
    tpu.vector_store %arg6[%swap3A_170, %swap3A_171], %swap3A_174 {strides = array<i32>} : memref<16x128xf32, #tpu.memory_space<vmem>>, vector<1x16xf32>,
    %swap3A_175 = arith.constant 3 : i32
    %swap3A_176 = arith.index_cast %swap3A_175 : i32 to index
    %swap3A_177 = arith.constant 80 : index
    %swap3A_178 = tpu.vector_load %arg6[%swap3A_176, %swap3A_177] {strides = array<i32>} : memref<16x128xf32, #tpu.memory_space<vmem>>, vector<1x16xf32>,
    %swap3A_179 = vector.shape_cast %swap3A_178 : vector<1x16xf32> to vector<16xf32>
    %swap3A_180 = vector.shape_cast %broadcast_in_dim3A_1 : vector<16xf32> to vector<1x16xf32>
    tpu.vector_store %arg6[%swap3A_176, %swap3A_177], %swap3A_180 {strides = array<i32>} : memref<16x128xf32, #tpu.memory_space<vmem>>, vector<1x16xf32>,
    %swap3A_181 = arith.constant 3 : i32
    %swap3A_182 = arith.index_cast %swap3A_181 : i32 to index
    %swap3A_183 = arith.constant 96 : index
    %swap3A_184 = tpu.vector_load %arg6[%swap3A_182, %swap3A_183] {strides = array<i32>} : memref<16x128xf32, #tpu.memory_space<vmem>>, vector<1x16xf32>,
    %swap3A_185 = vector.shape_cast %swap3A_184 : vector<1x16xf32> to vector<16xf32>
    %swap3A_186 = vector.shape_cast %broadcast_in_dim3A_1 : vector<16xf32> to vector<1x16xf32>
    tpu.vector_store %arg6[%swap3A_182, %swap3A_183], %swap3A_186 {strides = array<i32>} : memref<16x128xf32, #tpu.memory_space<vmem>>, vector<1x16xf32>,
    %swap3A_187 = arith.constant 3 : i32
    %swap3A_188 = arith.index_cast %swap3A_187 : i32 to index
    %swap3A_189 = arith.constant 112 : index
    %swap3A_190 = tpu.vector_load %arg6[%swap3A_188, %swap3A_189] {strides = array<i32>} : memref<16x128xf32, #tpu.memory_space<vmem>>, vector<1x16xf32>,
    %swap3A_191 = vector.shape_cast %swap3A_190 : vector<1x16xf32> to vector<16xf32>
    %swap3A_192 = vector.shape_cast %broadcast_in_dim3A_1 : vector<16xf32> to vector<1x16xf32>
    tpu.vector_store %arg6[%swap3A_188, %swap3A_189], %swap3A_192 {strides = array<i32>} : memref<16x128xf32, #tpu.memory_space<vmem>>, vector<1x16xf32>,
    %swap3A_193 = arith.constant 4 : i32
    %swap3A_194 = arith.index_cast %swap3A_193 : i32 to index
    %swap3A_195 = arith.constant 0 : index
    %swap3A_196 = tpu.vector_load %arg6[%swap3A_194, %swap3A_195] {strides = array<i32>} : memref<16x128xf32, #tpu.memory_space<vmem>>, vector<1x16xf32>,
    %swap3A_197 = vector.shape_cast %swap3A_196 : vector<1x16xf32> to vector<16xf32>
    %swap3A_198 = vector.shape_cast %broadcast_in_dim3A_1 : vector<16xf32> to vector<1x16xf32>
    tpu.vector_store %arg6[%swap3A_194, %swap3A_195], %swap3A_198 {strides = array<i32>} : memref<16x128xf32, #tpu.memory_space<vmem>>, vector<1x16xf32>,
    %swap3A_199 = arith.constant 4 : i32
    %swap3A_200 = arith.index_cast %swap3A_199 : i32 to index
    %swap3A_201 = arith.constant 16 : index
    %swap3A_202 = tpu.vector_load %arg6[%swap3A_200, %swap3A_201] {strides = array<i32>} : memref<16x128xf32, #tpu.memory_space<vmem>>, vector<1x16xf32>,
    %swap3A_203 = vector.shape_cast %swap3A_202 : vector<1x16xf32> to vector<16xf32>
    %swap3A_204 = vector.shape_cast %broadcast_in_dim3A_1 : vector<16xf32> to vector<1x16xf32>
    tpu.vector_store %arg6[%swap3A_200, %swap3A_201], %swap3A_204 {strides = array<i32>} : memref<16x128xf32, #tpu.memory_space<vmem>>, vector<1x16xf32>,
    %swap3A_205 = arith.constant 4 : i32
    %swap3A_206 = arith.index_cast %swap3A_205 : i32 to index
    %swap3A_207 = arith.constant 32 : index
    %swap3A_208 = tpu.vector_load %arg6[%swap3A_206, %swap3A_207] {strides = array<i32>} : memref<16x128xf32, #tpu.memory_space<vmem>>, vector<1x16xf32>,
    %swap3A_209 = vector.shape_cast %swap3A_208 : vector<1x16xf32> to vector<16xf32>
    %swap3A_210 = vector.shape_cast %broadcast_in_dim3A_1 : vector<16xf32> to vector<1x16xf32>
    tpu.vector_store %arg6[%swap3A_206, %swap3A_207], %swap3A_210 {strides = array<i32>} : memref<16x128xf32, #tpu.memory_space<vmem>>, vector<1x16xf32>,
    %swap3A_211 = arith.constant 4 : i32
    %swap3A_212 = arith.index_cast %swap3A_211 : i32 to index
    %swap3A_213 = arith.constant 48 : index
    %swap3A_214 = tpu.vector_load %arg6[%swap3A_212, %swap3A_213] {strides = array<i32>} : memref<16x128xf32, #tpu.memory_space<vmem>>, vector<1x16xf32>,
    %swap3A_215 = vector.shape_cast %swap3A_214 : vector<1x16xf32> to vector<16xf32>
    %swap3A_216 = vector.shape_cast %broadcast_in_dim3A_1 : vector<16xf32> to vector<1x16xf32>
    tpu.vector_store %arg6[%swap3A_212, %swap3A_213], %swap3A_216 {strides = array<i32>} : memref<16x128xf32, #tpu.memory_space<vmem>>, vector<1x16xf32>,
    %swap3A_217 = arith.constant 4 : i32
    %swap3A_218 = arith.index_cast %swap3A_217 : i32 to index
    %swap3A_219 = arith.constant 64 : index
    %swap3A_220 = tpu.vector_load %arg6[%swap3A_218, %swap3A_219] {strides = array<i32>} : memref<16x128xf32, #tpu.memory_space<vmem>>, vector<1x16xf32>,
    %swap3A_221 = vector.shape_cast %swap3A_220 : vector<1x16xf32> to vector<16xf32>
    %swap3A_222 = vector.shape_cast %broadcast_in_dim3A_1 : vector<16xf32> to vector<1x16xf32>
    tpu.vector_store %arg6[%swap3A_218, %swap3A_219], %swap3A_222 {strides = array<i32>} : memref<16x128xf32, #tpu.memory_space<vmem>>, vector<1x16xf32>,
    %swap3A_223 = arith.constant 4 : i32
    %swap3A_224 = arith.index_cast %swap3A_223 : i32 to index
    %swap3A_225 = arith.constant 80 : index
    %swap3A_226 = tpu.vector_load %arg6[%swap3A_224, %swap3A_225] {strides = array<i32>} : memref<16x128xf32, #tpu.memory_space<vmem>>, vector<1x16xf32>,
    %swap3A_227 = vector.shape_cast %swap3A_226 : vector<1x16xf32> to vector<16xf32>
    %swap3A_228 = vector.shape_cast %broadcast_in_dim3A_1 : vector<16xf32> to vector<1x16xf32>
    tpu.vector_store %arg6[%swap3A_224, %swap3A_225], %swap3A_228 {strides = array<i32>} : memref<16x128xf32, #tpu.memory_space<vmem>>, vector<1x16xf32>,
    %swap3A_229 = arith.constant 4 : i32
    %swap3A_230 = arith.index_cast %swap3A_229 : i32 to index
    %swap3A_231 = arith.constant 96 : index
    %swap3A_232 = tpu.vector_load %arg6[%swap3A_230, %swap3A_231] {strides = array<i32>} : memref<16x128xf32, #tpu.memory_space<vmem>>, vector<1x16xf32>,
    %swap3A_233 = vector.shape_cast %swap3A_232 : vector<1x16xf32> to vector<16xf32>
    %swap3A_234 = vector.shape_cast %broadcast_in_dim3A_1 : vector<16xf32> to vector<1x16xf32>
    tpu.vector_store %arg6[%swap3A_230, %swap3A_231], %swap3A_234 {strides = array<i32>} : memref<16x128xf32, #tpu.memory_space<vmem>>, vector<1x16xf32>,
    %swap3A_235 = arith.constant 4 : i32
    %swap3A_236 = arith.index_cast %swap3A_235 : i32 to index
    %swap3A_237 = arith.constant 112 : index
    %swap3A_238 = tpu.vector_load %arg6[%swap3A_236, %swap3A_237] {strides = array<i32>} : memref<16x128xf32, #tpu.memory_space<vmem>>, vector<1x16xf32>,
    %swap3A_239 = vector.shape_cast %swap3A_238 : vector<1x16xf32> to vector<16xf32>
    %swap3A_240 = vector.shape_cast %broadcast_in_dim3A_1 : vector<16xf32> to vector<1x16xf32>
    tpu.vector_store %arg6[%swap3A_236, %swap3A_237], %swap3A_240 {strides = array<i32>} : memref<16x128xf32, #tpu.memory_space<vmem>>, vector<1x16xf32>,
    %swap3A_241 = arith.constant 5 : i32
    %swap3A_242 = arith.index_cast %swap3A_241 : i32 to index
    %swap3A_243 = arith.constant 0 : index
    %swap3A_244 = tpu.vector_load %arg6[%swap3A_242, %swap3A_243] {strides = array<i32>} : memref<16x128xf32, #tpu.memory_space<vmem>>, vector<1x16xf32>,
    %swap3A_245 = vector.shape_cast %swap3A_244 : vector<1x16xf32> to vector<16xf32>
    %swap3A_246 = vector.shape_cast %broadcast_in_dim3A_1 : vector<16xf32> to vector<1x16xf32>
    tpu.vector_store %arg6[%swap3A_242, %swap3A_243], %swap3A_246 {strides = array<i32>} : memref<16x128xf32, #tpu.memory_space<vmem>>, vector<1x16xf32>,
    %swap3A_247 = arith.constant 5 : i32
    %swap3A_248 = arith.index_cast %swap3A_247 : i32 to index
    %swap3A_249 = arith.constant 16 : index
    %swap3A_250 = tpu.vector_load %arg6[%swap3A_248, %swap3A_249] {strides = array<i32>} : memref<16x128xf32, #tpu.memory_space<vmem>>, vector<1x16xf32>,
    %swap3A_251 = vector.shape_cast %swap3A_250 : vector<1x16xf32> to vector<16xf32>
    %swap3A_252 = vector.shape_cast %broadcast_in_dim3A_1 : vector<16xf32> to vector<1x16xf32>
    tpu.vector_store %arg6[%swap3A_248, %swap3A_249], %swap3A_252 {strides = array<i32>} : memref<16x128xf32, #tpu.memory_space<vmem>>, vector<1x16xf32>,
    %swap3A_253 = arith.constant 5 : i32
    %swap3A_254 = arith.index_cast %swap3A_253 : i32 to index
    %swap3A_255 = arith.constant 32 : index
    %swap3A_256 = tpu.vector_load %arg6[%swap3A_254, %swap3A_255] {strides = array<i32>} : memref<16x128xf32, #tpu.memory_space<vmem>>, vector<1x16xf32>,
    %swap3A_257 = vector.shape_cast %swap3A_256 : vector<1x16xf32> to vector<16xf32>
    %swap3A_258 = vector.shape_cast %broadcast_in_dim3A_1 : vector<16xf32> to vector<1x16xf32>
    tpu.vector_store %arg6[%swap3A_254, %swap3A_255], %swap3A_258 {strides = array<i32>} : memref<16x128xf32, #tpu.memory_space<vmem>>, vector<1x16xf32>,
    %swap3A_259 = arith.constant 5 : i32
    %swap3A_260 = arith.index_cast %swap3A_259 : i32 to index
    %swap3A_261 = arith.constant 48 : index
    %swap3A_262 = tpu.vector_load %arg6[%swap3A_260, %swap3A_261] {strides = array<i32>} : memref<16x128xf32, #tpu.memory_space<vmem>>, vector<1x16xf32>,
    %swap3A_263 = vector.shape_cast %swap3A_262 : vector<1x16xf32> to vector<16xf32>
    %swap3A_264 = vector.shape_cast %broadcast_in_dim3A_1 : vector<16xf32> to vector<1x16xf32>
    tpu.vector_store %arg6[%swap3A_260, %swap3A_261], %swap3A_264 {strides = array<i32>} : memref<16x128xf32, #tpu.memory_space<vmem>>, vector<1x16xf32>,
    %swap3A_265 = arith.constant 5 : i32
    %swap3A_266 = arith.index_cast %swap3A_265 : i32 to index
    %swap3A_267 = arith.constant 64 : index
    %swap3A_268 = tpu.vector_load %arg6[%swap3A_266, %swap3A_267] {strides = array<i32>} : memref<16x128xf32, #tpu.memory_space<vmem>>, vector<1x16xf32>,
    %swap3A_269 = vector.shape_cast %swap3A_268 : vector<1x16xf32> to vector<16xf32>
    %swap3A_270 = vector.shape_cast %broadcast_in_dim3A_1 : vector<16xf32> to vector<1x16xf32>
    tpu.vector_store %arg6[%swap3A_266, %swap3A_267], %swap3A_270 {strides = array<i32>} : memref<16x128xf32, #tpu.memory_space<vmem>>, vector<1x16xf32>,
    %swap3A_271 = arith.constant 5 : i32
    %swap3A_272 = arith.index_cast %swap3A_271 : i32 to index
    %swap3A_273 = arith.constant 80 : index
    %swap3A_274 = tpu.vector_load %arg6[%swap3A_272, %swap3A_273] {strides = array<i32>} : memref<16x128xf32, #tpu.memory_space<vmem>>, vector<1x16xf32>,
    %swap3A_275 = vector.shape_cast %swap3A_274 : vector<1x16xf32> to vector<16xf32>
    %swap3A_276 = vector.shape_cast %broadcast_in_dim3A_1 : vector<16xf32> to vector<1x16xf32>
    tpu.vector_store %arg6[%swap3A_272, %swap3A_273], %swap3A_276 {strides = array<i32>} : memref<16x128xf32, #tpu.memory_space<vmem>>, vector<1x16xf32>,
    %swap3A_277 = arith.constant 5 : i32
    %swap3A_278 = arith.index_cast %swap3A_277 : i32 to index
    %swap3A_279 = arith.constant 96 : index
    %swap3A_280 = tpu.vector_load %arg6[%swap3A_278, %swap3A_279] {strides = array<i32>} : memref<16x128xf32, #tpu.memory_space<vmem>>, vector<1x16xf32>,
    %swap3A_281 = vector.shape_cast %swap3A_280 : vector<1x16xf32> to vector<16xf32>
    %swap3A_282 = vector.shape_cast %broadcast_in_dim3A_1 : vector<16xf32> to vector<1x16xf32>
    tpu.vector_store %arg6[%swap3A_278, %swap3A_279], %swap3A_282 {strides = array<i32>} : memref<16x128xf32, #tpu.memory_space<vmem>>, vector<1x16xf32>,
    %swap3A_283 = arith.constant 5 : i32
    %swap3A_284 = arith.index_cast %swap3A_283 : i32 to index
    %swap3A_285 = arith.constant 112 : index
    %swap3A_286 = tpu.vector_load %arg6[%swap3A_284, %swap3A_285] {strides = array<i32>} : memref<16x128xf32, #tpu.memory_space<vmem>>, vector<1x16xf32>,
    %swap3A_287 = vector.shape_cast %swap3A_286 : vector<1x16xf32> to vector<16xf32>
    %swap3A_288 = vector.shape_cast %broadcast_in_dim3A_1 : vector<16xf32> to vector<1x16xf32>
    tpu.vector_store %arg6[%swap3A_284, %swap3A_285], %swap3A_288 {strides = array<i32>} : memref<16x128xf32, #tpu.memory_space<vmem>>, vector<1x16xf32>,
    %swap3A_289 = arith.constant 6 : i32
    %swap3A_290 = arith.index_cast %swap3A_289 : i32 to index
    %swap3A_291 = arith.constant 0 : index
    %swap3A_292 = tpu.vector_load %arg6[%swap3A_290, %swap3A_291] {strides = array<i32>} : memref<16x128xf32, #tpu.memory_space<vmem>>, vector<1x16xf32>,
    %swap3A_293 = vector.shape_cast %swap3A_292 : vector<1x16xf32> to vector<16xf32>
    %swap3A_294 = vector.shape_cast %broadcast_in_dim3A_1 : vector<16xf32> to vector<1x16xf32>
    tpu.vector_store %arg6[%swap3A_290, %swap3A_291], %swap3A_294 {strides = array<i32>} : memref<16x128xf32, #tpu.memory_space<vmem>>, vector<1x16xf32>,
    %swap3A_295 = arith.constant 6 : i32
    %swap3A_296 = arith.index_cast %swap3A_295 : i32 to index
    %swap3A_297 = arith.constant 16 : index
    %swap3A_298 = tpu.vector_load %arg6[%swap3A_296, %swap3A_297] {strides = array<i32>} : memref<16x128xf32, #tpu.memory_space<vmem>>, vector<1x16xf32>,
    %swap3A_299 = vector.shape_cast %swap3A_298 : vector<1x16xf32> to vector<16xf32>
    %swap3A_300 = vector.shape_cast %broadcast_in_dim3A_1 : vector<16xf32> to vector<1x16xf32>
    tpu.vector_store %arg6[%swap3A_296, %swap3A_297], %swap3A_300 {strides = array<i32>} : memref<16x128xf32, #tpu.memory_space<vmem>>, vector<1x16xf32>,
    %swap3A_301 = arith.constant 6 : i32
    %swap3A_302 = arith.index_cast %swap3A_301 : i32 to index
    %swap3A_303 = arith.constant 32 : index
    %swap3A_304 = tpu.vector_load %arg6[%swap3A_302, %swap3A_303] {strides = array<i32>} : memref<16x128xf32, #tpu.memory_space<vmem>>, vector<1x16xf32>,
    %swap3A_305 = vector.shape_cast %swap3A_304 : vector<1x16xf32> to vector<16xf32>
    %swap3A_306 = vector.shape_cast %broadcast_in_dim3A_1 : vector<16xf32> to vector<1x16xf32>
    tpu.vector_store %arg6[%swap3A_302, %swap3A_303], %swap3A_306 {strides = array<i32>} : memref<16x128xf32, #tpu.memory_space<vmem>>, vector<1x16xf32>,
    %swap3A_307 = arith.constant 6 : i32
    %swap3A_308 = arith.index_cast %swap3A_307 : i32 to index
    %swap3A_309 = arith.constant 48 : index
    %swap3A_310 = tpu.vector_load %arg6[%swap3A_308, %swap3A_309] {strides = array<i32>} : memref<16x128xf32, #tpu.memory_space<vmem>>, vector<1x16xf32>,
    %swap3A_311 = vector.shape_cast %swap3A_310 : vector<1x16xf32> to vector<16xf32>
    %swap3A_312 = vector.shape_cast %broadcast_in_dim3A_1 : vector<16xf32> to vector<1x16xf32>
    tpu.vector_store %arg6[%swap3A_308, %swap3A_309], %swap3A_312 {strides = array<i32>} : memref<16x128xf32, #tpu.memory_space<vmem>>, vector<1x16xf32>,
    %swap3A_313 = arith.constant 6 : i32
    %swap3A_314 = arith.index_cast %swap3A_313 : i32 to index
    %swap3A_315 = arith.constant 64 : index
    %swap3A_316 = tpu.vector_load %arg6[%swap3A_314, %swap3A_315] {strides = array<i32>} : memref<16x128xf32, #tpu.memory_space<vmem>>, vector<1x16xf32>,
    %swap3A_317 = vector.shape_cast %swap3A_316 : vector<1x16xf32> to vector<16xf32>
    %swap3A_318 = vector.shape_cast %broadcast_in_dim3A_1 : vector<16xf32> to vector<1x16xf32>
    tpu.vector_store %arg6[%swap3A_314, %swap3A_315], %swap3A_318 {strides = array<i32>} : memref<16x128xf32, #tpu.memory_space<vmem>>, vector<1x16xf32>,
    %swap3A_319 = arith.constant 6 : i32
    %swap3A_320 = arith.index_cast %swap3A_319 : i32 to index
    %swap3A_321 = arith.constant 80 : index
    %swap3A_322 = tpu.vector_load %arg6[%swap3A_320, %swap3A_321] {strides = array<i32>} : memref<16x128xf32, #tpu.memory_space<vmem>>, vector<1x16xf32>,
    %swap3A_323 = vector.shape_cast %swap3A_322 : vector<1x16xf32> to vector<16xf32>
    %swap3A_324 = vector.shape_cast %broadcast_in_dim3A_1 : vector<16xf32> to vector<1x16xf32>
    tpu.vector_store %arg6[%swap3A_320, %swap3A_321], %swap3A_324 {strides = array<i32>} : memref<16x128xf32, #tpu.memory_space<vmem>>, vector<1x16xf32>,
    %swap3A_325 = arith.constant 6 : i32
    %swap3A_326 = arith.index_cast %swap3A_325 : i32 to index
    %swap3A_327 = arith.constant 96 : index
    %swap3A_328 = tpu.vector_load %arg6[%swap3A_326, %swap3A_327] {strides = array<i32>} : memref<16x128xf32, #tpu.memory_space<vmem>>, vector<1x16xf32>,
    %swap3A_329 = vector.shape_cast %swap3A_328 : vector<1x16xf32> to vector<16xf32>
    %swap3A_330 = vector.shape_cast %broadcast_in_dim3A_1 : vector<16xf32> to vector<1x16xf32>
    tpu.vector_store %arg6[%swap3A_326, %swap3A_327], %swap3A_330 {strides = array<i32>} : memref<16x128xf32, #tpu.memory_space<vmem>>, vector<1x16xf32>,
    %swap3A_331 = arith.constant 6 : i32
    %swap3A_332 = arith.index_cast %swap3A_331 : i32 to index
    %swap3A_333 = arith.constant 112 : index
    %swap3A_334 = tpu.vector_load %arg6[%swap3A_332, %swap3A_333] {strides = array<i32>} : memref<16x128xf32, #tpu.memory_space<vmem>>, vector<1x16xf32>,
    %swap3A_335 = vector.shape_cast %swap3A_334 : vector<1x16xf32> to vector<16xf32>
    %swap3A_336 = vector.shape_cast %broadcast_in_dim3A_1 : vector<16xf32> to vector<1x16xf32>
    tpu.vector_store %arg6[%swap3A_332, %swap3A_333], %swap3A_336 {strides = array<i32>} : memref<16x128xf32, #tpu.memory_space<vmem>>, vector<1x16xf32>,
    %swap3A_337 = arith.constant 7 : i32
    %swap3A_338 = arith.index_cast %swap3A_337 : i32 to index
    %swap3A_339 = arith.constant 0 : index
    %swap3A_340 = tpu.vector_load %arg6[%swap3A_338, %swap3A_339] {strides = array<i32>} : memref<16x128xf32, #tpu.memory_space<vmem>>, vector<1x16xf32>,
    %swap3A_341 = vector.shape_cast %swap3A_340 : vector<1x16xf32> to vector<16xf32>
    %swap3A_342 = vector.shape_cast %broadcast_in_dim3A_1 : vector<16xf32> to vector<1x16xf32>
    tpu.vector_store %arg6[%swap3A_338, %swap3A_339], %swap3A_342 {strides = array<i32>} : memref<16x128xf32, #tpu.memory_space<vmem>>, vector<1x16xf32>,
    %swap3A_343 = arith.constant 7 : i32
    %swap3A_344 = arith.index_cast %swap3A_343 : i32 to index
    %swap3A_345 = arith.constant 16 : index
    %swap3A_346 = tpu.vector_load %arg6[%swap3A_344, %swap3A_345] {strides = array<i32>} : memref<16x128xf32, #tpu.memory_space<vmem>>, vector<1x16xf32>,
    %swap3A_347 = vector.shape_cast %swap3A_346 : vector<1x16xf32> to vector<16xf32>
    %swap3A_348 = vector.shape_cast %broadcast_in_dim3A_1 : vector<16xf32> to vector<1x16xf32>
    tpu.vector_store %arg6[%swap3A_344, %swap3A_345], %swap3A_348 {strides = array<i32>} : memref<16x128xf32, #tpu.memory_space<vmem>>, vector<1x16xf32>,
    %swap3A_349 = arith.constant 7 : i32
    %swap3A_350 = arith.index_cast %swap3A_349 : i32 to index
    %swap3A_351 = arith.constant 32 : index
    %swap3A_352 = tpu.vector_load %arg6[%swap3A_350, %swap3A_351] {strides = array<i32>} : memref<16x128xf32, #tpu.memory_space<vmem>>, vector<1x16xf32>,
    %swap3A_353 = vector.shape_cast %swap3A_352 : vector<1x16xf32> to vector<16xf32>
    %swap3A_354 = vector.shape_cast %broadcast_in_dim3A_1 : vector<16xf32> to vector<1x16xf32>
    tpu.vector_store %arg6[%swap3A_350, %swap3A_351], %swap3A_354 {strides = array<i32>} : memref<16x128xf32, #tpu.memory_space<vmem>>, vector<1x16xf32>,
    %swap3A_355 = arith.constant 7 : i32
    %swap3A_356 = arith.index_cast %swap3A_355 : i32 to index
    %swap3A_357 = arith.constant 48 : index
    %swap3A_358 = tpu.vector_load %arg6[%swap3A_356, %swap3A_357] {strides = array<i32>} : memref<16x128xf32, #tpu.memory_space<vmem>>, vector<1x16xf32>,
    %swap3A_359 = vector.shape_cast %swap3A_358 : vector<1x16xf32> to vector<16xf32>
    %swap3A_360 = vector.shape_cast %broadcast_in_dim3A_1 : vector<16xf32> to vector<1x16xf32>
    tpu.vector_store %arg6[%swap3A_356, %swap3A_357], %swap3A_360 {strides = array<i32>} : memref<16x128xf32, #tpu.memory_space<vmem>>, vector<1x16xf32>,
    %swap3A_361 = arith.constant 7 : i32
    %swap3A_362 = arith.index_cast %swap3A_361 : i32 to index
    %swap3A_363 = arith.constant 64 : index
    %swap3A_364 = tpu.vector_load %arg6[%swap3A_362, %swap3A_363] {strides = array<i32>} : memref<16x128xf32, #tpu.memory_space<vmem>>, vector<1x16xf32>,
    %swap3A_365 = vector.shape_cast %swap3A_364 : vector<1x16xf32> to vector<16xf32>
    %swap3A_366 = vector.shape_cast %broadcast_in_dim3A_1 : vector<16xf32> to vector<1x16xf32>
    tpu.vector_store %arg6[%swap3A_362, %swap3A_363], %swap3A_366 {strides = array<i32>} : memref<16x128xf32, #tpu.memory_space<vmem>>, vector<1x16xf32>,
    %swap3A_367 = arith.constant 7 : i32
    %swap3A_368 = arith.index_cast %swap3A_367 : i32 to index
    %swap3A_369 = arith.constant 80 : index
    %swap3A_370 = tpu.vector_load %arg6[%swap3A_368, %swap3A_369] {strides = array<i32>} : memref<16x128xf32, #tpu.memory_space<vmem>>, vector<1x16xf32>,
    %swap3A_371 = vector.shape_cast %swap3A_370 : vector<1x16xf32> to vector<16xf32>
    %swap3A_372 = vector.shape_cast %broadcast_in_dim3A_1 : vector<16xf32> to vector<1x16xf32>
    tpu.vector_store %arg6[%swap3A_368, %swap3A_369], %swap3A_372 {strides = array<i32>} : memref<16x128xf32, #tpu.memory_space<vmem>>, vector<1x16xf32>,
    %swap3A_373 = arith.constant 7 : i32
    %swap3A_374 = arith.index_cast %swap3A_373 : i32 to index
    %swap3A_375 = arith.constant 96 : index
    %swap3A_376 = tpu.vector_load %arg6[%swap3A_374, %swap3A_375] {strides = array<i32>} : memref<16x128xf32, #tpu.memory_space<vmem>>, vector<1x16xf32>,
    %swap3A_377 = vector.shape_cast %swap3A_376 : vector<1x16xf32> to vector<16xf32>
    %swap3A_378 = vector.shape_cast %broadcast_in_dim3A_1 : vector<16xf32> to vector<1x16xf32>
    tpu.vector_store %arg6[%swap3A_374, %swap3A_375], %swap3A_378 {strides = array<i32>} : memref<16x128xf32, #tpu.memory_space<vmem>>, vector<1x16xf32>,
    %swap3A_379 = arith.constant 7 : i32
    %swap3A_380 = arith.index_cast %swap3A_379 : i32 to index
    %swap3A_381 = arith.constant 112 : index
    %swap3A_382 = tpu.vector_load %arg6[%swap3A_380, %swap3A_381] {strides = array<i32>} : memref<16x128xf32, #tpu.memory_space<vmem>>, vector<1x16xf32>,
    %swap3A_383 = vector.shape_cast %swap3A_382 : vector<1x16xf32> to vector<16xf32>
    %swap3A_384 = vector.shape_cast %broadcast_in_dim3A_1 : vector<16xf32> to vector<1x16xf32>
    tpu.vector_store %arg6[%swap3A_380, %swap3A_381], %swap3A_384 {strides = array<i32>} : memref<16x128xf32, #tpu.memory_space<vmem>>, vector<1x16xf32>,
    %swap3A_385 = arith.constant 8 : i32
    %swap3A_386 = arith.index_cast %swap3A_385 : i32 to index
    %swap3A_387 = arith.constant 0 : index
    %swap3A_388 = tpu.vector_load %arg6[%swap3A_386, %swap3A_387] {strides = array<i32>} : memref<16x128xf32, #tpu.memory_space<vmem>>, vector<1x16xf32>,
    %swap3A_389 = vector.shape_cast %swap3A_388 : vector<1x16xf32> to vector<16xf32>
    %swap3A_390 = vector.shape_cast %broadcast_in_dim3A_1 : vector<16xf32> to vector<1x16xf32>
    tpu.vector_store %arg6[%swap3A_386, %swap3A_387], %swap3A_390 {strides = array<i32>} : memref<16x128xf32, #tpu.memory_space<vmem>>, vector<1x16xf32>,
    %swap3A_391 = arith.constant 8 : i32
    %swap3A_392 = arith.index_cast %swap3A_391 : i32 to index
    %swap3A_393 = arith.constant 16 : index
    %swap3A_394 = tpu.vector_load %arg6[%swap3A_392, %swap3A_393] {strides = array<i32>} : memref<16x128xf32, #tpu.memory_space<vmem>>, vector<1x16xf32>,
    %swap3A_395 = vector.shape_cast %swap3A_394 : vector<1x16xf32> to vector<16xf32>
    %swap3A_396 = vector.shape_cast %broadcast_in_dim3A_1 : vector<16xf32> to vector<1x16xf32>
    tpu.vector_store %arg6[%swap3A_392, %swap3A_393], %swap3A_396 {strides = array<i32>} : memref<16x128xf32, #tpu.memory_space<vmem>>, vector<1x16xf32>,
    %swap3A_397 = arith.constant 8 : i32
    %swap3A_398 = arith.index_cast %swap3A_397 : i32 to index
    %swap3A_399 = arith.constant 32 : index
    %swap3A_400 = tpu.vector_load %arg6[%swap3A_398, %swap3A_399] {strides = array<i32>} : memref<16x128xf32, #tpu.memory_space<vmem>>, vector<1x16xf32>,
    %swap3A_401 = vector.shape_cast %swap3A_400 : vector<1x16xf32> to vector<16xf32>
    %swap3A_402 = vector.shape_cast %broadcast_in_dim3A_1 : vector<16xf32> to vector<1x16xf32>
    tpu.vector_store %arg6[%swap3A_398, %swap3A_399], %swap3A_402 {strides = array<i32>} : memref<16x128xf32, #tpu.memory_space<vmem>>, vector<1x16xf32>,
    %swap3A_403 = arith.constant 8 : i32
    %swap3A_404 = arith.index_cast %swap3A_403 : i32 to index
    %swap3A_405 = arith.constant 48 : index
    %swap3A_406 = tpu.vector_load %arg6[%swap3A_404, %swap3A_405] {strides = array<i32>} : memref<16x128xf32, #tpu.memory_space<vmem>>, vector<1x16xf32>,
    %swap3A_407 = vector.shape_cast %swap3A_406 : vector<1x16xf32> to vector<16xf32>
    %swap3A_408 = vector.shape_cast %broadcast_in_dim3A_1 : vector<16xf32> to vector<1x16xf32>
    tpu.vector_store %arg6[%swap3A_404, %swap3A_405], %swap3A_408 {strides = array<i32>} : memref<16x128xf32, #tpu.memory_space<vmem>>, vector<1x16xf32>,
    %swap3A_409 = arith.constant 8 : i32
    %swap3A_410 = arith.index_cast %swap3A_409 : i32 to index
    %swap3A_411 = arith.constant 64 : index
    %swap3A_412 = tpu.vector_load %arg6[%swap3A_410, %swap3A_411] {strides = array<i32>} : memref<16x128xf32, #tpu.memory_space<vmem>>, vector<1x16xf32>,
    %swap3A_413 = vector.shape_cast %swap3A_412 : vector<1x16xf32> to vector<16xf32>
    %swap3A_414 = vector.shape_cast %broadcast_in_dim3A_1 : vector<16xf32> to vector<1x16xf32>
    tpu.vector_store %arg6[%swap3A_410, %swap3A_411], %swap3A_414 {strides = array<i32>} : memref<16x128xf32, #tpu.memory_space<vmem>>, vector<1x16xf32>,
    %swap3A_415 = arith.constant 8 : i32
    %swap3A_416 = arith.index_cast %swap3A_415 : i32 to index
    %swap3A_417 = arith.constant 80 : index
    %swap3A_418 = tpu.vector_load %arg6[%swap3A_416, %swap3A_417] {strides = array<i32>} : memref<16x128xf32, #tpu.memory_space<vmem>>, vector<1x16xf32>,
    %swap3A_419 = vector.shape_cast %swap3A_418 : vector<1x16xf32> to vector<16xf32>
    %swap3A_420 = vector.shape_cast %broadcast_in_dim3A_1 : vector<16xf32> to vector<1x16xf32>
    tpu.vector_store %arg6[%swap3A_416, %swap3A_417], %swap3A_420 {strides = array<i32>} : memref<16x128xf32, #tpu.memory_space<vmem>>, vector<1x16xf32>,
    %swap3A_421 = arith.constant 8 : i32
    %swap3A_422 = arith.index_cast %swap3A_421 : i32 to index
    %swap3A_423 = arith.constant 96 : index
    %swap3A_424 = tpu.vector_load %arg6[%swap3A_422, %swap3A_423] {strides = array<i32>} : memref<16x128xf32, #tpu.memory_space<vmem>>, vector<1x16xf32>,
    %swap3A_425 = vector.shape_cast %swap3A_424 : vector<1x16xf32> to vector<16xf32>
    %swap3A_426 = vector.shape_cast %broadcast_in_dim3A_1 : vector<16xf32> to vector<1x16xf32>
    tpu.vector_store %arg6[%swap3A_422, %swap3A_423], %swap3A_426 {strides = array<i32>} : memref<16x128xf32, #tpu.memory_space<vmem>>, vector<1x16xf32>,
    %swap3A_427 = arith.constant 8 : i32
    %swap3A_428 = arith.index_cast %swap3A_427 : i32 to index
    %swap3A_429 = arith.constant 112 : index
    %swap3A_430 = tpu.vector_load %arg6[%swap3A_428, %swap3A_429] {strides = array<i32>} : memref<16x128xf32, #tpu.memory_space<vmem>>, vector<1x16xf32>,
    %swap3A_431 = vector.shape_cast %swap3A_430 : vector<1x16xf32> to vector<16xf32>
    %swap3A_432 = vector.shape_cast %broadcast_in_dim3A_1 : vector<16xf32> to vector<1x16xf32>
    tpu.vector_store %arg6[%swap3A_428, %swap3A_429], %swap3A_432 {strides = array<i32>} : memref<16x128xf32, #tpu.memory_space<vmem>>, vector<1x16xf32>,
    %swap3A_433 = arith.constant 9 : i32
    %swap3A_434 = arith.index_cast %swap3A_433 : i32 to index
    %swap3A_435 = arith.constant 0 : index
    %swap3A_436 = tpu.vector_load %arg6[%swap3A_434, %swap3A_435] {strides = array<i32>} : memref<16x128xf32, #tpu.memory_space<vmem>>, vector<1x16xf32>,
    %swap3A_437 = vector.shape_cast %swap3A_436 : vector<1x16xf32> to vector<16xf32>
    %swap3A_438 = vector.shape_cast %broadcast_in_dim3A_1 : vector<16xf32> to vector<1x16xf32>
    tpu.vector_store %arg6[%swap3A_434, %swap3A_435], %swap3A_438 {strides = array<i32>} : memref<16x128xf32, #tpu.memory_space<vmem>>, vector<1x16xf32>,
    %swap3A_439 = arith.constant 9 : i32
    %swap3A_440 = arith.index_cast %swap3A_439 : i32 to index
    %swap3A_441 = arith.constant 16 : index
    %swap3A_442 = tpu.vector_load %arg6[%swap3A_440, %swap3A_441] {strides = array<i32>} : memref<16x128xf32, #tpu.memory_space<vmem>>, vector<1x16xf32>,
    %swap3A_443 = vector.shape_cast %swap3A_442 : vector<1x16xf32> to vector<16xf32>
    %swap3A_444 = vector.shape_cast %broadcast_in_dim3A_1 : vector<16xf32> to vector<1x16xf32>
    tpu.vector_store %arg6[%swap3A_440, %swap3A_441], %swap3A_444 {strides = array<i32>} : memref<16x128xf32, #tpu.memory_space<vmem>>, vector<1x16xf32>,
    %swap3A_445 = arith.constant 9 : i32
    %swap3A_446 = arith.index_cast %swap3A_445 : i32 to index
    %swap3A_447 = arith.constant 32 : index
    %swap3A_448 = tpu.vector_load %arg6[%swap3A_446, %swap3A_447] {strides = array<i32>} : memref<16x128xf32, #tpu.memory_space<vmem>>, vector<1x16xf32>,
    %swap3A_449 = vector.shape_cast %swap3A_448 : vector<1x16xf32> to vector<16xf32>
    %swap3A_450 = vector.shape_cast %broadcast_in_dim3A_1 : vector<16xf32> to vector<1x16xf32>
    tpu.vector_store %arg6[%swap3A_446, %swap3A_447], %swap3A_450 {strides = array<i32>} : memref<16x128xf32, #tpu.memory_space<vmem>>, vector<1x16xf32>,
    %swap3A_451 = arith.constant 9 : i32
    %swap3A_452 = arith.index_cast %swap3A_451 : i32 to index
    %swap3A_453 = arith.constant 48 : index
    %swap3A_454 = tpu.vector_load %arg6[%swap3A_452, %swap3A_453] {strides = array<i32>} : memref<16x128xf32, #tpu.memory_space<vmem>>, vector<1x16xf32>,
    %swap3A_455 = vector.shape_cast %swap3A_454 : vector<1x16xf32> to vector<16xf32>
    %swap3A_456 = vector.shape_cast %broadcast_in_dim3A_1 : vector<16xf32> to vector<1x16xf32>
    tpu.vector_store %arg6[%swap3A_452, %swap3A_453], %swap3A_456 {strides = array<i32>} : memref<16x128xf32, #tpu.memory_space<vmem>>, vector<1x16xf32>,
    %swap3A_457 = arith.constant 9 : i32
    %swap3A_458 = arith.index_cast %swap3A_457 : i32 to index
    %swap3A_459 = arith.constant 64 : index
    %swap3A_460 = tpu.vector_load %arg6[%swap3A_458, %swap3A_459] {strides = array<i32>} : memref<16x128xf32, #tpu.memory_space<vmem>>, vector<1x16xf32>,
    %swap3A_461 = vector.shape_cast %swap3A_460 : vector<1x16xf32> to vector<16xf32>
    %swap3A_462 = vector.shape_cast %broadcast_in_dim3A_1 : vector<16xf32> to vector<1x16xf32>
    tpu.vector_store %arg6[%swap3A_458, %swap3A_459], %swap3A_462 {strides = array<i32>} : memref<16x128xf32, #tpu.memory_space<vmem>>, vector<1x16xf32>,
    %swap3A_463 = arith.constant 9 : i32
    %swap3A_464 = arith.index_cast %swap3A_463 : i32 to index
    %swap3A_465 = arith.constant 80 : index
    %swap3A_466 = tpu.vector_load %arg6[%swap3A_464, %swap3A_465] {strides = array<i32>} : memref<16x128xf32, #tpu.memory_space<vmem>>, vector<1x16xf32>,
    %swap3A_467 = vector.shape_cast %swap3A_466 : vector<1x16xf32> to vector<16xf32>
    %swap3A_468 = vector.shape_cast %broadcast_in_dim3A_1 : vector<16xf32> to vector<1x16xf32>
    tpu.vector_store %arg6[%swap3A_464, %swap3A_465], %swap3A_468 {strides = array<i32>} : memref<16x128xf32, #tpu.memory_space<vmem>>, vector<1x16xf32>,
    %swap3A_469 = arith.constant 9 : i32
    %swap3A_470 = arith.index_cast %swap3A_469 : i32 to index
    %swap3A_471 = arith.constant 96 : index
    %swap3A_472 = tpu.vector_load %arg6[%swap3A_470, %swap3A_471] {strides = array<i32>} : memref<16x128xf32, #tpu.memory_space<vmem>>, vector<1x16xf32>,
    %swap3A_473 = vector.shape_cast %swap3A_472 : vector<1x16xf32> to vector<16xf32>
    %swap3A_474 = vector.shape_cast %broadcast_in_dim3A_1 : vector<16xf32> to vector<1x16xf32>
    tpu.vector_store %arg6[%swap3A_470, %swap3A_471], %swap3A_474 {strides = array<i32>} : memref<16x128xf32, #tpu.memory_space<vmem>>, vector<1x16xf32>,
    %swap3A_475 = arith.constant 9 : i32
    %swap3A_476 = arith.index_cast %swap3A_475 : i32 to index
    %swap3A_477 = arith.constant 112 : index
    %swap3A_478 = tpu.vector_load %arg6[%swap3A_476, %swap3A_477] {strides = array<i32>} : memref<16x128xf32, #tpu.memory_space<vmem>>, vector<1x16xf32>,
    %swap3A_479 = vector.shape_cast %swap3A_478 : vector<1x16xf32> to vector<16xf32>
    %swap3A_480 = vector.shape_cast %broadcast_in_dim3A_1 : vector<16xf32> to vector<1x16xf32>
    tpu.vector_store %arg6[%swap3A_476, %swap3A_477], %swap3A_480 {strides = array<i32>} : memref<16x128xf32, #tpu.memory_space<vmem>>, vector<1x16xf32>,
    %swap3A_481 = arith.constant 10 : i32
    %swap3A_482 = arith.index_cast %swap3A_481 : i32 to index
    %swap3A_483 = arith.constant 0 : index
    %swap3A_484 = tpu.vector_load %arg6[%swap3A_482, %swap3A_483] {strides = array<i32>} : memref<16x128xf32, #tpu.memory_space<vmem>>, vector<1x16xf32>,
    %swap3A_485 = vector.shape_cast %swap3A_484 : vector<1x16xf32> to vector<16xf32>
    %swap3A_486 = vector.shape_cast %broadcast_in_dim3A_1 : vector<16xf32> to vector<1x16xf32>
    tpu.vector_store %arg6[%swap3A_482, %swap3A_483], %swap3A_486 {strides = array<i32>} : memref<16x128xf32, #tpu.memory_space<vmem>>, vector<1x16xf32>,
    %swap3A_487 = arith.constant 10 : i32
    %swap3A_488 = arith.index_cast %swap3A_487 : i32 to index
    %swap3A_489 = arith.constant 16 : index
    %swap3A_490 = tpu.vector_load %arg6[%swap3A_488, %swap3A_489] {strides = array<i32>} : memref<16x128xf32, #tpu.memory_space<vmem>>, vector<1x16xf32>,
    %swap3A_491 = vector.shape_cast %swap3A_490 : vector<1x16xf32> to vector<16xf32>
    %swap3A_492 = vector.shape_cast %broadcast_in_dim3A_1 : vector<16xf32> to vector<1x16xf32>
    tpu.vector_store %arg6[%swap3A_488, %swap3A_489], %swap3A_492 {strides = array<i32>} : memref<16x128xf32, #tpu.memory_space<vmem>>, vector<1x16xf32>,
    %swap3A_493 = arith.constant 10 : i32
    %swap3A_494 = arith.index_cast %swap3A_493 : i32 to index
    %swap3A_495 = arith.constant 32 : index
    %swap3A_496 = tpu.vector_load %arg6[%swap3A_494, %swap3A_495] {strides = array<i32>} : memref<16x128xf32, #tpu.memory_space<vmem>>, vector<1x16xf32>,
    %swap3A_497 = vector.shape_cast %swap3A_496 : vector<1x16xf32> to vector<16xf32>
    %swap3A_498 = vector.shape_cast %broadcast_in_dim3A_1 : vector<16xf32> to vector<1x16xf32>
    tpu.vector_store %arg6[%swap3A_494, %swap3A_495], %swap3A_498 {strides = array<i32>} : memref<16x128xf32, #tpu.memory_space<vmem>>, vector<1x16xf32>,
    %swap3A_499 = arith.constant 10 : i32
    %swap3A_500 = arith.index_cast %swap3A_499 : i32 to index
    %swap3A_501 = arith.constant 48 : index
    %swap3A_502 = tpu.vector_load %arg6[%swap3A_500, %swap3A_501] {strides = array<i32>} : memref<16x128xf32, #tpu.memory_space<vmem>>, vector<1x16xf32>,
    %swap3A_503 = vector.shape_cast %swap3A_502 : vector<1x16xf32> to vector<16xf32>
    %swap3A_504 = vector.shape_cast %broadcast_in_dim3A_1 : vector<16xf32> to vector<1x16xf32>
    tpu.vector_store %arg6[%swap3A_500, %swap3A_501], %swap3A_504 {strides = array<i32>} : memref<16x128xf32, #tpu.memory_space<vmem>>, vector<1x16xf32>,
    %swap3A_505 = arith.constant 10 : i32
    %swap3A_506 = arith.index_cast %swap3A_505 : i32 to index
    %swap3A_507 = arith.constant 64 : index
    %swap3A_508 = tpu.vector_load %arg6[%swap3A_506, %swap3A_507] {strides = array<i32>} : memref<16x128xf32, #tpu.memory_space<vmem>>, vector<1x16xf32>,
    %swap3A_509 = vector.shape_cast %swap3A_508 : vector<1x16xf32> to vector<16xf32>
    %swap3A_510 = vector.shape_cast %broadcast_in_dim3A_1 : vector<16xf32> to vector<1x16xf32>
    tpu.vector_store %arg6[%swap3A_506, %swap3A_507], %swap3A_510 {strides = array<i32>} : memref<16x128xf32, #tpu.memory_space<vmem>>, vector<1x16xf32>,
    %swap3A_511 = arith.constant 10 : i32
    %swap3A_512 = arith.index_cast %swap3A_511 : i32 to index
    %swap3A_513 = arith.constant 80 : index
    %swap3A_514 = tpu.vector_load %arg6[%swap3A_512, %swap3A_513] {strides = array<i32>} : memref<16x128xf32, #tpu.memory_space<vmem>>, vector<1x16xf32>,
    %swap3A_515 = vector.shape_cast %swap3A_514 : vector<1x16xf32> to vector<16xf32>
    %swap3A_516 = vector.shape_cast %broadcast_in_dim3A_1 : vector<16xf32> to vector<1x16xf32>
    tpu.vector_store %arg6[%swap3A_512, %swap3A_513], %swap3A_516 {strides = array<i32>} : memref<16x128xf32, #tpu.memory_space<vmem>>, vector<1x16xf32>,
    %swap3A_517 = arith.constant 10 : i32
    %swap3A_518 = arith.index_cast %swap3A_517 : i32 to index
    %swap3A_519 = arith.constant 96 : index
    %swap3A_520 = tpu.vector_load %arg6[%swap3A_518, %swap3A_519] {strides = array<i32>} : memref<16x128xf32, #tpu.memory_space<vmem>>, vector<1x16xf32>,
    %swap3A_521 = vector.shape_cast %swap3A_520 : vector<1x16xf32> to vector<16xf32>
    %swap3A_522 = vector.shape_cast %broadcast_in_dim3A_1 : vector<16xf32> to vector<1x16xf32>
    tpu.vector_store %arg6[%swap3A_518, %swap3A_519], %swap3A_522 {strides = array<i32>} : memref<16x128xf32, #tpu.memory_space<vmem>>, vector<1x16xf32>,
    %swap3A_523 = arith.constant 10 : i32
    %swap3A_524 = arith.index_cast %swap3A_523 : i32 to index
    %swap3A_525 = arith.constant 112 : index
    %swap3A_526 = tpu.vector_load %arg6[%swap3A_524, %swap3A_525] {strides = array<i32>} : memref<16x128xf32, #tpu.memory_space<vmem>>, vector<1x16xf32>,
    %swap3A_527 = vector.shape_cast %swap3A_526 : vector<1x16xf32> to vector<16xf32>
    %swap3A_528 = vector.shape_cast %broadcast_in_dim3A_1 : vector<16xf32> to vector<1x16xf32>
    tpu.vector_store %arg6[%swap3A_524, %swap3A_525], %swap3A_528 {strides = array<i32>} : memref<16x128xf32, #tpu.memory_space<vmem>>, vector<1x16xf32>,
    %swap3A_529 = arith.constant 11 : i32
    %swap3A_530 = arith.index_cast %swap3A_529 : i32 to index
    %swap3A_531 = arith.constant 0 : index
    %swap3A_532 = tpu.vector_load %arg6[%swap3A_530, %swap3A_531] {strides = array<i32>} : memref<16x128xf32, #tpu.memory_space<vmem>>, vector<1x16xf32>,
    %swap3A_533 = vector.shape_cast %swap3A_532 : vector<1x16xf32> to vector<16xf32>
    %swap3A_534 = vector.shape_cast %broadcast_in_dim3A_1 : vector<16xf32> to vector<1x16xf32>
    tpu.vector_store %arg6[%swap3A_530, %swap3A_531], %swap3A_534 {strides = array<i32>} : memref<16x128xf32, #tpu.memory_space<vmem>>, vector<1x16xf32>,
    %swap3A_535 = arith.constant 11 : i32
    %swap3A_536 = arith.index_cast %swap3A_535 : i32 to index
    %swap3A_537 = arith.constant 16 : index
    %swap3A_538 = tpu.vector_load %arg6[%swap3A_536, %swap3A_537] {strides = array<i32>} : memref<16x128xf32, #tpu.memory_space<vmem>>, vector<1x16xf32>,
    %swap3A_539 = vector.shape_cast %swap3A_538 : vector<1x16xf32> to vector<16xf32>
    %swap3A_540 = vector.shape_cast %broadcast_in_dim3A_1 : vector<16xf32> to vector<1x16xf32>
    tpu.vector_store %arg6[%swap3A_536, %swap3A_537], %swap3A_540 {strides = array<i32>} : memref<16x128xf32, #tpu.memory_space<vmem>>, vector<1x16xf32>,
    %swap3A_541 = arith.constant 11 : i32
    %swap3A_542 = arith.index_cast %swap3A_541 : i32 to index
    %swap3A_543 = arith.constant 32 : index
    %swap3A_544 = tpu.vector_load %arg6[%swap3A_542, %swap3A_543] {strides = array<i32>} : memref<16x128xf32, #tpu.memory_space<vmem>>, vector<1x16xf32>,
    %swap3A_545 = vector.shape_cast %swap3A_544 : vector<1x16xf32> to vector<16xf32>
    %swap3A_546 = vector.shape_cast %broadcast_in_dim3A_1 : vector<16xf32> to vector<1x16xf32>
    tpu.vector_store %arg6[%swap3A_542, %swap3A_543], %swap3A_546 {strides = array<i32>} : memref<16x128xf32, #tpu.memory_space<vmem>>, vector<1x16xf32>,
    %swap3A_547 = arith.constant 11 : i32
    %swap3A_548 = arith.index_cast %swap3A_547 : i32 to index
    %swap3A_549 = arith.constant 48 : index
    %swap3A_550 = tpu.vector_load %arg6[%swap3A_548, %swap3A_549] {strides = array<i32>} : memref<16x128xf32, #tpu.memory_space<vmem>>, vector<1x16xf32>,
    %swap3A_551 = vector.shape_cast %swap3A_550 : vector<1x16xf32> to vector<16xf32>
    %swap3A_552 = vector.shape_cast %broadcast_in_dim3A_1 : vector<16xf32> to vector<1x16xf32>
    tpu.vector_store %arg6[%swap3A_548, %swap3A_549], %swap3A_552 {strides = array<i32>} : memref<16x128xf32, #tpu.memory_space<vmem>>, vector<1x16xf32>,
    %swap3A_553 = arith.constant 11 : i32
    %swap3A_554 = arith.index_cast %swap3A_553 : i32 to index
    %swap3A_555 = arith.constant 64 : index
    %swap3A_556 = tpu.vector_load %arg6[%swap3A_554, %swap3A_555] {strides = array<i32>} : memref<16x128xf32, #tpu.memory_space<vmem>>, vector<1x16xf32>,
    %swap3A_557 = vector.shape_cast %swap3A_556 : vector<1x16xf32> to vector<16xf32>
    %swap3A_558 = vector.shape_cast %broadcast_in_dim3A_1 : vector<16xf32> to vector<1x16xf32>
    tpu.vector_store %arg6[%swap3A_554, %swap3A_555], %swap3A_558 {strides = array<i32>} : memref<16x128xf32, #tpu.memory_space<vmem>>, vector<1x16xf32>,
    %swap3A_559 = arith.constant 11 : i32
    %swap3A_560 = arith.index_cast %swap3A_559 : i32 to index
    %swap3A_561 = arith.constant 80 : index
    %swap3A_562 = tpu.vector_load %arg6[%swap3A_560, %swap3A_561] {strides = array<i32>} : memref<16x128xf32, #tpu.memory_space<vmem>>, vector<1x16xf32>,
    %swap3A_563 = vector.shape_cast %swap3A_562 : vector<1x16xf32> to vector<16xf32>
    %swap3A_564 = vector.shape_cast %broadcast_in_dim3A_1 : vector<16xf32> to vector<1x16xf32>
    tpu.vector_store %arg6[%swap3A_560, %swap3A_561], %swap3A_564 {strides = array<i32>} : memref<16x128xf32, #tpu.memory_space<vmem>>, vector<1x16xf32>,
    %swap3A_565 = arith.constant 11 : i32
    %swap3A_566 = arith.index_cast %swap3A_565 : i32 to index
    %swap3A_567 = arith.constant 96 : index
    %swap3A_568 = tpu.vector_load %arg6[%swap3A_566, %swap3A_567] {strides = array<i32>} : memref<16x128xf32, #tpu.memory_space<vmem>>, vector<1x16xf32>,
    %swap3A_569 = vector.shape_cast %swap3A_568 : vector<1x16xf32> to vector<16xf32>
    %swap3A_570 = vector.shape_cast %broadcast_in_dim3A_1 : vector<16xf32> to vector<1x16xf32>
    tpu.vector_store %arg6[%swap3A_566, %swap3A_567], %swap3A_570 {strides = array<i32>} : memref<16x128xf32, #tpu.memory_space<vmem>>, vector<1x16xf32>,
    %swap3A_571 = arith.constant 11 : i32
    %swap3A_572 = arith.index_cast %swap3A_571 : i32 to index
    %swap3A_573 = arith.constant 112 : index
    %swap3A_574 = tpu.vector_load %arg6[%swap3A_572, %swap3A_573] {strides = array<i32>} : memref<16x128xf32, #tpu.memory_space<vmem>>, vector<1x16xf32>,
    %swap3A_575 = vector.shape_cast %swap3A_574 : vector<1x16xf32> to vector<16xf32>
    %swap3A_576 = vector.shape_cast %broadcast_in_dim3A_1 : vector<16xf32> to vector<1x16xf32>
    tpu.vector_store %arg6[%swap3A_572, %swap3A_573], %swap3A_576 {strides = array<i32>} : memref<16x128xf32, #tpu.memory_space<vmem>>, vector<1x16xf32>,
    %swap3A_577 = arith.constant 12 : i32
    %swap3A_578 = arith.index_cast %swap3A_577 : i32 to index
    %swap3A_579 = arith.constant 0 : index
    %swap3A_580 = tpu.vector_load %arg6[%swap3A_578, %swap3A_579] {strides = array<i32>} : memref<16x128xf32, #tpu.memory_space<vmem>>, vector<1x16xf32>,
    %swap3A_581 = vector.shape_cast %swap3A_580 : vector<1x16xf32> to vector<16xf32>
    %swap3A_582 = vector.shape_cast %broadcast_in_dim3A_1 : vector<16xf32> to vector<1x16xf32>
    tpu.vector_store %arg6[%swap3A_578, %swap3A_579], %swap3A_582 {strides = array<i32>} : memref<16x128xf32, #tpu.memory_space<vmem>>, vector<1x16xf32>,
    %swap3A_583 = arith.constant 12 : i32
    %swap3A_584 = arith.index_cast %swap3A_583 : i32 to index
    %swap3A_585 = arith.constant 16 : index
    %swap3A_586 = tpu.vector_load %arg6[%swap3A_584, %swap3A_585] {strides = array<i32>} : memref<16x128xf32, #tpu.memory_space<vmem>>, vector<1x16xf32>,
    %swap3A_587 = vector.shape_cast %swap3A_586 : vector<1x16xf32> to vector<16xf32>
    %swap3A_588 = vector.shape_cast %broadcast_in_dim3A_1 : vector<16xf32> to vector<1x16xf32>
    tpu.vector_store %arg6[%swap3A_584, %swap3A_585], %swap3A_588 {strides = array<i32>} : memref<16x128xf32, #tpu.memory_space<vmem>>, vector<1x16xf32>,
    %swap3A_589 = arith.constant 12 : i32
    %swap3A_590 = arith.index_cast %swap3A_589 : i32 to index
    %swap3A_591 = arith.constant 32 : index
    %swap3A_592 = tpu.vector_load %arg6[%swap3A_590, %swap3A_591] {strides = array<i32>} : memref<16x128xf32, #tpu.memory_space<vmem>>, vector<1x16xf32>,
    %swap3A_593 = vector.shape_cast %swap3A_592 : vector<1x16xf32> to vector<16xf32>
    %swap3A_594 = vector.shape_cast %broadcast_in_dim3A_1 : vector<16xf32> to vector<1x16xf32>
    tpu.vector_store %arg6[%swap3A_590, %swap3A_591], %swap3A_594 {strides = array<i32>} : memref<16x128xf32, #tpu.memory_space<vmem>>, vector<1x16xf32>,
    %swap3A_595 = arith.constant 12 : i32
    %swap3A_596 = arith.index_cast %swap3A_595 : i32 to index
    %swap3A_597 = arith.constant 48 : index
    %swap3A_598 = tpu.vector_load %arg6[%swap3A_596, %swap3A_597] {strides = array<i32>} : memref<16x128xf32, #tpu.memory_space<vmem>>, vector<1x16xf32>,
    %swap3A_599 = vector.shape_cast %swap3A_598 : vector<1x16xf32> to vector<16xf32>
    %swap3A_600 = vector.shape_cast %broadcast_in_dim3A_1 : vector<16xf32> to vector<1x16xf32>
    tpu.vector_store %arg6[%swap3A_596, %swap3A_597], %swap3A_600 {strides = array<i32>} : memref<16x128xf32, #tpu.memory_space<vmem>>, vector<1x16xf32>,
    %swap3A_601 = arith.constant 12 : i32
    %swap3A_602 = arith.index_cast %swap3A_601 : i32 to index
    %swap3A_603 = arith.constant 64 : index
    %swap3A_604 = tpu.vector_load %arg6[%swap3A_602, %swap3A_603] {strides = array<i32>} : memref<16x128xf32, #tpu.memory_space<vmem>>, vector<1x16xf32>,
    %swap3A_605 = vector.shape_cast %swap3A_604 : vector<1x16xf32> to vector<16xf32>
    %swap3A_606 = vector.shape_cast %broadcast_in_dim3A_1 : vector<16xf32> to vector<1x16xf32>
    tpu.vector_store %arg6[%swap3A_602, %swap3A_603], %swap3A_606 {strides = array<i32>} : memref<16x128xf32, #tpu.memory_space<vmem>>, vector<1x16xf32>,
    %swap3A_607 = arith.constant 12 : i32
    %swap3A_608 = arith.index_cast %swap3A_607 : i32 to index
    %swap3A_609 = arith.constant 80 : index
    %swap3A_610 = tpu.vector_load %arg6[%swap3A_608, %swap3A_609] {strides = array<i32>} : memref<16x128xf32, #tpu.memory_space<vmem>>, vector<1x16xf32>,
    %swap3A_611 = vector.shape_cast %swap3A_610 : vector<1x16xf32> to vector<16xf32>
    %swap3A_612 = vector.shape_cast %broadcast_in_dim3A_1 : vector<16xf32> to vector<1x16xf32>
    tpu.vector_store %arg6[%swap3A_608, %swap3A_609], %swap3A_612 {strides = array<i32>} : memref<16x128xf32, #tpu.memory_space<vmem>>, vector<1x16xf32>,
    %swap3A_613 = arith.constant 12 : i32
    %swap3A_614 = arith.index_cast %swap3A_613 : i32 to index
    %swap3A_615 = arith.constant 96 : index
    %swap3A_616 = tpu.vector_load %arg6[%swap3A_614, %swap3A_615] {strides = array<i32>} : memref<16x128xf32, #tpu.memory_space<vmem>>, vector<1x16xf32>,
    %swap3A_617 = vector.shape_cast %swap3A_616 : vector<1x16xf32> to vector<16xf32>
    %swap3A_618 = vector.shape_cast %broadcast_in_dim3A_1 : vector<16xf32> to vector<1x16xf32>
    tpu.vector_store %arg6[%swap3A_614, %swap3A_615], %swap3A_618 {strides = array<i32>} : memref<16x128xf32, #tpu.memory_space<vmem>>, vector<1x16xf32>,
    %swap3A_619 = arith.constant 12 : i32
    %swap3A_620 = arith.index_cast %swap3A_619 : i32 to index
    %swap3A_621 = arith.constant 112 : index
    %swap3A_622 = tpu.vector_load %arg6[%swap3A_620, %swap3A_621] {strides = array<i32>} : memref<16x128xf32, #tpu.memory_space<vmem>>, vector<1x16xf32>,
    %swap3A_623 = vector.shape_cast %swap3A_622 : vector<1x16xf32> to vector<16xf32>
    %swap3A_624 = vector.shape_cast %broadcast_in_dim3A_1 : vector<16xf32> to vector<1x16xf32>
    tpu.vector_store %arg6[%swap3A_620, %swap3A_621], %swap3A_624 {strides = array<i32>} : memref<16x128xf32, #tpu.memory_space<vmem>>, vector<1x16xf32>,
    %swap3A_625 = arith.constant 13 : i32
    %swap3A_626 = arith.index_cast %swap3A_625 : i32 to index
    %swap3A_627 = arith.constant 0 : index
    %swap3A_628 = tpu.vector_load %arg6[%swap3A_626, %swap3A_627] {strides = array<i32>} : memref<16x128xf32, #tpu.memory_space<vmem>>, vector<1x16xf32>,
    %swap3A_629 = vector.shape_cast %swap3A_628 : vector<1x16xf32> to vector<16xf32>
    %swap3A_630 = vector.shape_cast %broadcast_in_dim3A_1 : vector<16xf32> to vector<1x16xf32>
    tpu.vector_store %arg6[%swap3A_626, %swap3A_627], %swap3A_630 {strides = array<i32>} : memref<16x128xf32, #tpu.memory_space<vmem>>, vector<1x16xf32>,
    %swap3A_631 = arith.constant 13 : i32
    %swap3A_632 = arith.index_cast %swap3A_631 : i32 to index
    %swap3A_633 = arith.constant 16 : index
    %swap3A_634 = tpu.vector_load %arg6[%swap3A_632, %swap3A_633] {strides = array<i32>} : memref<16x128xf32, #tpu.memory_space<vmem>>, vector<1x16xf32>,
    %swap3A_635 = vector.shape_cast %swap3A_634 : vector<1x16xf32> to vector<16xf32>
    %swap3A_636 = vector.shape_cast %broadcast_in_dim3A_1 : vector<16xf32> to vector<1x16xf32>
    tpu.vector_store %arg6[%swap3A_632, %swap3A_633], %swap3A_636 {strides = array<i32>} : memref<16x128xf32, #tpu.memory_space<vmem>>, vector<1x16xf32>,
    %swap3A_637 = arith.constant 13 : i32
    %swap3A_638 = arith.index_cast %swap3A_637 : i32 to index
    %swap3A_639 = arith.constant 32 : index
    %swap3A_640 = tpu.vector_load %arg6[%swap3A_638, %swap3A_639] {strides = array<i32>} : memref<16x128xf32, #tpu.memory_space<vmem>>, vector<1x16xf32>,
    %swap3A_641 = vector.shape_cast %swap3A_640 : vector<1x16xf32> to vector<16xf32>
    %swap3A_642 = vector.shape_cast %broadcast_in_dim3A_1 : vector<16xf32> to vector<1x16xf32>
    tpu.vector_store %arg6[%swap3A_638, %swap3A_639], %swap3A_642 {strides = array<i32>} : memref<16x128xf32, #tpu.memory_space<vmem>>, vector<1x16xf32>,
    %swap3A_643 = arith.constant 13 : i32
    %swap3A_644 = arith.index_cast %swap3A_643 : i32 to index
    %swap3A_645 = arith.constant 48 : index
    %swap3A_646 = tpu.vector_load %arg6[%swap3A_644, %swap3A_645] {strides = array<i32>} : memref<16x128xf32, #tpu.memory_space<vmem>>, vector<1x16xf32>,
    %swap3A_647 = vector.shape_cast %swap3A_646 : vector<1x16xf32> to vector<16xf32>
    %swap3A_648 = vector.shape_cast %broadcast_in_dim3A_1 : vector<16xf32> to vector<1x16xf32>
    tpu.vector_store %arg6[%swap3A_644, %swap3A_645], %swap3A_648 {strides = array<i32>} : memref<16x128xf32, #tpu.memory_space<vmem>>, vector<1x16xf32>,
    %swap3A_649 = arith.constant 13 : i32
    %swap3A_650 = arith.index_cast %swap3A_649 : i32 to index
    %swap3A_651 = arith.constant 64 : index
    %swap3A_652 = tpu.vector_load %arg6[%swap3A_650, %swap3A_651] {strides = array<i32>} : memref<16x128xf32, #tpu.memory_space<vmem>>, vector<1x16xf32>,
    %swap3A_653 = vector.shape_cast %swap3A_652 : vector<1x16xf32> to vector<16xf32>
    %swap3A_654 = vector.shape_cast %broadcast_in_dim3A_1 : vector<16xf32> to vector<1x16xf32>
    tpu.vector_store %arg6[%swap3A_650, %swap3A_651], %swap3A_654 {strides = array<i32>} : memref<16x128xf32, #tpu.memory_space<vmem>>, vector<1x16xf32>,
    %swap3A_655 = arith.constant 13 : i32
    %swap3A_656 = arith.index_cast %swap3A_655 : i32 to index
    %swap3A_657 = arith.constant 80 : index
    %swap3A_658 = tpu.vector_load %arg6[%swap3A_656, %swap3A_657] {strides = array<i32>} : memref<16x128xf32, #tpu.memory_space<vmem>>, vector<1x16xf32>,
    %swap3A_659 = vector.shape_cast %swap3A_658 : vector<1x16xf32> to vector<16xf32>
    %swap3A_660 = vector.shape_cast %broadcast_in_dim3A_1 : vector<16xf32> to vector<1x16xf32>
    tpu.vector_store %arg6[%swap3A_656, %swap3A_657], %swap3A_660 {strides = array<i32>} : memref<16x128xf32, #tpu.memory_space<vmem>>, vector<1x16xf32>,
    %swap3A_661 = arith.constant 13 : i32
    %swap3A_662 = arith.index_cast %swap3A_661 : i32 to index
    %swap3A_663 = arith.constant 96 : index
    %swap3A_664 = tpu.vector_load %arg6[%swap3A_662, %swap3A_663] {strides = array<i32>} : memref<16x128xf32, #tpu.memory_space<vmem>>, vector<1x16xf32>,
    %swap3A_665 = vector.shape_cast %swap3A_664 : vector<1x16xf32> to vector<16xf32>
    %swap3A_666 = vector.shape_cast %broadcast_in_dim3A_1 : vector<16xf32> to vector<1x16xf32>
    tpu.vector_store %arg6[%swap3A_662, %swap3A_663], %swap3A_666 {strides = array<i32>} : memref<16x128xf32, #tpu.memory_space<vmem>>, vector<1x16xf32>,
    %swap3A_667 = arith.constant 13 : i32
    %swap3A_668 = arith.index_cast %swap3A_667 : i32 to index
    %swap3A_669 = arith.constant 112 : index
    %swap3A_670 = tpu.vector_load %arg6[%swap3A_668, %swap3A_669] {strides = array<i32>} : memref<16x128xf32, #tpu.memory_space<vmem>>, vector<1x16xf32>,
    %swap3A_671 = vector.shape_cast %swap3A_670 : vector<1x16xf32> to vector<16xf32>
    %swap3A_672 = vector.shape_cast %broadcast_in_dim3A_1 : vector<16xf32> to vector<1x16xf32>
    tpu.vector_store %arg6[%swap3A_668, %swap3A_669], %swap3A_672 {strides = array<i32>} : memref<16x128xf32, #tpu.memory_space<vmem>>, vector<1x16xf32>,
    %swap3A_673 = arith.constant 14 : i32
    %swap3A_674 = arith.index_cast %swap3A_673 : i32 to index
    %swap3A_675 = arith.constant 0 : index
    %swap3A_676 = tpu.vector_load %arg6[%swap3A_674, %swap3A_675] {strides = array<i32>} : memref<16x128xf32, #tpu.memory_space<vmem>>, vector<1x16xf32>,
    %swap3A_677 = vector.shape_cast %swap3A_676 : vector<1x16xf32> to vector<16xf32>
    %swap3A_678 = vector.shape_cast %broadcast_in_dim3A_1 : vector<16xf32> to vector<1x16xf32>
    tpu.vector_store %arg6[%swap3A_674, %swap3A_675], %swap3A_678 {strides = array<i32>} : memref<16x128xf32, #tpu.memory_space<vmem>>, vector<1x16xf32>,
    %swap3A_679 = arith.constant 14 : i32
    %swap3A_680 = arith.index_cast %swap3A_679 : i32 to index
    %swap3A_681 = arith.constant 16 : index
    %swap3A_682 = tpu.vector_load %arg6[%swap3A_680, %swap3A_681] {strides = array<i32>} : memref<16x128xf32, #tpu.memory_space<vmem>>, vector<1x16xf32>,
    %swap3A_683 = vector.shape_cast %swap3A_682 : vector<1x16xf32> to vector<16xf32>
    %swap3A_684 = vector.shape_cast %broadcast_in_dim3A_1 : vector<16xf32> to vector<1x16xf32>
    tpu.vector_store %arg6[%swap3A_680, %swap3A_681], %swap3A_684 {strides = array<i32>} : memref<16x128xf32, #tpu.memory_space<vmem>>, vector<1x16xf32>,
    %swap3A_685 = arith.constant 14 : i32
    %swap3A_686 = arith.index_cast %swap3A_685 : i32 to index
    %swap3A_687 = arith.constant 32 : index
    %swap3A_688 = tpu.vector_load %arg6[%swap3A_686, %swap3A_687] {strides = array<i32>} : memref<16x128xf32, #tpu.memory_space<vmem>>, vector<1x16xf32>,
    %swap3A_689 = vector.shape_cast %swap3A_688 : vector<1x16xf32> to vector<16xf32>
    %swap3A_690 = vector.shape_cast %broadcast_in_dim3A_1 : vector<16xf32> to vector<1x16xf32>
    tpu.vector_store %arg6[%swap3A_686, %swap3A_687], %swap3A_690 {strides = array<i32>} : memref<16x128xf32, #tpu.memory_space<vmem>>, vector<1x16xf32>,
    %swap3A_691 = arith.constant 14 : i32
    %swap3A_692 = arith.index_cast %swap3A_691 : i32 to index
    %swap3A_693 = arith.constant 48 : index
    %swap3A_694 = tpu.vector_load %arg6[%swap3A_692, %swap3A_693] {strides = array<i32>} : memref<16x128xf32, #tpu.memory_space<vmem>>, vector<1x16xf32>,
    %swap3A_695 = vector.shape_cast %swap3A_694 : vector<1x16xf32> to vector<16xf32>
    %swap3A_696 = vector.shape_cast %broadcast_in_dim3A_1 : vector<16xf32> to vector<1x16xf32>
    tpu.vector_store %arg6[%swap3A_692, %swap3A_693], %swap3A_696 {strides = array<i32>} : memref<16x128xf32, #tpu.memory_space<vmem>>, vector<1x16xf32>,
    %swap3A_697 = arith.constant 14 : i32
    %swap3A_698 = arith.index_cast %swap3A_697 : i32 to index
    %swap3A_699 = arith.constant 64 : index
    %swap3A_700 = tpu.vector_load %arg6[%swap3A_698, %swap3A_699] {strides = array<i32>} : memref<16x128xf32, #tpu.memory_space<vmem>>, vector<1x16xf32>,
    %swap3A_701 = vector.shape_cast %swap3A_700 : vector<1x16xf32> to vector<16xf32>
    %swap3A_702 = vector.shape_cast %broadcast_in_dim3A_1 : vector<16xf32> to vector<1x16xf32>
    tpu.vector_store %arg6[%swap3A_698, %swap3A_699], %swap3A_702 {strides = array<i32>} : memref<16x128xf32, #tpu.memory_space<vmem>>, vector<1x16xf32>,
    %swap3A_703 = arith.constant 14 : i32
    %swap3A_704 = arith.index_cast %swap3A_703 : i32 to index
    %swap3A_705 = arith.constant 80 : index
    %swap3A_706 = tpu.vector_load %arg6[%swap3A_704, %swap3A_705] {strides = array<i32>} : memref<16x128xf32, #tpu.memory_space<vmem>>, vector<1x16xf32>,
    %swap3A_707 = vector.shape_cast %swap3A_706 : vector<1x16xf32> to vector<16xf32>
    %swap3A_708 = vector.shape_cast %broadcast_in_dim3A_1 : vector<16xf32> to vector<1x16xf32>
    tpu.vector_store %arg6[%swap3A_704, %swap3A_705], %swap3A_708 {strides = array<i32>} : memref<16x128xf32, #tpu.memory_space<vmem>>, vector<1x16xf32>,
    %swap3A_709 = arith.constant 14 : i32
    %swap3A_710 = arith.index_cast %swap3A_709 : i32 to index
    %swap3A_711 = arith.constant 96 : index
    %swap3A_712 = tpu.vector_load %arg6[%swap3A_710, %swap3A_711] {strides = array<i32>} : memref<16x128xf32, #tpu.memory_space<vmem>>, vector<1x16xf32>,
    %swap3A_713 = vector.shape_cast %swap3A_712 : vector<1x16xf32> to vector<16xf32>
    %swap3A_714 = vector.shape_cast %broadcast_in_dim3A_1 : vector<16xf32> to vector<1x16xf32>
    tpu.vector_store %arg6[%swap3A_710, %swap3A_711], %swap3A_714 {strides = array<i32>} : memref<16x128xf32, #tpu.memory_space<vmem>>, vector<1x16xf32>,
    %swap3A_715 = arith.constant 14 : i32
    %swap3A_716 = arith.index_cast %swap3A_715 : i32 to index
    %swap3A_717 = arith.constant 112 : index
    %swap3A_718 = tpu.vector_load %arg6[%swap3A_716, %swap3A_717] {strides = array<i32>} : memref<16x128xf32, #tpu.memory_space<vmem>>, vector<1x16xf32>,
    %swap3A_719 = vector.shape_cast %swap3A_718 : vector<1x16xf32> to vector<16xf32>
    %swap3A_720 = vector.shape_cast %broadcast_in_dim3A_1 : vector<16xf32> to vector<1x16xf32>
    tpu.vector_store %arg6[%swap3A_716, %swap3A_717], %swap3A_720 {strides = array<i32>} : memref<16x128xf32, #tpu.memory_space<vmem>>, vector<1x16xf32>,
    %swap3A_721 = arith.constant 15 : i32
    %swap3A_722 = arith.index_cast %swap3A_721 : i32 to index
    %swap3A_723 = arith.constant 0 : index
    %swap3A_724 = tpu.vector_load %arg6[%swap3A_722, %swap3A_723] {strides = array<i32>} : memref<16x128xf32, #tpu.memory_space<vmem>>, vector<1x16xf32>,
    %swap3A_725 = vector.shape_cast %swap3A_724 : vector<1x16xf32> to vector<16xf32>
    %swap3A_726 = vector.shape_cast %broadcast_in_dim3A_1 : vector<16xf32> to vector<1x16xf32>
    tpu.vector_store %arg6[%swap3A_722, %swap3A_723], %swap3A_726 {strides = array<i32>} : memref<16x128xf32, #tpu.memory_space<vmem>>, vector<1x16xf32>,
    %swap3A_727 = arith.constant 15 : i32
    %swap3A_728 = arith.index_cast %swap3A_727 : i32 to index
    %swap3A_729 = arith.constant 16 : index
    %swap3A_730 = tpu.vector_load %arg6[%swap3A_728, %swap3A_729] {strides = array<i32>} : memref<16x128xf32, #tpu.memory_space<vmem>>, vector<1x16xf32>,
    %swap3A_731 = vector.shape_cast %swap3A_730 : vector<1x16xf32> to vector<16xf32>
    %swap3A_732 = vector.shape_cast %broadcast_in_dim3A_1 : vector<16xf32> to vector<1x16xf32>
    tpu.vector_store %arg6[%swap3A_728, %swap3A_729], %swap3A_732 {strides = array<i32>} : memref<16x128xf32, #tpu.memory_space<vmem>>, vector<1x16xf32>,
    %swap3A_733 = arith.constant 15 : i32
    %swap3A_734 = arith.index_cast %swap3A_733 : i32 to index
    %swap3A_735 = arith.constant 32 : index
    %swap3A_736 = tpu.vector_load %arg6[%swap3A_734, %swap3A_735] {strides = array<i32>} : memref<16x128xf32, #tpu.memory_space<vmem>>, vector<1x16xf32>,
    %swap3A_737 = vector.shape_cast %swap3A_736 : vector<1x16xf32> to vector<16xf32>
    %swap3A_738 = vector.shape_cast %broadcast_in_dim3A_1 : vector<16xf32> to vector<1x16xf32>
    tpu.vector_store %arg6[%swap3A_734, %swap3A_735], %swap3A_738 {strides = array<i32>} : memref<16x128xf32, #tpu.memory_space<vmem>>, vector<1x16xf32>,
    %swap3A_739 = arith.constant 15 : i32
    %swap3A_740 = arith.index_cast %swap3A_739 : i32 to index
    %swap3A_741 = arith.constant 48 : index
    %swap3A_742 = tpu.vector_load %arg6[%swap3A_740, %swap3A_741] {strides = array<i32>} : memref<16x128xf32, #tpu.memory_space<vmem>>, vector<1x16xf32>,
    %swap3A_743 = vector.shape_cast %swap3A_742 : vector<1x16xf32> to vector<16xf32>
    %swap3A_744 = vector.shape_cast %broadcast_in_dim3A_1 : vector<16xf32> to vector<1x16xf32>
    tpu.vector_store %arg6[%swap3A_740, %swap3A_741], %swap3A_744 {strides = array<i32>} : memref<16x128xf32, #tpu.memory_space<vmem>>, vector<1x16xf32>,
    %swap3A_745 = arith.constant 15 : i32
    %swap3A_746 = arith.index_cast %swap3A_745 : i32 to index
    %swap3A_747 = arith.constant 64 : index
    %swap3A_748 = tpu.vector_load %arg6[%swap3A_746, %swap3A_747] {strides = array<i32>} : memref<16x128xf32, #tpu.memory_space<vmem>>, vector<1x16xf32>,
    %swap3A_749 = vector.shape_cast %swap3A_748 : vector<1x16xf32> to vector<16xf32>
    %swap3A_750 = vector.shape_cast %broadcast_in_dim3A_1 : vector<16xf32> to vector<1x16xf32>
    tpu.vector_store %arg6[%swap3A_746, %swap3A_747], %swap3A_750 {strides = array<i32>} : memref<16x128xf32, #tpu.memory_space<vmem>>, vector<1x16xf32>,
    %swap3A_751 = arith.constant 15 : i32
    %swap3A_752 = arith.index_cast %swap3A_751 : i32 to index
    %swap3A_753 = arith.constant 80 : index
    %swap3A_754 = tpu.vector_load %arg6[%swap3A_752, %swap3A_753] {strides = array<i32>} : memref<16x128xf32, #tpu.memory_space<vmem>>, vector<1x16xf32>,
    %swap3A_755 = vector.shape_cast %swap3A_754 : vector<1x16xf32> to vector<16xf32>
    %swap3A_756 = vector.shape_cast %broadcast_in_dim3A_1 : vector<16xf32> to vector<1x16xf32>
    tpu.vector_store %arg6[%swap3A_752, %swap3A_753], %swap3A_756 {strides = array<i32>} : memref<16x128xf32, #tpu.memory_space<vmem>>, vector<1x16xf32>,
    %swap3A_757 = arith.constant 15 : i32
    %swap3A_758 = arith.index_cast %swap3A_757 : i32 to index
    %swap3A_759 = arith.constant 96 : index
    %swap3A_760 = tpu.vector_load %arg6[%swap3A_758, %swap3A_759] {strides = array<i32>} : memref<16x128xf32, #tpu.memory_space<vmem>>, vector<1x16xf32>,
    %swap3A_761 = vector.shape_cast %swap3A_760 : vector<1x16xf32> to vector<16xf32>
    %swap3A_762 = vector.shape_cast %broadcast_in_dim3A_1 : vector<16xf32> to vector<1x16xf32>
    tpu.vector_store %arg6[%swap3A_758, %swap3A_759], %swap3A_762 {strides = array<i32>} : memref<16x128xf32, #tpu.memory_space<vmem>>, vector<1x16xf32>,
    %swap3A_763 = arith.constant 15 : i32
    %swap3A_764 = arith.index_cast %swap3A_763 : i32 to index
    %swap3A_765 = arith.constant 112 : index
    %swap3A_766 = tpu.vector_load %arg6[%swap3A_764, %swap3A_765] {strides = array<i32>} : memref<16x128xf32, #tpu.memory_space<vmem>>, vector<1x16xf32>,
    %swap3A_767 = vector.shape_cast %swap3A_766 : vector<1x16xf32> to vector<16xf32>
    %swap3A_768 = vector.shape_cast %broadcast_in_dim3A_1 : vector<16xf32> to vector<1x16xf32>
    tpu.vector_store %arg6[%swap3A_764, %swap3A_765], %swap3A_768 {strides = array<i32>} : memref<16x128xf32, #tpu.memory_space<vmem>>, vector<1x16xf32>,
    %scan3A = arith.constant 0 : i32
    %scan3A_769 = arith.constant 0 : i32
    %scan3A_770 = arith.constant 40 : i32
    %scan3A_771 = arith.addi %scan3A_769, %scan3A_770 : i32
    %scan3A_772 = arith.constant 1 : i32
    scf.for %scan3A_807 = %scan3A_769 to %scan3A_771 step %scan3A_772  : i32 {
      %mul3A_808 = arith.constant 640 : i32
      %mul3A_809 = arith.muli %arg1, %mul3A_808 : i32
      %mul3A_810 = arith.constant 16 : i32
      %mul3A_811 = arith.muli %scan3A_807, %mul3A_810 : i32
      %add3A_812 = arith.addi %mul3A_809, %mul3A_811 : i32
      "tpu.region"() ({
        %run_scoped3A = tpu.sem_alloc : memref<!tpu.dma_semaphore, #tpu.memory_space<semaphore_mem>>
        %dma_start3A_813 = arith.constant 0 : i32
        %dma_start3A_814 = tpu.memref_slice %arg7[%add3A_812, %dma_start3A_813] : memref<10240x128xf32, #tpu.memory_space<vmem_shared>> -> memref<16x128xf32, #tpu.memory_space<vmem_shared>>
        %dma_start3A_815 = arith.constant 0 : i32
        %dma_start3A_816 = tpu.memref_slice %arg7[%add3A_812, %dma_start3A_815] : memref<10240x128xf32, #tpu.memory_space<vmem_shared>> -> memref<16x128xf32, #tpu.memory_space<vmem_shared>>
        tpu.enqueue_dma source(%arg6 : memref<16x128xf32, #tpu.memory_space<vmem>>) target(%dma_start3A_816 : memref<16x128xf32, #tpu.memory_space<vmem_shared>>) target_semaphore(%run_scoped3A : memref<!tpu.dma_semaphore, #tpu.memory_space<semaphore_mem>>)
        %dma_wait3A_817 = arith.constant 0 : i32
        %dma_wait3A_818 = tpu.memref_slice %arg7[%add3A_812, %dma_wait3A_817] : memref<10240x128xf32, #tpu.memory_space<vmem_shared>> -> memref<16x128xf32, #tpu.memory_space<vmem_shared>>
        %dma_wait3A_819 = arith.constant 0 : i32
        %dma_wait3A_820 = tpu.memref_slice %arg7[%add3A_812, %dma_wait3A_819] : memref<10240x128xf32, #tpu.memory_space<vmem_shared>> -> memref<16x128xf32, #tpu.memory_space<vmem_shared>>
        tpu.wait_dma2 semaphore(%run_scoped3A : memref<!tpu.dma_semaphore, #tpu.memory_space<semaphore_mem>>) src(%arg6 : memref<16x128xf32, #tpu.memory_space<vmem>>) dst(%dma_wait3A_820 : memref<16x128xf32, #tpu.memory_space<vmem_shared>>)
        tpu.yield
      }) : () -> ()
    }
    %scan3A_773 = arith.constant 40 : i32
    %barrier3A = arith.constant 0 : index
    tpu.barrier barrier_id(%barrier3A)
    "tpu.region"() ({
      %run_scoped3A = tpu.sem_alloc : memref<!tpu.dma_semaphore, #tpu.memory_space<semaphore_mem>>
      %dma_start3A_807 = arith.constant 0 : i32
      %dma_start3A_808 = arith.constant 0 : i32
      %dma_start3A_809 = tpu.memref_slice %arg3[%add3A, %dma_start3A_807, %dma_start3A_808] : memref<32x79x128xi32, #tpu.memory_space<hbm>> -> memref<1x79x128xi32, #tpu.memory_space<hbm>>
      %dma_start3A_810 = tpu.memref_squeeze %dma_start3A_809 : memref<1x79x128xi32, #tpu.memory_space<hbm>> -> memref<79x128xi32, #tpu.memory_space<hbm>>
      %dma_start3A_811 = arith.constant 0 : i32
      %dma_start3A_812 = arith.constant 0 : i32
      %dma_start3A_813 = tpu.memref_slice %arg3[%add3A, %dma_start3A_811, %dma_start3A_812] : memref<32x79x128xi32, #tpu.memory_space<hbm>> -> memref<1x79x128xi32, #tpu.memory_space<hbm>>
      %dma_start3A_814 = tpu.memref_squeeze %dma_start3A_813 : memref<1x79x128xi32, #tpu.memory_space<hbm>> -> memref<79x128xi32, #tpu.memory_space<hbm>>
      tpu.enqueue_dma source(%dma_start3A_814 : memref<79x128xi32, #tpu.memory_space<hbm>>) target(%arg5 : memref<79x128xi32, #tpu.memory_space<vmem>>) target_semaphore(%run_scoped3A : memref<!tpu.dma_semaphore, #tpu.memory_space<semaphore_mem>>)
      %dma_wait3A_815 = arith.constant 0 : i32
      %dma_wait3A_816 = arith.constant 0 : i32
      %dma_wait3A_817 = tpu.memref_slice %arg3[%add3A, %dma_wait3A_815, %dma_wait3A_816] : memref<32x79x128xi32, #tpu.memory_space<hbm>> -> memref<1x79x128xi32, #tpu.memory_space<hbm>>
      %dma_wait3A_818 = tpu.memref_squeeze %dma_wait3A_817 : memref<1x79x128xi32, #tpu.memory_space<hbm>> -> memref<79x128xi32, #tpu.memory_space<hbm>>
      %dma_wait3A_819 = arith.constant 0 : i32
      %dma_wait3A_820 = arith.constant 0 : i32
      %dma_wait3A_821 = tpu.memref_slice %arg3[%add3A, %dma_wait3A_819, %dma_wait3A_820] : memref<32x79x128xi32, #tpu.memory_space<hbm>> -> memref<1x79x128xi32, #tpu.memory_space<hbm>>
      %dma_wait3A_822 = tpu.memref_squeeze %dma_wait3A_821 : memref<1x79x128xi32, #tpu.memory_space<hbm>> -> memref<79x128xi32, #tpu.memory_space<hbm>>
      tpu.wait_dma2 semaphore(%run_scoped3A : memref<!tpu.dma_semaphore, #tpu.memory_space<semaphore_mem>>) src(%dma_wait3A_822 : memref<79x128xi32, #tpu.memory_space<hbm>>) dst(%arg5 : memref<79x128xi32, #tpu.memory_space<vmem>>)
      tpu.yield
    }) : () -> ()
    %mul3A_774 = arith.constant 10112 : i32
    %mul3A_775 = arith.muli %add3A, %mul3A_774 : i32
    %add3A_776 = arith.constant 0 : i32
    %add3A_777 = arith.addi %mul3A_775, %add3A_776 : i32
    %dma_start3A = arith.constant 0 : i32
    %dma_start3A_778 = tpu.memref_slice %arg2[%add3A_777, %dma_start3A] : memref<323584x128xf32, #tpu.memory_space<hbm>> -> memref<128x128xf32, #tpu.memory_space<hbm>>
    %dma_start3A_779 = arith.constant 0 : i32
    %dma_start3A_780 = tpu.memref_slice %arg2[%add3A_777, %dma_start3A_779] : memref<323584x128xf32, #tpu.memory_space<hbm>> -> memref<128x128xf32, #tpu.memory_space<hbm>>
    tpu.enqueue_dma source(%dma_start3A_780 : memref<128x128xf32, #tpu.memory_space<hbm>>) target(%arg8 : memref<128x128xf32, #tpu.memory_space<vmem>>) target_semaphore(%arg10 : memref<!tpu.dma_semaphore, #tpu.memory_space<semaphore_mem>>)
    %scan3A_781 = arith.constant 0 : i32
    %scan3A_782 = arith.constant 0 : i32
    %scan3A_783 = arith.constant 40 : i32
    %scan3A_784 = arith.addi %scan3A_782, %scan3A_783 : i32
    %scan3A_785 = arith.constant 1 : i32
    scf.for %scan3A_807 = %scan3A_782 to %scan3A_784 step %scan3A_785  : i32 {
      %mul3A_808 = arith.constant 2 : i32
      %mul3A_809 = arith.muli %scan3A_807, %mul3A_808 : i32
      %add3A_810 = arith.constant 0 : i32
      %add3A_811 = arith.addi %mul3A_809, %add3A_810 : i32
      %lt3A = arith.constant 79 : i32
      %lt3A_812 = arith.cmpi slt, %add3A_811, %lt3A : i32
      %convert_element_type3A = arith.extui %lt3A_812 : i1 to i32
      %cond3A = arith.constant 0 : i32
      %cond3A_813 = arith.cmpi ne, %convert_element_type3A, %cond3A : i32
      scf.if %cond3A_813 {
        %mul3A_855 = arith.constant 10112 : i32
        %mul3A_856 = arith.muli %add3A, %mul3A_855 : i32
        %dma_wait3A_857 = arith.constant 0 : i32
        %dma_wait3A_858 = tpu.memref_slice %arg2[%mul3A_856, %dma_wait3A_857] : memref<323584x128xf32, #tpu.memory_space<hbm>> -> memref<128x128xf32, #tpu.memory_space<hbm>>
        %dma_wait3A_859 = arith.constant 0 : i32
        %dma_wait3A_860 = tpu.memref_slice %arg2[%mul3A_856, %dma_wait3A_859] : memref<323584x128xf32, #tpu.memory_space<hbm>> -> memref<128x128xf32, #tpu.memory_space<hbm>>
        tpu.wait_dma2 semaphore(%arg10 : memref<!tpu.dma_semaphore, #tpu.memory_space<semaphore_mem>>) src(%dma_wait3A_860 : memref<128x128xf32, #tpu.memory_space<hbm>>) dst(%arg8 : memref<128x128xf32, #tpu.memory_space<vmem>>)
        %dma_start3A_861 = arith.constant 0 : i32
        %dma_start3A_862 = tpu.memref_slice %arg5[%add3A_811, %dma_start3A_861] : memref<79x128xi32, #tpu.memory_space<vmem>> -> memref<1x128xi32, #tpu.memory_space<vmem>>
        %dma_start3A_863 = tpu.memref_squeeze %dma_start3A_862 : memref<1x128xi32, #tpu.memory_space<vmem>> -> memref<128xi32, #tpu.memory_space<vmem>>
        %dma_start3A_864 = arith.constant 0 : i32
        %dma_start3A_865 = arith.constant 0 : i32
        %dma_start3A_866 = tpu.memref_slice %arg7[%dma_start3A_864, %dma_start3A_865] : memref<10240x128xf32, #tpu.memory_space<vmem_shared>> -> memref<10240x128xf32, #tpu.memory_space<vmem_shared>>
        tpu.enqueue_indirect_dma source(%arg8 : memref<128x128xf32, #tpu.memory_space<vmem>>) target(%dma_start3A_866 : memref<10240x128xf32, #tpu.memory_space<vmem_shared>>) offsets(%dma_start3A_863 : memref<128xi32, #tpu.memory_space<vmem>>) semaphore(%arg10 : memref<!tpu.dma_semaphore, #tpu.memory_space<semaphore_mem>>) {add = true}
      } else {
      }
      %ge3A = arith.constant 1 : i32
      %ge3A_814 = arith.cmpi sge, %add3A_811, %ge3A : i32
      %add3A_815 = arith.constant 1 : i32
      %add3A_816 = arith.addi %add3A_811, %add3A_815 : i32
      %lt3A_817 = arith.constant 79 : i32
      %lt3A_818 = arith.cmpi slt, %add3A_816, %lt3A_817 : i32
      %and3A = arith.andi %ge3A_814, %lt3A_818 : i1
      %convert_element_type3A_819 = arith.extui %and3A : i1 to i32
      %cond3A_820 = arith.constant 0 : i32
      %cond3A_821 = arith.cmpi ne, %convert_element_type3A_819, %cond3A_820 : i32
      scf.if %cond3A_821 {
        %sub3A = arith.constant 1 : i32
        %sub3A_855 = arith.subi %add3A_811, %sub3A : i32
        %dma_wait3A_856 = arith.constant 0 : i32
        %dma_wait3A_857 = tpu.memref_slice %arg5[%sub3A_855, %dma_wait3A_856] : memref<79x128xi32, #tpu.memory_space<vmem>> -> memref<1x128xi32, #tpu.memory_space<vmem>>
        %dma_wait3A_858 = tpu.memref_squeeze %dma_wait3A_857 : memref<1x128xi32, #tpu.memory_space<vmem>> -> memref<128xi32, #tpu.memory_space<vmem>>
        %dma_wait3A_859 = arith.constant 0 : i32
        %dma_wait3A_860 = arith.constant 0 : i32
        %dma_wait3A_861 = tpu.memref_slice %arg7[%dma_wait3A_859, %dma_wait3A_860] : memref<10240x128xf32, #tpu.memory_space<vmem_shared>> -> memref<10240x128xf32, #tpu.memory_space<vmem_shared>>
        tpu.wait_indirect_dma semaphore(%arg11 : memref<!tpu.dma_semaphore, #tpu.memory_space<semaphore_mem>>) src(%arg9 : memref<128x128xf32, #tpu.memory_space<vmem>>) dst(%dma_wait3A_861 : memref<10240x128xf32, #tpu.memory_space<vmem_shared>>)
      } else {
      }
      %add3A_822 = arith.constant 1 : i32
      %add3A_823 = arith.addi %add3A_811, %add3A_822 : i32
      %lt3A_824 = arith.constant 79 : i32
      %lt3A_825 = arith.cmpi slt, %add3A_823, %lt3A_824 : i32
      %convert_element_type3A_826 = arith.extui %lt3A_825 : i1 to i32
      %cond3A_827 = arith.constant 0 : i32
      %cond3A_828 = arith.cmpi ne, %convert_element_type3A_826, %cond3A_827 : i32
      scf.if %cond3A_828 {
        %add3A_855 = arith.constant 1 : i32
        %add3A_856 = arith.addi %add3A_811, %add3A_855 : i32
        %mul3A_857 = arith.constant 10112 : i32
        %mul3A_858 = arith.muli %add3A, %mul3A_857 : i32
        %mul3A_859 = arith.constant 128 : i32
        %mul3A_860 = arith.muli %add3A_856, %mul3A_859 : i32
        %add3A_861 = arith.addi %mul3A_858, %mul3A_860 : i32
        %dma_start3A_862 = arith.constant 0 : i32
        %dma_start3A_863 = tpu.memref_slice %arg2[%add3A_861, %dma_start3A_862] : memref<323584x128xf32, #tpu.memory_space<hbm>> -> memref<128x128xf32, #tpu.memory_space<hbm>>
        %dma_start3A_864 = arith.constant 0 : i32
        %dma_start3A_865 = tpu.memref_slice %arg2[%add3A_861, %dma_start3A_864] : memref<323584x128xf32, #tpu.memory_space<hbm>> -> memref<128x128xf32, #tpu.memory_space<hbm>>
        tpu.enqueue_dma source(%dma_start3A_865 : memref<128x128xf32, #tpu.memory_space<hbm>>) target(%arg9 : memref<128x128xf32, #tpu.memory_space<vmem>>) target_semaphore(%arg11 : memref<!tpu.dma_semaphore, #tpu.memory_space<semaphore_mem>>)
      } else {
      }
      %mul3A_829 = arith.constant 2 : i32
      %mul3A_830 = arith.muli %scan3A_807, %mul3A_829 : i32
      %add3A_831 = arith.constant 1 : i32
      %add3A_832 = arith.addi %mul3A_830, %add3A_831 : i32
      %lt3A_833 = arith.constant 79 : i32
      %lt3A_834 = arith.cmpi slt, %add3A_832, %lt3A_833 : i32
      %convert_element_type3A_835 = arith.extui %lt3A_834 : i1 to i32
      %cond3A_836 = arith.constant 0 : i32
      %cond3A_837 = arith.cmpi ne, %convert_element_type3A_835, %cond3A_836 : i32
      scf.if %cond3A_837 {
        %mul3A_855 = arith.constant 10112 : i32
        %mul3A_856 = arith.muli %add3A, %mul3A_855 : i32
        %dma_wait3A_857 = arith.constant 0 : i32
        %dma_wait3A_858 = tpu.memref_slice %arg2[%mul3A_856, %dma_wait3A_857] : memref<323584x128xf32, #tpu.memory_space<hbm>> -> memref<128x128xf32, #tpu.memory_space<hbm>>
        %dma_wait3A_859 = arith.constant 0 : i32
        %dma_wait3A_860 = tpu.memref_slice %arg2[%mul3A_856, %dma_wait3A_859] : memref<323584x128xf32, #tpu.memory_space<hbm>> -> memref<128x128xf32, #tpu.memory_space<hbm>>
        tpu.wait_dma2 semaphore(%arg11 : memref<!tpu.dma_semaphore, #tpu.memory_space<semaphore_mem>>) src(%dma_wait3A_860 : memref<128x128xf32, #tpu.memory_space<hbm>>) dst(%arg9 : memref<128x128xf32, #tpu.memory_space<vmem>>)
        %dma_start3A_861 = arith.constant 0 : i32
        %dma_start3A_862 = tpu.memref_slice %arg5[%add3A_832, %dma_start3A_861] : memref<79x128xi32, #tpu.memory_space<vmem>> -> memref<1x128xi32, #tpu.memory_space<vmem>>
        %dma_start3A_863 = tpu.memref_squeeze %dma_start3A_862 : memref<1x128xi32, #tpu.memory_space<vmem>> -> memref<128xi32, #tpu.memory_space<vmem>>
        %dma_start3A_864 = arith.constant 0 : i32
        %dma_start3A_865 = arith.constant 0 : i32
        %dma_start3A_866 = tpu.memref_slice %arg7[%dma_start3A_864, %dma_start3A_865] : memref<10240x128xf32, #tpu.memory_space<vmem_shared>> -> memref<10240x128xf32, #tpu.memory_space<vmem_shared>>
        tpu.enqueue_indirect_dma source(%arg9 : memref<128x128xf32, #tpu.memory_space<vmem>>) target(%dma_start3A_866 : memref<10240x128xf32, #tpu.memory_space<vmem_shared>>) offsets(%dma_start3A_863 : memref<128xi32, #tpu.memory_space<vmem>>) semaphore(%arg11 : memref<!tpu.dma_semaphore, #tpu.memory_space<semaphore_mem>>) {add = true}
      } else {
      }
      %ge3A_838 = arith.constant 1 : i32
      %ge3A_839 = arith.cmpi sge, %add3A_832, %ge3A_838 : i32
      %add3A_840 = arith.constant 1 : i32
      %add3A_841 = arith.addi %add3A_832, %add3A_840 : i32
      %lt3A_842 = arith.constant 79 : i32
      %lt3A_843 = arith.cmpi slt, %add3A_841, %lt3A_842 : i32
      %and3A_844 = arith.andi %ge3A_839, %lt3A_843 : i1
      %convert_element_type3A_845 = arith.extui %and3A_844 : i1 to i32
      %cond3A_846 = arith.constant 0 : i32
      %cond3A_847 = arith.cmpi ne, %convert_element_type3A_845, %cond3A_846 : i32
      scf.if %cond3A_847 {
        %sub3A = arith.constant 1 : i32
        %sub3A_855 = arith.subi %add3A_832, %sub3A : i32
        %dma_wait3A_856 = arith.constant 0 : i32
        %dma_wait3A_857 = tpu.memref_slice %arg5[%sub3A_855, %dma_wait3A_856] : memref<79x128xi32, #tpu.memory_space<vmem>> -> memref<1x128xi32, #tpu.memory_space<vmem>>
        %dma_wait3A_858 = tpu.memref_squeeze %dma_wait3A_857 : memref<1x128xi32, #tpu.memory_space<vmem>> -> memref<128xi32, #tpu.memory_space<vmem>>
        %dma_wait3A_859 = arith.constant 0 : i32
        %dma_wait3A_860 = arith.constant 0 : i32
        %dma_wait3A_861 = tpu.memref_slice %arg7[%dma_wait3A_859, %dma_wait3A_860] : memref<10240x128xf32, #tpu.memory_space<vmem_shared>> -> memref<10240x128xf32, #tpu.memory_space<vmem_shared>>
        tpu.wait_indirect_dma semaphore(%arg10 : memref<!tpu.dma_semaphore, #tpu.memory_space<semaphore_mem>>) src(%arg8 : memref<128x128xf32, #tpu.memory_space<vmem>>) dst(%dma_wait3A_861 : memref<10240x128xf32, #tpu.memory_space<vmem_shared>>)
      } else {
      }
      %add3A_848 = arith.constant 1 : i32
      %add3A_849 = arith.addi %add3A_832, %add3A_848 : i32
      %lt3A_850 = arith.constant 79 : i32
      %lt3A_851 = arith.cmpi slt, %add3A_849, %lt3A_850 : i32
      %convert_element_type3A_852 = arith.extui %lt3A_851 : i1 to i32
      %cond3A_853 = arith.constant 0 : i32
      %cond3A_854 = arith.cmpi ne, %convert_element_type3A_852, %cond3A_853 : i32
      scf.if %cond3A_854 {
        %add3A_855 = arith.constant 1 : i32
        %add3A_856 = arith.addi %add3A_832, %add3A_855 : i32
        %mul3A_857 = arith.constant 10112 : i32
        %mul3A_858 = arith.muli %add3A, %mul3A_857 : i32
        %mul3A_859 = arith.constant 128 : i32
        %mul3A_860 = arith.muli %add3A_856, %mul3A_859 : i32
        %add3A_861 = arith.addi %mul3A_858, %mul3A_860 : i32
        %dma_start3A_862 = arith.constant 0 : i32
        %dma_start3A_863 = tpu.memref_slice %arg2[%add3A_861, %dma_start3A_862] : memref<323584x128xf32, #tpu.memory_space<hbm>> -> memref<128x128xf32, #tpu.memory_space<hbm>>
        %dma_start3A_864 = arith.constant 0 : i32
        %dma_start3A_865 = tpu.memref_slice %arg2[%add3A_861, %dma_start3A_864] : memref<323584x128xf32, #tpu.memory_space<hbm>> -> memref<128x128xf32, #tpu.memory_space<hbm>>
        tpu.enqueue_dma source(%dma_start3A_865 : memref<128x128xf32, #tpu.memory_space<hbm>>) target(%arg8 : memref<128x128xf32, #tpu.memory_space<vmem>>) target_semaphore(%arg10 : memref<!tpu.dma_semaphore, #tpu.memory_space<semaphore_mem>>)
      } else {
      }
    }
    %scan3A_786 = arith.constant 40 : i32
    %dma_wait3A = arith.constant 77 : i32
    %dma_wait3A_787 = arith.constant 0 : i32
    %dma_wait3A_788 = tpu.memref_slice %arg5[%dma_wait3A, %dma_wait3A_787] : memref<79x128xi32, #tpu.memory_space<vmem>> -> memref<1x128xi32, #tpu.memory_space<vmem>>
    %dma_wait3A_789 = tpu.memref_squeeze %dma_wait3A_788 : memref<1x128xi32, #tpu.memory_space<vmem>> -> memref<128xi32, #tpu.memory_space<vmem>>
    %dma_wait3A_790 = arith.constant 0 : i32
    %dma_wait3A_791 = arith.constant 0 : i32
    %dma_wait3A_792 = tpu.memref_slice %arg7[%dma_wait3A_790, %dma_wait3A_791] : memref<10240x128xf32, #tpu.memory_space<vmem_shared>> -> memref<10240x128xf32, #tpu.memory_space<vmem_shared>>
    tpu.wait_indirect_dma semaphore(%arg11 : memref<!tpu.dma_semaphore, #tpu.memory_space<semaphore_mem>>) src(%arg9 : memref<128x128xf32, #tpu.memory_space<vmem>>) dst(%dma_wait3A_792 : memref<10240x128xf32, #tpu.memory_space<vmem_shared>>)
    %dma_wait3A_793 = arith.constant 78 : i32
    %dma_wait3A_794 = arith.constant 0 : i32
    %dma_wait3A_795 = tpu.memref_slice %arg5[%dma_wait3A_793, %dma_wait3A_794] : memref<79x128xi32, #tpu.memory_space<vmem>> -> memref<1x128xi32, #tpu.memory_space<vmem>>
    %dma_wait3A_796 = tpu.memref_squeeze %dma_wait3A_795 : memref<1x128xi32, #tpu.memory_space<vmem>> -> memref<128xi32, #tpu.memory_space<vmem>>
    %dma_wait3A_797 = arith.constant 0 : i32
    %dma_wait3A_798 = arith.constant 0 : i32
    %dma_wait3A_799 = tpu.memref_slice %arg7[%dma_wait3A_797, %dma_wait3A_798] : memref<10240x128xf32, #tpu.memory_space<vmem_shared>> -> memref<10240x128xf32, #tpu.memory_space<vmem_shared>>
    tpu.wait_indirect_dma semaphore(%arg10 : memref<!tpu.dma_semaphore, #tpu.memory_space<semaphore_mem>>) src(%arg8 : memref<128x128xf32, #tpu.memory_space<vmem>>) dst(%dma_wait3A_799 : memref<10240x128xf32, #tpu.memory_space<vmem_shared>>)
    %barrier3A_800 = arith.constant 0 : index
    tpu.barrier barrier_id(%barrier3A_800)
    %scan3A_801 = arith.constant 0 : i32
    %scan3A_802 = arith.constant 0 : i32
    %scan3A_803 = arith.constant 5 : i32
    %scan3A_804 = arith.addi %scan3A_802, %scan3A_803 : i32
    %scan3A_805 = arith.constant 1 : i32
    scf.for %scan3A_807 = %scan3A_802 to %scan3A_804 step %scan3A_805  : i32 {
      %mul3A_808 = arith.constant 640 : i32
      %mul3A_809 = arith.muli %arg1, %mul3A_808 : i32
      %mul3A_810 = arith.constant 128 : i32
      %mul3A_811 = arith.muli %scan3A_807, %mul3A_810 : i32
      %add3A_812 = arith.addi %mul3A_809, %mul3A_811 : i32
      %mul3A_813 = arith.constant 640 : i32
      %mul3A_814 = arith.muli %arg1, %mul3A_813 : i32
      %mul3A_815 = arith.constant 128 : i32
      %mul3A_816 = arith.muli %scan3A_807, %mul3A_815 : i32
      %add3A_817 = arith.addi %mul3A_814, %mul3A_816 : i32
      "tpu.region"() ({
        %run_scoped3A = tpu.sem_alloc : memref<!tpu.dma_semaphore, #tpu.memory_space<semaphore_mem>>
        %dma_start3A_818 = arith.constant 0 : i32
        %dma_start3A_819 = arith.constant 0 : i32
        %dma_start3A_820 = tpu.memref_slice %arg4[%arg0, %dma_start3A_818, %dma_start3A_819] : memref<2x10240x128xf32, #tpu.memory_space<hbm>> -> memref<1x10240x128xf32, #tpu.memory_space<hbm>>
        %dma_start3A_821 = tpu.memref_squeeze %dma_start3A_820 : memref<1x10240x128xf32, #tpu.memory_space<hbm>> -> memref<10240x128xf32, #tpu.memory_space<hbm>>
        %dma_start3A_822 = arith.constant 0 : i32
        %dma_start3A_823 = tpu.memref_slice %dma_start3A_821[%add3A_817, %dma_start3A_822] : memref<10240x128xf32, #tpu.memory_space<hbm>> -> memref<128x128xf32, #tpu.memory_space<hbm>>
        %dma_start3A_824 = arith.constant 0 : i32
        %dma_start3A_825 = tpu.memref_slice %arg7[%add3A_812, %dma_start3A_824] : memref<10240x128xf32, #tpu.memory_space<vmem_shared>> -> memref<128x128xf32, #tpu.memory_space<vmem_shared>>
        tpu.enqueue_dma source(%dma_start3A_825 : memref<128x128xf32, #tpu.memory_space<vmem_shared>>) target(%dma_start3A_823 : memref<128x128xf32, #tpu.memory_space<hbm>>) target_semaphore(%run_scoped3A : memref<!tpu.dma_semaphore, #tpu.memory_space<semaphore_mem>>)
        %dma_wait3A_826 = arith.constant 0 : i32
        %dma_wait3A_827 = arith.constant 0 : i32
        %dma_wait3A_828 = tpu.memref_slice %arg4[%arg0, %dma_wait3A_826, %dma_wait3A_827] : memref<2x10240x128xf32, #tpu.memory_space<hbm>> -> memref<1x10240x128xf32, #tpu.memory_space<hbm>>
        %dma_wait3A_829 = tpu.memref_squeeze %dma_wait3A_828 : memref<1x10240x128xf32, #tpu.memory_space<hbm>> -> memref<10240x128xf32, #tpu.memory_space<hbm>>
        %dma_wait3A_830 = arith.constant 0 : i32
        %dma_wait3A_831 = tpu.memref_slice %dma_wait3A_829[%add3A_817, %dma_wait3A_830] : memref<10240x128xf32, #tpu.memory_space<hbm>> -> memref<128x128xf32, #tpu.memory_space<hbm>>
        %dma_wait3A_832 = arith.constant 0 : i32
        %dma_wait3A_833 = tpu.memref_slice %arg7[%add3A_812, %dma_wait3A_832] : memref<10240x128xf32, #tpu.memory_space<vmem_shared>> -> memref<128x128xf32, #tpu.memory_space<vmem_shared>>
        tpu.wait_dma2 semaphore(%run_scoped3A : memref<!tpu.dma_semaphore, #tpu.memory_space<semaphore_mem>>) src(%dma_wait3A_833 : memref<128x128xf32, #tpu.memory_space<vmem_shared>>) dst(%dma_wait3A_831 : memref<128x128xf32, #tpu.memory_space<hbm>>)
        tpu.yield
      }) : () -> ()
    }
    %scan3A_806 = arith.constant 5 : i32
    return
  }
}

module attributes {stable_mosaic.version = 14 : i64} {
  func.func @_tables_body(%arg0: i32, %arg1: memref<1024x136xf32, #tpu.memory_space<vmem>>, %arg2: memref<136x128xf32, #tpu.memory_space<vmem>>, %arg3: memref<136x128xf32, #tpu.memory_space<vmem>>, %arg4: memref<1024x128xf32, #tpu.memory_space<vmem>>, %arg5: memref<1024x128xf32, #tpu.memory_space<vmem>>) attributes {dimension_semantics = [#tpu.dimension_semantics<arbitrary>], iteration_bounds = array<i64: 10>, scalar_prefetch = 0 : i64, scratch_operands = 0 : i64, tpu.core_type = #tpu.core_type<tc>, window_params = [{transform_indices = @transform_0, window_bounds = array<i64: 1024, 136>}, {pipeline_mode = #tpu.pipeline_mode<synchronous>, transform_indices = @transform_1, window_bounds = array<i64: 136, 128>}, {pipeline_mode = #tpu.pipeline_mode<synchronous>, transform_indices = @transform_2, window_bounds = array<i64: 136, 128>}, {transform_indices = @transform_3, window_bounds = array<i64: 1024, 128>}, {transform_indices = @transform_4, window_bounds = array<i64: 1024, 128>}]} {
    %get3A = arith.constant 0 : index
    %get3A_0 = arith.constant 0 : index
    %get3A_1 = vector.load %arg1[%get3A, %get3A_0] : memref<1024x136xf32, #tpu.memory_space<vmem>>, vector<1024x136xf32>
    %get3A_2 = arith.constant 0 : index
    %get3A_3 = arith.constant 0 : index
    %get3A_4 = vector.load %arg2[%get3A_2, %get3A_3] : memref<136x128xf32, #tpu.memory_space<vmem>>, vector<136x128xf32>
    %dot_general3A = arith.constant dense<0.000000e+00> : vector<1024x128xf32>
    %dot_general3A_5 = tpu.matmul %get3A_1, %get3A_4, %dot_general3A {dimension_numbers = #tpu.dot_dimension_numbers<[1], [0], [0], [1], [0, 0, 1, 1], [], []>, precision = #tpu.contract_precision<fp32>, transpose_lhs_hint = false} : vector<1024x136xf32>, vector<136x128xf32>, vector<1024x128xf32> -> vector<1024x128xf32>
    %swap3A = arith.constant 0 : index
    %swap3A_6 = arith.constant 0 : index
    %swap3A_7 = vector.load %arg4[%swap3A, %swap3A_6] : memref<1024x128xf32, #tpu.memory_space<vmem>>, vector<1024x128xf32>
    tpu.vector_store %arg4[%swap3A, %swap3A_6], %dot_general3A_5 {strides = array<i32>} : memref<1024x128xf32, #tpu.memory_space<vmem>>, vector<1024x128xf32>,
    %get3A_8 = arith.constant 0 : index
    %get3A_9 = arith.constant 0 : index
    %get3A_10 = vector.load %arg3[%get3A_8, %get3A_9] : memref<136x128xf32, #tpu.memory_space<vmem>>, vector<136x128xf32>
    %dot_general3A_11 = arith.constant dense<0.000000e+00> : vector<1024x128xf32>
    %dot_general3A_12 = tpu.matmul %get3A_1, %get3A_10, %dot_general3A_11 {dimension_numbers = #tpu.dot_dimension_numbers<[1], [0], [0], [1], [0, 0, 1, 1], [], []>, precision = #tpu.contract_precision<fp32>, transpose_lhs_hint = false} : vector<1024x136xf32>, vector<136x128xf32>, vector<1024x128xf32> -> vector<1024x128xf32>
    %swap3A_13 = arith.constant 0 : index
    %swap3A_14 = arith.constant 0 : index
    %swap3A_15 = vector.load %arg5[%swap3A_13, %swap3A_14] : memref<1024x128xf32, #tpu.memory_space<vmem>>, vector<1024x128xf32>
    tpu.vector_store %arg5[%swap3A_13, %swap3A_14], %dot_general3A_12 {strides = array<i32>} : memref<1024x128xf32, #tpu.memory_space<vmem>>, vector<1024x128xf32>,
    return
  }
  func.func @transform_0(%arg0: i32) -> (i32, i32) {
    %c0_i32 = arith.constant 0 : i32
    %c0_i32_0 = arith.constant 0 : i32
    return %arg0, %c0_i32 : i32, i32
  }
  func.func @transform_1(%arg0: i32) -> (i32, i32) {
    %c0_i32 = arith.constant 0 : i32
    %c0_i32_0 = arith.constant 0 : i32
    %c0_i32_1 = arith.constant 0 : i32
    return %c0_i32, %c0_i32_0 : i32, i32
  }
  func.func @transform_2(%arg0: i32) -> (i32, i32) {
    %c0_i32 = arith.constant 0 : i32
    %c0_i32_0 = arith.constant 0 : i32
    %c0_i32_1 = arith.constant 0 : i32
    return %c0_i32, %c0_i32_0 : i32, i32
  }
  func.func @transform_3(%arg0: i32) -> (i32, i32) {
    %c0_i32 = arith.constant 0 : i32
    %c0_i32_0 = arith.constant 0 : i32
    return %arg0, %c0_i32 : i32, i32
  }
  func.func @transform_4(%arg0: i32) -> (i32, i32) {
    %c0_i32 = arith.constant 0 : i32
    %c0_i32_0 = arith.constant 0 : i32
    return %arg0, %c0_i32 : i32, i32
  }
}

module attributes {stable_mosaic.version = 14 : i64} {
  func.func @_edge_body(%arg0: i32, %arg1: memref<4096x128xf32, #tpu.memory_space<vmem>>, %arg2: memref<4096x4xf32, #tpu.memory_space<vmem>>, %arg3: memref<32x4xf32, #tpu.memory_space<vmem>>, %arg4: memref<32x1xf32, #tpu.memory_space<vmem>>, %arg5: memref<32x1xf32, #tpu.memory_space<vmem>>, %arg6: memref<32x1xf32, #tpu.memory_space<vmem>>, %arg7: memref<32x1xf32, #tpu.memory_space<vmem>>, %arg8: memref<32x32xf32, #tpu.memory_space<vmem>>, %arg9: memref<32x1xf32, #tpu.memory_space<vmem>>, %arg10: memref<32x1xf32, #tpu.memory_space<vmem>>, %arg11: memref<32x1xf32, #tpu.memory_space<vmem>>, %arg12: memref<32x32xf32, #tpu.memory_space<vmem>>, %arg13: memref<32x1xf32, #tpu.memory_space<vmem>>, %arg14: memref<1x32xf32, #tpu.memory_space<vmem>>, %arg15: memref<1x1xf32, #tpu.memory_space<vmem>>, %arg16: memref<4096x128xf32, #tpu.memory_space<vmem>>) attributes {dimension_semantics = [#tpu.dimension_semantics<arbitrary>], iteration_bounds = array<i64: 79>, scalar_prefetch = 0 : i64, scratch_operands = 0 : i64, tpu.core_type = #tpu.core_type<tc>, window_params = [{transform_indices = @transform_0, window_bounds = array<i64: 4096, 128>}, {transform_indices = @transform_1, window_bounds = array<i64: 4096, 4>}, {pipeline_mode = #tpu.pipeline_mode<synchronous>, transform_indices = @transform_2, window_bounds = array<i64: 32, 4>}, {pipeline_mode = #tpu.pipeline_mode<synchronous>, transform_indices = @transform_3, window_bounds = array<i64: 32, 1>}, {pipeline_mode = #tpu.pipeline_mode<synchronous>, transform_indices = @transform_4, window_bounds = array<i64: 32, 1>}, {pipeline_mode = #tpu.pipeline_mode<synchronous>, transform_indices = @transform_5, window_bounds = array<i64: 32, 1>}, {pipeline_mode = #tpu.pipeline_mode<synchronous>, transform_indices = @transform_6, window_bounds = array<i64: 32, 1>}, {pipeline_mode = #tpu.pipeline_mode<synchronous>, transform_indices = @transform_7, window_bounds = array<i64: 32, 32>}, {pipeline_mode = #tpu.pipeline_mode<synchronous>, transform_indices = @transform_8, window_bounds = array<i64: 32, 1>}, {pipeline_mode = #tpu.pipeline_mode<synchronous>, transform_indices = @transform_9, window_bounds = array<i64: 32, 1>}, {pipeline_mode = #tpu.pipeline_mode<synchronous>, transform_indices = @transform_10, window_bounds = array<i64: 32, 1>}, {pipeline_mode = #tpu.pipeline_mode<synchronous>, transform_indices = @transform_11, window_bounds = array<i64: 32, 32>}, {pipeline_mode = #tpu.pipeline_mode<synchronous>, transform_indices = @transform_12, window_bounds = array<i64: 32, 1>}, {pipeline_mode = #tpu.pipeline_mode<synchronous>, transform_indices = @transform_13, window_bounds = array<i64: 1, 32>}, {pipeline_mode = #tpu.pipeline_mode<synchronous>, transform_indices = @transform_14, window_bounds = array<i64: 1, 1>}, {transform_indices = @transform_15, window_bounds = array<i64: 4096, 128>}]} {
    %get3A = arith.constant 0 : index
    %get3A_0 = arith.constant 0 : index
    %get3A_1 = vector.load %arg1[%get3A, %get3A_0] : memref<4096x128xf32, #tpu.memory_space<vmem>>, vector<4096x32xf32>
    %transpose3A = tpu.transpose %get3A_1, [1, 0] : vector<4096x32xf32> -> vector<32x4096xf32>
    %get3A_2 = arith.constant 0 : index
    %get3A_3 = arith.constant 32 : index
    %get3A_4 = vector.load %arg1[%get3A_2, %get3A_3] : memref<4096x128xf32, #tpu.memory_space<vmem>>, vector<4096x3xf32>
    %transpose3A_5 = tpu.transpose %get3A_4, [1, 0] : vector<4096x3xf32> -> vector<3x4096xf32>
    %get3A_6 = arith.constant 0 : index
    %get3A_7 = arith.constant 0 : index
    %get3A_8 = vector.load %arg2[%get3A_6, %get3A_7] : memref<4096x4xf32, #tpu.memory_space<vmem>>, vector<4096x4xf32>
    %transpose3A_9 = tpu.transpose %get3A_8, [1, 0] : vector<4096x4xf32> -> vector<4x4096xf32>
    %mul3A = arith.mulf %transpose3A_5, %transpose3A_5 : vector<3x4096xf32>
    %reduce_sum3A = arith.constant dense<0.000000e+00> : vector<4096xf32>
    %reduce_sum3A_10 = vector.multi_reduction <add>, %mul3A, %reduce_sum3A [0] : vector<3x4096xf32> to vector<4096xf32>
    %broadcast_in_dim3A = vector.shape_cast %reduce_sum3A_10 : vector<4096xf32> to vector<1x4096xf32>
    %get3A_11 = arith.constant 0 : index
    %get3A_12 = arith.constant 0 : index
    %get3A_13 = vector.load %arg3[%get3A_11, %get3A_12] : memref<32x4xf32, #tpu.memory_space<vmem>>, vector<32x4xf32>
    %dot_general3A = arith.constant dense<0.000000e+00> : vector<32x4096xf32>
    %dot_general3A_14 = tpu.matmul %get3A_13, %transpose3A_9, %dot_general3A {dimension_numbers = #tpu.dot_dimension_numbers<[1], [0], [0], [1], [0, 0, 1, 1], [], []>, precision = #tpu.contract_precision<fp32>, transpose_lhs_hint = false} : vector<32x4xf32>, vector<4x4096xf32>, vector<32x4096xf32> -> vector<32x4096xf32>
    %add3A = arith.addf %transpose3A, %dot_general3A_14 : vector<32x4096xf32>
    %get3A_15 = arith.constant 0 : index
    %get3A_16 = arith.constant 0 : index
    %get3A_17 = vector.load %arg4[%get3A_15, %get3A_16] : memref<32x1xf32, #tpu.memory_space<vmem>>, vector<32x1xf32>
    %mul3A_18 = vector.broadcast %get3A_17 : vector<32x1xf32> to vector<32x4096xf32>
    %mul3A_19 = vector.broadcast %broadcast_in_dim3A : vector<1x4096xf32> to vector<32x4096xf32>
    %mul3A_20 = arith.mulf %mul3A_18, %mul3A_19 : vector<32x4096xf32>
    %add3A_21 = arith.addf %add3A, %mul3A_20 : vector<32x4096xf32>
    %get3A_22 = arith.constant 0 : index
    %get3A_23 = arith.constant 0 : index
    %get3A_24 = vector.load %arg5[%get3A_22, %get3A_23] : memref<32x1xf32, #tpu.memory_space<vmem>>, vector<32x1xf32>
    %add3A_25 = vector.broadcast %get3A_24 : vector<32x1xf32> to vector<32x4096xf32>
    %add3A_26 = arith.addf %add3A_21, %add3A_25 : vector<32x4096xf32>
    %logistic3A = arith.negf %add3A_26 : vector<32x4096xf32>
    %logistic3A_27 = math.exp %logistic3A : vector<32x4096xf32>
    %logistic3A_28 = arith.constant 1.000000e+00 : f32
    %logistic3A_29 = vector.broadcast %logistic3A_28 : f32 to vector<32x4096xf32>
    %logistic3A_30 = arith.addf %logistic3A_29, %logistic3A_27 : vector<32x4096xf32>
    %logistic3A_31 = arith.divf %logistic3A_29, %logistic3A_30 : vector<32x4096xf32>
    %mul3A_32 = arith.mulf %add3A_26, %logistic3A_31 : vector<32x4096xf32>
    %get3A_33 = arith.constant 0 : index
    %get3A_34 = arith.constant 0 : index
    %get3A_35 = vector.load %arg6[%get3A_33, %get3A_34] : memref<32x1xf32, #tpu.memory_space<vmem>>, vector<32x1xf32>
    %get3A_36 = arith.constant 0 : index
    %get3A_37 = arith.constant 0 : index
    %get3A_38 = vector.load %arg7[%get3A_36, %get3A_37] : memref<32x1xf32, #tpu.memory_space<vmem>>, vector<32x1xf32>
    %reduce_sum3A_39 = arith.constant dense<0.000000e+00> : vector<4096xf32>
    %reduce_sum3A_40 = vector.multi_reduction <add>, %mul3A_32, %reduce_sum3A_39 [0] : vector<32x4096xf32> to vector<4096xf32>
    %broadcast_in_dim3A_41 = vector.shape_cast %reduce_sum3A_40 : vector<4096xf32> to vector<1x4096xf32>
    %div3A = arith.constant 3.200000e+01 : f32
    %div3A_42 = vector.broadcast %div3A : f32 to vector<1x4096xf32>
    %div3A_43 = arith.divf %broadcast_in_dim3A_41, %div3A_42 : vector<1x4096xf32>
    %mul3A_44 = arith.mulf %mul3A_32, %mul3A_32 : vector<32x4096xf32>
    %reduce_sum3A_45 = arith.constant dense<0.000000e+00> : vector<4096xf32>
    %reduce_sum3A_46 = vector.multi_reduction <add>, %mul3A_44, %reduce_sum3A_45 [0] : vector<32x4096xf32> to vector<4096xf32>
    %broadcast_in_dim3A_47 = vector.shape_cast %reduce_sum3A_46 : vector<4096xf32> to vector<1x4096xf32>
    %div3A_48 = arith.constant 3.200000e+01 : f32
    %div3A_49 = vector.broadcast %div3A_48 : f32 to vector<1x4096xf32>
    %div3A_50 = arith.divf %broadcast_in_dim3A_47, %div3A_49 : vector<1x4096xf32>
    %mul3A_51 = arith.mulf %div3A_43, %div3A_43 : vector<1x4096xf32>
    %sub3A = arith.subf %div3A_50, %mul3A_51 : vector<1x4096xf32>
    %sub3A_52 = vector.broadcast %div3A_43 : vector<1x4096xf32> to vector<32x4096xf32>
    %sub3A_53 = arith.subf %mul3A_32, %sub3A_52 : vector<32x4096xf32>
    %add3A_54 = arith.constant 9.99999974E-6 : f32
    %add3A_55 = vector.broadcast %add3A_54 : f32 to vector<1x4096xf32>
    %add3A_56 = arith.addf %sub3A, %add3A_55 : vector<1x4096xf32>
    %rsqrt3A = math.rsqrt %add3A_56 : vector<1x4096xf32>
    %mul3A_57 = vector.broadcast %rsqrt3A : vector<1x4096xf32> to vector<32x4096xf32>
    %mul3A_58 = arith.mulf %sub3A_53, %mul3A_57 : vector<32x4096xf32>
    %mul3A_59 = vector.broadcast %get3A_35 : vector<32x1xf32> to vector<32x4096xf32>
    %mul3A_60 = arith.mulf %mul3A_58, %mul3A_59 : vector<32x4096xf32>
    %add3A_61 = vector.broadcast %get3A_38 : vector<32x1xf32> to vector<32x4096xf32>
    %add3A_62 = arith.addf %mul3A_60, %add3A_61 : vector<32x4096xf32>
    %get3A_63 = arith.constant 0 : index
    %get3A_64 = arith.constant 0 : index
    %get3A_65 = vector.load %arg8[%get3A_63, %get3A_64] : memref<32x32xf32, #tpu.memory_space<vmem>>, vector<32x32xf32>
    %dot_general3A_66 = arith.constant dense<0.000000e+00> : vector<32x4096xf32>
    %dot_general3A_67 = tpu.matmul %get3A_65, %add3A_62, %dot_general3A_66 {dimension_numbers = #tpu.dot_dimension_numbers<[1], [0], [0], [1], [0, 0, 1, 1], [], []>, precision = #tpu.contract_precision<fp32>, transpose_lhs_hint = false} : vector<32x32xf32>, vector<32x4096xf32>, vector<32x4096xf32> -> vector<32x4096xf32>
    %get3A_68 = arith.constant 0 : index
    %get3A_69 = arith.constant 0 : index
    %get3A_70 = vector.load %arg9[%get3A_68, %get3A_69] : memref<32x1xf32, #tpu.memory_space<vmem>>, vector<32x1xf32>
    %add3A_71 = vector.broadcast %get3A_70 : vector<32x1xf32> to vector<32x4096xf32>
    %add3A_72 = arith.addf %dot_general3A_67, %add3A_71 : vector<32x4096xf32>
    %logistic3A_73 = arith.negf %add3A_72 : vector<32x4096xf32>
    %logistic3A_74 = math.exp %logistic3A_73 : vector<32x4096xf32>
    %logistic3A_75 = arith.constant 1.000000e+00 : f32
    %logistic3A_76 = vector.broadcast %logistic3A_75 : f32 to vector<32x4096xf32>
    %logistic3A_77 = arith.addf %logistic3A_76, %logistic3A_74 : vector<32x4096xf32>
    %logistic3A_78 = arith.divf %logistic3A_76, %logistic3A_77 : vector<32x4096xf32>
    %mul3A_79 = arith.mulf %add3A_72, %logistic3A_78 : vector<32x4096xf32>
    %get3A_80 = arith.constant 0 : index
    %get3A_81 = arith.constant 0 : index
    %get3A_82 = vector.load %arg10[%get3A_80, %get3A_81] : memref<32x1xf32, #tpu.memory_space<vmem>>, vector<32x1xf32>
    %get3A_83 = arith.constant 0 : index
    %get3A_84 = arith.constant 0 : index
    %get3A_85 = vector.load %arg11[%get3A_83, %get3A_84] : memref<32x1xf32, #tpu.memory_space<vmem>>, vector<32x1xf32>
    %reduce_sum3A_86 = arith.constant dense<0.000000e+00> : vector<4096xf32>
    %reduce_sum3A_87 = vector.multi_reduction <add>, %mul3A_79, %reduce_sum3A_86 [0] : vector<32x4096xf32> to vector<4096xf32>
    %broadcast_in_dim3A_88 = vector.shape_cast %reduce_sum3A_87 : vector<4096xf32> to vector<1x4096xf32>
    %div3A_89 = arith.constant 3.200000e+01 : f32
    %div3A_90 = vector.broadcast %div3A_89 : f32 to vector<1x4096xf32>
    %div3A_91 = arith.divf %broadcast_in_dim3A_88, %div3A_90 : vector<1x4096xf32>
    %mul3A_92 = arith.mulf %mul3A_79, %mul3A_79 : vector<32x4096xf32>
    %reduce_sum3A_93 = arith.constant dense<0.000000e+00> : vector<4096xf32>
    %reduce_sum3A_94 = vector.multi_reduction <add>, %mul3A_92, %reduce_sum3A_93 [0] : vector<32x4096xf32> to vector<4096xf32>
    %broadcast_in_dim3A_95 = vector.shape_cast %reduce_sum3A_94 : vector<4096xf32> to vector<1x4096xf32>
    %div3A_96 = arith.constant 3.200000e+01 : f32
    %div3A_97 = vector.broadcast %div3A_96 : f32 to vector<1x4096xf32>
    %div3A_98 = arith.divf %broadcast_in_dim3A_95, %div3A_97 : vector<1x4096xf32>
    %mul3A_99 = arith.mulf %div3A_91, %div3A_91 : vector<1x4096xf32>
    %sub3A_100 = arith.subf %div3A_98, %mul3A_99 : vector<1x4096xf32>
    %sub3A_101 = vector.broadcast %div3A_91 : vector<1x4096xf32> to vector<32x4096xf32>
    %sub3A_102 = arith.subf %mul3A_79, %sub3A_101 : vector<32x4096xf32>
    %add3A_103 = arith.constant 9.99999974E-6 : f32
    %add3A_104 = vector.broadcast %add3A_103 : f32 to vector<1x4096xf32>
    %add3A_105 = arith.addf %sub3A_100, %add3A_104 : vector<1x4096xf32>
    %rsqrt3A_106 = math.rsqrt %add3A_105 : vector<1x4096xf32>
    %mul3A_107 = vector.broadcast %rsqrt3A_106 : vector<1x4096xf32> to vector<32x4096xf32>
    %mul3A_108 = arith.mulf %sub3A_102, %mul3A_107 : vector<32x4096xf32>
    %mul3A_109 = vector.broadcast %get3A_82 : vector<32x1xf32> to vector<32x4096xf32>
    %mul3A_110 = arith.mulf %mul3A_108, %mul3A_109 : vector<32x4096xf32>
    %add3A_111 = vector.broadcast %get3A_85 : vector<32x1xf32> to vector<32x4096xf32>
    %add3A_112 = arith.addf %mul3A_110, %add3A_111 : vector<32x4096xf32>
    %get3A_113 = arith.constant 0 : index
    %get3A_114 = arith.constant 0 : index
    %get3A_115 = vector.load %arg12[%get3A_113, %get3A_114] : memref<32x32xf32, #tpu.memory_space<vmem>>, vector<32x32xf32>
    %dot_general3A_116 = arith.constant dense<0.000000e+00> : vector<32x4096xf32>
    %dot_general3A_117 = tpu.matmul %get3A_115, %add3A_112, %dot_general3A_116 {dimension_numbers = #tpu.dot_dimension_numbers<[1], [0], [0], [1], [0, 0, 1, 1], [], []>, precision = #tpu.contract_precision<fp32>, transpose_lhs_hint = false} : vector<32x32xf32>, vector<32x4096xf32>, vector<32x4096xf32> -> vector<32x4096xf32>
    %get3A_118 = arith.constant 0 : index
    %get3A_119 = arith.constant 0 : index
    %get3A_120 = vector.load %arg13[%get3A_118, %get3A_119] : memref<32x1xf32, #tpu.memory_space<vmem>>, vector<32x1xf32>
    %add3A_121 = vector.broadcast %get3A_120 : vector<32x1xf32> to vector<32x4096xf32>
    %add3A_122 = arith.addf %dot_general3A_117, %add3A_121 : vector<32x4096xf32>
    %logistic3A_123 = arith.negf %add3A_122 : vector<32x4096xf32>
    %logistic3A_124 = math.exp %logistic3A_123 : vector<32x4096xf32>
    %logistic3A_125 = arith.constant 1.000000e+00 : f32
    %logistic3A_126 = vector.broadcast %logistic3A_125 : f32 to vector<32x4096xf32>
    %logistic3A_127 = arith.addf %logistic3A_126, %logistic3A_124 : vector<32x4096xf32>
    %logistic3A_128 = arith.divf %logistic3A_126, %logistic3A_127 : vector<32x4096xf32>
    %mul3A_129 = arith.mulf %add3A_122, %logistic3A_128 : vector<32x4096xf32>
    %get3A_130 = arith.constant 0 : index
    %get3A_131 = arith.constant 0 : index
    %get3A_132 = vector.load %arg14[%get3A_130, %get3A_131] : memref<1x32xf32, #tpu.memory_space<vmem>>, vector<1x32xf32>
    %dot_general3A_133 = arith.constant dense<0.000000e+00> : vector<1x4096xf32>
    %dot_general3A_134 = tpu.matmul %get3A_132, %mul3A_129, %dot_general3A_133 {dimension_numbers = #tpu.dot_dimension_numbers<[1], [0], [0], [1], [0, 0, 1, 1], [], []>, precision = #tpu.contract_precision<fp32>, transpose_lhs_hint = false} : vector<1x32xf32>, vector<32x4096xf32>, vector<1x4096xf32> -> vector<1x4096xf32>
    %get3A_135 = arith.constant 0 : index
    %get3A_136 = arith.constant 0 : index
    %get3A_137 = vector.load %arg15[%get3A_135, %get3A_136] : memref<1x1xf32, #tpu.memory_space<vmem>>, vector<1x1xf32>
    %add3A_138 = vector.broadcast %get3A_137 : vector<1x1xf32> to vector<1x4096xf32>
    %add3A_139 = arith.addf %dot_general3A_134, %add3A_138 : vector<1x4096xf32>
    %mul3A_140 = vector.broadcast %add3A_139 : vector<1x4096xf32> to vector<3x4096xf32>
    %mul3A_141 = arith.mulf %transpose3A_5, %mul3A_140 : vector<3x4096xf32>
    %transpose3A_142 = tpu.transpose %add3A_112, [1, 0] : vector<32x4096xf32> -> vector<4096x32xf32>
    %transpose3A_143 = tpu.transpose %mul3A_141, [1, 0] : vector<3x4096xf32> -> vector<4096x3xf32>
    %broadcast_in_dim3A_144 = arith.constant 0.000000e+00 : f32
    %broadcast_in_dim3A_145 = vector.broadcast %broadcast_in_dim3A_144 : f32 to vector<4096x93xf32>
    %concatenate3A = tpu.concatenate %transpose3A_142, %transpose3A_143, %broadcast_in_dim3A_145 in 1 : vector<4096x32xf32>, vector<4096x3xf32>, vector<4096x93xf32> -> vector<4096x128xf32>
    %swap3A = arith.constant 0 : index
    %swap3A_146 = arith.constant 0 : index
    %swap3A_147 = vector.load %arg16[%swap3A, %swap3A_146] : memref<4096x128xf32, #tpu.memory_space<vmem>>, vector<4096x128xf32>
    tpu.vector_store %arg16[%swap3A, %swap3A_146], %concatenate3A {strides = array<i32>} : memref<4096x128xf32, #tpu.memory_space<vmem>>, vector<4096x128xf32>,
    return
  }
  func.func @transform_0(%arg0: i32) -> (i32, i32) {
    %c0_i32 = arith.constant 0 : i32
    %c0_i32_0 = arith.constant 0 : i32
    return %arg0, %c0_i32 : i32, i32
  }
  func.func @transform_1(%arg0: i32) -> (i32, i32) {
    %c0_i32 = arith.constant 0 : i32
    %c0_i32_0 = arith.constant 0 : i32
    return %arg0, %c0_i32 : i32, i32
  }
  func.func @transform_2(%arg0: i32) -> (i32, i32) {
    %c0_i32 = arith.constant 0 : i32
    %c0_i32_0 = arith.constant 0 : i32
    %c0_i32_1 = arith.constant 0 : i32
    return %c0_i32, %c0_i32_0 : i32, i32
  }
  func.func @transform_3(%arg0: i32) -> (i32, i32) {
    %c0_i32 = arith.constant 0 : i32
    %c0_i32_0 = arith.constant 0 : i32
    %c0_i32_1 = arith.constant 0 : i32
    return %c0_i32, %c0_i32_0 : i32, i32
  }
  func.func @transform_4(%arg0: i32) -> (i32, i32) {
    %c0_i32 = arith.constant 0 : i32
    %c0_i32_0 = arith.constant 0 : i32
    %c0_i32_1 = arith.constant 0 : i32
    return %c0_i32, %c0_i32_0 : i32, i32
  }
  func.func @transform_5(%arg0: i32) -> (i32, i32) {
    %c0_i32 = arith.constant 0 : i32
    %c0_i32_0 = arith.constant 0 : i32
    %c0_i32_1 = arith.constant 0 : i32
    return %c0_i32, %c0_i32_0 : i32, i32
  }
  func.func @transform_6(%arg0: i32) -> (i32, i32) {
    %c0_i32 = arith.constant 0 : i32
    %c0_i32_0 = arith.constant 0 : i32
    %c0_i32_1 = arith.constant 0 : i32
    return %c0_i32, %c0_i32_0 : i32, i32
  }
  func.func @transform_7(%arg0: i32) -> (i32, i32) {
    %c0_i32 = arith.constant 0 : i32
    %c0_i32_0 = arith.constant 0 : i32
    %c0_i32_1 = arith.constant 0 : i32
    return %c0_i32, %c0_i32_0 : i32, i32
  }
  func.func @transform_8(%arg0: i32) -> (i32, i32) {
    %c0_i32 = arith.constant 0 : i32
    %c0_i32_0 = arith.constant 0 : i32
    %c0_i32_1 = arith.constant 0 : i32
    return %c0_i32, %c0_i32_0 : i32, i32
  }
  func.func @transform_9(%arg0: i32) -> (i32, i32) {
    %c0_i32 = arith.constant 0 : i32
    %c0_i32_0 = arith.constant 0 : i32
    %c0_i32_1 = arith.constant 0 : i32
    return %c0_i32, %c0_i32_0 : i32, i32
  }
  func.func @transform_10(%arg0: i32) -> (i32, i32) {
    %c0_i32 = arith.constant 0 : i32
    %c0_i32_0 = arith.constant 0 : i32
    %c0_i32_1 = arith.constant 0 : i32
    return %c0_i32, %c0_i32_0 : i32, i32
  }
  func.func @transform_11(%arg0: i32) -> (i32, i32) {
    %c0_i32 = arith.constant 0 : i32
    %c0_i32_0 = arith.constant 0 : i32
    %c0_i32_1 = arith.constant 0 : i32
    return %c0_i32, %c0_i32_0 : i32, i32
  }
  func.func @transform_12(%arg0: i32) -> (i32, i32) {
    %c0_i32 = arith.constant 0 : i32
    %c0_i32_0 = arith.constant 0 : i32
    %c0_i32_1 = arith.constant 0 : i32
    return %c0_i32, %c0_i32_0 : i32, i32
  }
  func.func @transform_13(%arg0: i32) -> (i32, i32) {
    %c0_i32 = arith.constant 0 : i32
    %c0_i32_0 = arith.constant 0 : i32
    %c0_i32_1 = arith.constant 0 : i32
    return %c0_i32, %c0_i32_0 : i32, i32
  }
  func.func @transform_14(%arg0: i32) -> (i32, i32) {
    %c0_i32 = arith.constant 0 : i32
    %c0_i32_0 = arith.constant 0 : i32
    %c0_i32_1 = arith.constant 0 : i32
    return %c0_i32, %c0_i32_0 : i32, i32
  }
  func.func @transform_15(%arg0: i32) -> (i32, i32) {
    %c0_i32 = arith.constant 0 : i32
    %c0_i32_0 = arith.constant 0 : i32
    return %arg0, %c0_i32 : i32, i32
  }
}

module attributes {stable_mosaic.version = 14 : i64} {
  func.func @body(%arg0: i32, %arg1: memref<1000x128xf32, #tpu.memory_space<vmem>>, %arg2: memref<1000x3xf32, #tpu.memory_space<vmem>>, %arg3: memref<2x1000x128xf32, #tpu.memory_space<vmem>>, %arg4: memref<128x32xf32, #tpu.memory_space<vmem>>, %arg5: memref<32x32xf32, #tpu.memory_space<vmem>>, %arg6: memref<1x32xf32, #tpu.memory_space<vmem>>, %arg7: memref<1x32xf32, #tpu.memory_space<vmem>>, %arg8: memref<1x32xf32, #tpu.memory_space<vmem>>, %arg9: memref<32x128xf32, #tpu.memory_space<vmem>>, %arg10: memref<1x128xf32, #tpu.memory_space<vmem>>, %arg11: memref<1000x128xf32, #tpu.memory_space<vmem>>, %arg12: memref<1000x3xf32, #tpu.memory_space<vmem>>) attributes {dimension_semantics = [#tpu.dimension_semantics<arbitrary>], iteration_bounds = array<i64: 10>, scalar_prefetch = 0 : i64, scratch_operands = 0 : i64, tpu.core_type = #tpu.core_type<tc>, window_params = [{transform_indices = @transform_0, window_bounds = array<i64: 1000, 128>}, {transform_indices = @transform_1, window_bounds = array<i64: 1000, 3>}, {transform_indices = @transform_2, window_bounds = array<i64: 2, 1000, 128>}, {pipeline_mode = #tpu.pipeline_mode<synchronous>, transform_indices = @transform_3, window_bounds = array<i64: 128, 32>}, {pipeline_mode = #tpu.pipeline_mode<synchronous>, transform_indices = @transform_4, window_bounds = array<i64: 32, 32>}, {pipeline_mode = #tpu.pipeline_mode<synchronous>, transform_indices = @transform_5, window_bounds = array<i64: 1, 32>}, {pipeline_mode = #tpu.pipeline_mode<synchronous>, transform_indices = @transform_6, window_bounds = array<i64: 1, 32>}, {pipeline_mode = #tpu.pipeline_mode<synchronous>, transform_indices = @transform_7, window_bounds = array<i64: 1, 32>}, {pipeline_mode = #tpu.pipeline_mode<synchronous>, transform_indices = @transform_8, window_bounds = array<i64: 32, 128>}, {pipeline_mode = #tpu.pipeline_mode<synchronous>, transform_indices = @transform_9, window_bounds = array<i64: 1, 128>}, {transform_indices = @transform_10, window_bounds = array<i64: 1000, 128>}, {transform_indices = @transform_11, window_bounds = array<i64: 1000, 3>}]} {
    %get3A = arith.constant 0 : index
    %get3A_0 = arith.constant 0 : index
    %get3A_1 = vector.load %arg1[%get3A, %get3A_0] : memref<1000x128xf32, #tpu.memory_space<vmem>>, vector<1000x128xf32>
    %get3A_2 = arith.constant 0 : index
    %get3A_3 = arith.constant 0 : index
    %get3A_4 = arith.constant 0 : index
    %get3A_5 = vector.load %arg3[%get3A_2, %get3A_3, %get3A_4] : memref<2x1000x128xf32, #tpu.memory_space<vmem>>, vector<1x1000x32xf32>
    %get3A_6 = vector.shape_cast %get3A_5 : vector<1x1000x32xf32> to vector<1000x32xf32>
    %get3A_7 = arith.constant 1 : index
    %get3A_8 = arith.constant 0 : index
    %get3A_9 = arith.constant 0 : index
    %get3A_10 = vector.load %arg3[%get3A_7, %get3A_8, %get3A_9] : memref<2x1000x128xf32, #tpu.memory_space<vmem>>, vector<1x1000x32xf32>
    %get3A_11 = vector.shape_cast %get3A_10 : vector<1x1000x32xf32> to vector<1000x32xf32>
    %add3A = arith.addf %get3A_6, %get3A_11 : vector<1000x32xf32>
    %get3A_12 = arith.constant 0 : index
    %get3A_13 = arith.constant 0 : index
    %get3A_14 = arith.constant 32 : index
    %get3A_15 = vector.load %arg3[%get3A_12, %get3A_13, %get3A_14] : memref<2x1000x128xf32, #tpu.memory_space<vmem>>, vector<1x1000x3xf32>
    %get3A_16 = vector.shape_cast %get3A_15 : vector<1x1000x3xf32> to vector<1000x3xf32>
    %get3A_17 = arith.constant 1 : index
    %get3A_18 = arith.constant 0 : index
    %get3A_19 = arith.constant 32 : index
    %get3A_20 = vector.load %arg3[%get3A_17, %get3A_18, %get3A_19] : memref<2x1000x128xf32, #tpu.memory_space<vmem>>, vector<1x1000x3xf32>
    %get3A_21 = vector.shape_cast %get3A_20 : vector<1x1000x3xf32> to vector<1000x3xf32>
    %add3A_22 = arith.addf %get3A_16, %get3A_21 : vector<1000x3xf32>
    %get3A_23 = arith.constant 0 : index
    %get3A_24 = arith.constant 0 : index
    %get3A_25 = vector.load %arg4[%get3A_23, %get3A_24] : memref<128x32xf32, #tpu.memory_space<vmem>>, vector<128x32xf32>
    %dot_general3A = arith.constant dense<0.000000e+00> : vector<1000x32xf32>
    %dot_general3A_26 = tpu.matmul %get3A_1, %get3A_25, %dot_general3A {dimension_numbers = #tpu.dot_dimension_numbers<[1], [0], [0], [1], [0, 0, 1, 1], [], []>, precision = #tpu.contract_precision<fp32>, transpose_lhs_hint = false} : vector<1000x128xf32>, vector<128x32xf32>, vector<1000x32xf32> -> vector<1000x32xf32>
    %get3A_27 = arith.constant 0 : index
    %get3A_28 = arith.constant 0 : index
    %get3A_29 = vector.load %arg5[%get3A_27, %get3A_28] : memref<32x32xf32, #tpu.memory_space<vmem>>, vector<32x32xf32>
    %dot_general3A_30 = arith.constant dense<0.000000e+00> : vector<1000x32xf32>
    %dot_general3A_31 = tpu.matmul %add3A, %get3A_29, %dot_general3A_30 {dimension_numbers = #tpu.dot_dimension_numbers<[1], [0], [0], [1], [0, 0, 1, 1], [], []>, precision = #tpu.contract_precision<fp32>, transpose_lhs_hint = false} : vector<1000x32xf32>, vector<32x32xf32>, vector<1000x32xf32> -> vector<1000x32xf32>
    %add3A_32 = arith.addf %dot_general3A_26, %dot_general3A_31 : vector<1000x32xf32>
    %get3A_33 = arith.constant 0 : index
    %get3A_34 = arith.constant 0 : index
    %get3A_35 = vector.load %arg6[%get3A_33, %get3A_34] : memref<1x32xf32, #tpu.memory_space<vmem>>, vector<1x32xf32>
    %add3A_36 = vector.broadcast %get3A_35 : vector<1x32xf32> to vector<1000x32xf32>
    %add3A_37 = arith.addf %add3A_32, %add3A_36 : vector<1000x32xf32>
    %logistic3A = arith.negf %add3A_37 : vector<1000x32xf32>
    %logistic3A_38 = math.exp %logistic3A : vector<1000x32xf32>
    %logistic3A_39 = arith.constant 1.000000e+00 : f32
    %logistic3A_40 = vector.broadcast %logistic3A_39 : f32 to vector<1000x32xf32>
    %logistic3A_41 = arith.addf %logistic3A_40, %logistic3A_38 : vector<1000x32xf32>
    %logistic3A_42 = arith.divf %logistic3A_40, %logistic3A_41 : vector<1000x32xf32>
    %mul3A = arith.mulf %add3A_37, %logistic3A_42 : vector<1000x32xf32>
    %get3A_43 = arith.constant 0 : index
    %get3A_44 = arith.constant 0 : index
    %get3A_45 = vector.load %arg7[%get3A_43, %get3A_44] : memref<1x32xf32, #tpu.memory_space<vmem>>, vector<1x32xf32>
    %get3A_46 = arith.constant 0 : index
    %get3A_47 = arith.constant 0 : index
    %get3A_48 = vector.load %arg8[%get3A_46, %get3A_47] : memref<1x32xf32, #tpu.memory_space<vmem>>, vector<1x32xf32>
    %reduce_sum3A = arith.constant dense<0.000000e+00> : vector<1000xf32>
    %reduce_sum3A_49 = vector.multi_reduction <add>, %mul3A, %reduce_sum3A [1] : vector<1000x32xf32> to vector<1000xf32>
    %broadcast_in_dim3A = vector.shape_cast %reduce_sum3A_49 : vector<1000xf32> to vector<1000x1xf32>
    %div3A = arith.constant 3.200000e+01 : f32
    %div3A_50 = vector.broadcast %div3A : f32 to vector<1000x1xf32>
    %div3A_51 = arith.divf %broadcast_in_dim3A, %div3A_50 : vector<1000x1xf32>
    %jit3A = arith.constant 0 : i32
    %reduce_sum3A_52 = arith.constant dense<0.000000e+00> : vector<1000xf32>
    %reduce_sum3A_53 = vector.multi_reduction <add>, %mul3A, %reduce_sum3A_52 [1] : vector<1000x32xf32> to vector<1000xf32>
    %broadcast_in_dim3A_54 = vector.shape_cast %reduce_sum3A_53 : vector<1000xf32> to vector<1000x1xf32>
    %div3A_55 = arith.constant 3.200000e+01 : f32
    %div3A_56 = vector.broadcast %div3A_55 : f32 to vector<1000x1xf32>
    %div3A_57 = arith.divf %broadcast_in_dim3A_54, %div3A_56 : vector<1000x1xf32>
    %sub3A = vector.broadcast %div3A_57 : vector<1000x1xf32> to vector<1000x32xf32>
    %sub3A_58 = arith.subf %mul3A, %sub3A : vector<1000x32xf32>
    %square3A = arith.mulf %sub3A_58, %sub3A_58 : vector<1000x32xf32>
    %convert_element_type3A = arith.sitofp %jit3A : i32 to f32
    %sub3A_59 = arith.constant 3.200000e+01 : f32
    %sub3A_60 = arith.subf %sub3A_59, %convert_element_type3A : f32
    %reduce_sum3A_61 = arith.constant dense<0.000000e+00> : vector<1000xf32>
    %reduce_sum3A_62 = vector.multi_reduction <add>, %square3A, %reduce_sum3A_61 [1] : vector<1000x32xf32> to vector<1000xf32>
    %broadcast_in_dim3A_63 = vector.shape_cast %reduce_sum3A_62 : vector<1000xf32> to vector<1000x1xf32>
    %div3A_64 = vector.broadcast %sub3A_60 : f32 to vector<1000x1xf32>
    %div3A_65 = arith.divf %broadcast_in_dim3A_63, %div3A_64 : vector<1000x1xf32>
    %gt3A = arith.constant 0.000000e+00 : f32
    %gt3A_66 = arith.cmpf ogt, %sub3A_60, %gt3A : f32
    %jit3A_67 = arith.constant 0x7FC00000 : f32
    %broadcast_in_dim3A_68 = vector.broadcast %jit3A_67 : f32 to vector<1000x1xf32>
    %select_n3A = arith.select %gt3A_66, %div3A_65, %broadcast_in_dim3A_68 : vector<1000x1xf32>
    %sub3A_69 = vector.broadcast %div3A_51 : vector<1000x1xf32> to vector<1000x32xf32>
    %sub3A_70 = arith.subf %mul3A, %sub3A_69 : vector<1000x32xf32>
    %add3A_71 = arith.constant 9.99999974E-6 : f32
    %add3A_72 = vector.broadcast %add3A_71 : f32 to vector<1000x1xf32>
    %add3A_73 = arith.addf %select_n3A, %add3A_72 : vector<1000x1xf32>
    %rsqrt3A = math.rsqrt %add3A_73 : vector<1000x1xf32>
    %mul3A_74 = vector.broadcast %rsqrt3A : vector<1000x1xf32> to vector<1000x32xf32>
    %mul3A_75 = arith.mulf %sub3A_70, %mul3A_74 : vector<1000x32xf32>
    %mul3A_76 = vector.broadcast %get3A_45 : vector<1x32xf32> to vector<1000x32xf32>
    %mul3A_77 = arith.mulf %mul3A_75, %mul3A_76 : vector<1000x32xf32>
    %add3A_78 = vector.broadcast %get3A_48 : vector<1x32xf32> to vector<1000x32xf32>
    %add3A_79 = arith.addf %mul3A_77, %add3A_78 : vector<1000x32xf32>
    %get3A_80 = arith.constant 0 : index
    %get3A_81 = arith.constant 0 : index
    %get3A_82 = vector.load %arg9[%get3A_80, %get3A_81] : memref<32x128xf32, #tpu.memory_space<vmem>>, vector<32x128xf32>
    %dot_general3A_83 = arith.constant dense<0.000000e+00> : vector<1000x128xf32>
    %dot_general3A_84 = tpu.matmul %add3A_79, %get3A_82, %dot_general3A_83 {dimension_numbers = #tpu.dot_dimension_numbers<[1], [0], [0], [1], [0, 0, 1, 1], [], []>, precision = #tpu.contract_precision<fp32>, transpose_lhs_hint = false} : vector<1000x32xf32>, vector<32x128xf32>, vector<1000x128xf32> -> vector<1000x128xf32>
    %add3A_85 = arith.addf %get3A_1, %dot_general3A_84 : vector<1000x128xf32>
    %get3A_86 = arith.constant 0 : index
    %get3A_87 = arith.constant 0 : index
    %get3A_88 = vector.load %arg10[%get3A_86, %get3A_87] : memref<1x128xf32, #tpu.memory_space<vmem>>, vector<1x128xf32>
    %add3A_89 = vector.broadcast %get3A_88 : vector<1x128xf32> to vector<1000x128xf32>
    %add3A_90 = arith.addf %add3A_85, %add3A_89 : vector<1000x128xf32>
    %swap3A = arith.constant 0 : index
    %swap3A_91 = arith.constant 0 : index
    %swap3A_92 = vector.load %arg11[%swap3A, %swap3A_91] : memref<1000x128xf32, #tpu.memory_space<vmem>>, vector<1000x128xf32>
    tpu.vector_store %arg11[%swap3A, %swap3A_91], %add3A_90 {strides = array<i32>} : memref<1000x128xf32, #tpu.memory_space<vmem>>, vector<1000x128xf32>,
    %get3A_93 = arith.constant 0 : index
    %get3A_94 = arith.constant 0 : index
    %get3A_95 = vector.load %arg2[%get3A_93, %get3A_94] : memref<1000x3xf32, #tpu.memory_space<vmem>>, vector<1000x3xf32>
    %add3A_96 = arith.addf %get3A_95, %add3A_22 : vector<1000x3xf32>
    %swap3A_97 = arith.constant 0 : index
    %swap3A_98 = arith.constant 0 : index
    %swap3A_99 = vector.load %arg12[%swap3A_97, %swap3A_98] : memref<1000x3xf32, #tpu.memory_space<vmem>>, vector<1000x3xf32>
    tpu.vector_store %arg12[%swap3A_97, %swap3A_98], %add3A_96 {strides = array<i32>} : memref<1000x3xf32, #tpu.memory_space<vmem>>, vector<1000x3xf32>,
    return
  }
  func.func @transform_0(%arg0: i32) -> (i32, i32) {
    %c0_i32 = arith.constant 0 : i32
    %c0_i32_0 = arith.constant 0 : i32
    return %arg0, %c0_i32 : i32, i32
  }
  func.func @transform_1(%arg0: i32) -> (i32, i32) {
    %c0_i32 = arith.constant 0 : i32
    %c0_i32_0 = arith.constant 0 : i32
    return %arg0, %c0_i32 : i32, i32
  }
  func.func @transform_2(%arg0: i32) -> (i32, i32, i32) {
    %c0_i32 = arith.constant 0 : i32
    %c0_i32_0 = arith.constant 0 : i32
    %c0_i32_1 = arith.constant 0 : i32
    return %c0_i32, %arg0, %c0_i32_0 : i32, i32, i32
  }
  func.func @transform_3(%arg0: i32) -> (i32, i32) {
    %c0_i32 = arith.constant 0 : i32
    %c0_i32_0 = arith.constant 0 : i32
    %c0_i32_1 = arith.constant 0 : i32
    return %c0_i32, %c0_i32_0 : i32, i32
  }
  func.func @transform_4(%arg0: i32) -> (i32, i32) {
    %c0_i32 = arith.constant 0 : i32
    %c0_i32_0 = arith.constant 0 : i32
    %c0_i32_1 = arith.constant 0 : i32
    return %c0_i32, %c0_i32_0 : i32, i32
  }
  func.func @transform_5(%arg0: i32) -> (i32, i32) {
    %c0_i32 = arith.constant 0 : i32
    %c0_i32_0 = arith.constant 0 : i32
    %c0_i32_1 = arith.constant 0 : i32
    return %c0_i32, %c0_i32_0 : i32, i32
  }
  func.func @transform_6(%arg0: i32) -> (i32, i32) {
    %c0_i32 = arith.constant 0 : i32
    %c0_i32_0 = arith.constant 0 : i32
    %c0_i32_1 = arith.constant 0 : i32
    return %c0_i32, %c0_i32_0 : i32, i32
  }
  func.func @transform_7(%arg0: i32) -> (i32, i32) {
    %c0_i32 = arith.constant 0 : i32
    %c0_i32_0 = arith.constant 0 : i32
    %c0_i32_1 = arith.constant 0 : i32
    return %c0_i32, %c0_i32_0 : i32, i32
  }
  func.func @transform_8(%arg0: i32) -> (i32, i32) {
    %c0_i32 = arith.constant 0 : i32
    %c0_i32_0 = arith.constant 0 : i32
    %c0_i32_1 = arith.constant 0 : i32
    return %c0_i32, %c0_i32_0 : i32, i32
  }
  func.func @transform_9(%arg0: i32) -> (i32, i32) {
    %c0_i32 = arith.constant 0 : i32
    %c0_i32_0 = arith.constant 0 : i32
    %c0_i32_1 = arith.constant 0 : i32
    return %c0_i32, %c0_i32_0 : i32, i32
  }
  func.func @transform_10(%arg0: i32) -> (i32, i32) {
    %c0_i32 = arith.constant 0 : i32
    %c0_i32_0 = arith.constant 0 : i32
    return %arg0, %c0_i32 : i32, i32
  }
  func.func @transform_11(%arg0: i32) -> (i32, i32) {
    %c0_i32 = arith.constant 0 : i32
    %c0_i32_0 = arith.constant 0 : i32
    return %arg0, %c0_i32 : i32, i32
  }
}

</mosaic_0001>

<sc_bundles>
// kernel: kernel.10.cloned.1.call-start
scs
__scs_entry_jumppad:
0x0: {  	(pc) =	sbr.rel $0x88, $3  }
0x1: {  	(tag) =	ssettag $0x0;
	lr =	simm.s32 $0x1  }
0x2: {  	[smem:$0x3F8B] =	sst lr;
	_ =	strace $0xD0000000  }
0x3: {  	_ = 	snop  }
0x4: {  	_ = 	snop  }
0x5: {  	_ = 	snop  }
0x6: {  	_ = 	snop  }
0x7: {  	_ = 	snop  }
__scs_overlays_trampoline_lowered:
0x8: {  	[smem:$0x3F9A] =	sst s0  }
0x9: {  	[smem:$0x3F9B] =	sst s1  }
0xa: {  	[smem:$0x3F9C] =	sst s2  }
0xb: {  	[smem:$0x3F9D] =	sst s3  }
0xc: {  	[smem:$0x3F9E] =	sst s4  }
0xd: {  	[smem:$0x3F9F] =	sst s5  }
0xe: {  	[smem:$0x3FA0] =	sst s6  }
0xf: {  	[smem:$0x3FA1] =	sst s7  }
0x10: {  	[smem:$0x3FA2] =	sst s8  }
0x11: {  	[smem:$0x3FA3] =	sst s9;
	s0 =	simm.s32 @!p0 $0x0  }
0x12: {  	s1 =	sld [smem:$0x3F89];
	s0 =	simm.s32 @p0 $0x1  }
0x13: {  	[smem:$0x3FA4] =	sst s0;
	s0 =	simm.s32 @!p1 $0x0  }
0x14: {  	s2 =	sld [smem:$0x3F88];
	s0 =	simm.s32 @p1 $0x1  }
0x15: {  	[smem:$0x3FA5] =	sst s0;
	s0 =	simm.s32 @!p2 $0x0  }
0x16: {  	s3 =	sld [smem:$0x3FDB];
	s0 =	simm.s32 @p2 $0x1  }
0x17: {  	s4 =	simm.s32 $0x1BF5;
	[smem:$0x3FA7] =	sst s0  }
0x18: {  	s0 =	sld [smem:$0x3F8A];
	_ =	swait.ge [sflag:s4], $0x0  }
0x19: {  	s7 =	sld [smem:$0x3F8B]  }
0x1a: {  	s8 =	sadd.s32 $0xFFFFE003, lr  }
0x1b: {  	s9 =	sadd.s32 $0xFFFFFEF7, lr;
	s5 =	simm.s32 $0xFFFFFFFF;
	p2 =	slt.u32 s8, $0xFFFFF086  }
0x1c: {  	p1 =	slt.u32 s9, $0xF7A;
	s5 =	simm.s32 @!p2 $0x0  }
0x1d: {  	s5 =	simm.s32 @p1 $0x1;
	p0 =	seq.s32 s7, s2  }
0x1e: {  	s7 =	smul.u32 @!p0 $0xF7A, s2;
	p2 =	seq.s32 @!p0 s5, $0x0  }
0x1f: {  	s9 =	smul.u32 $0xF7A, s1;
	s8 =	simm.s32 @!p0 $0x1BF5;
	p2 =	por !p2, p0  }
0x20: {  	[sflag:s8] =	ssyncset.s32 @!p0 $0xFFFFF086;
	s6 =	sadd.s32 @!p0 s3, s7;
	s7 =	simm.s32 @!p0 $0x108  }
0x21: {  	s3 =	sadd.s32 s3, s9;
	s6 =	sadd.s32 @!p0 $0x88, s6;
	s7 =	simm.s32 @p2 $0x1082  }
0x22: {  	[simem:s7], [sflag:s8] =	dma.local @!p0 [hbm:s6], $0xF7A  }
0x23: {  	s9 =	sor.u32 $0xD0000000, s2;
	s6 =	simm.s32 $0x108;
	_ =	swait.ge @!p0 [sflag:s8], $0x0  }
0x24: {  	s3 =	sadd.s32 $0x88, s3;
	s6 =	simm.s32 @!p1 $0x1082;
	[sflag:s4] =	ssyncset.s32 $0xFFFFF086  }
0x25: {  	[simem:s6], [sflag:s4] =	dma.local [hbm:s3], $0xF7A  }
0x26: {  	[smem:$0x3F8B] =	sst s1;
	(tag) =	ssettag s2;
	_ =	strace s9  }
0x27: {  	s1 =	sld [smem:$0x3F9B]  }
0x28: {  	s2 =	sld [smem:$0x3F9C]  }
0x29: {  	s4 =	sld [smem:$0x3F9E]  }
0x2a: {  	p0 =	seq.s32 s5, $0x0;
	s5 =	sld [smem:$0x3F9F]  }
0x2b: {  	s6 =	sld [smem:$0x3FA0]  }
0x2c: {  	s7 =	sld [smem:$0x3FA1]  }
0x2d: {  	s3 =	simm.s32 $0x108;
	s8 =	sld [smem:$0x3FA2]  }
0x2e: {  	s3 =	simm.s32 @!p0 $0x1082;
	s9 =	sld [smem:$0x3FA3]  }
0x2f: {  	lr =	sadd.s32 s0, s3;
	s0 =	sld [smem:$0x3F9A]  }
0x30: {  	s3 =	sld [smem:$0x3F9D]  }
0x31: {  	[smem:$0x3FA6] =	sst s10  }
0x32: {  	s10 =	sld [smem:$0x3FA4];
	_ =	sdelay $0x3  }
0x33: {  	p0 =	seq.s32 s10, $0x1;
	s10 =	sld [smem:$0x3FA6];
	_ =	sdelay $0x3  }
0x34: {  	[smem:$0x3FA6] =	sst s10  }
0x35: {  	s10 =	sld [smem:$0x3FA5];
	_ =	sdelay $0x3  }
0x36: {  	p1 =	seq.s32 s10, $0x1;
	s10 =	sld [smem:$0x3FA6];
	_ =	sdelay $0x3  }
0x37: {  	[smem:$0x3FA6] =	sst s10  }
0x38: {  	s10 =	sld [smem:$0x3FA7]  }
0x39: {  	_ = 	snop;
	(pc) =	sbr.ind lr, $3  }
0x3a: {  	_ = 	snop  }
0x3b: {  	_ = 	snop  }
0x3c: {  	p2 =	seq.s32 s10, $0x1;
	s10 =	sld [smem:$0x3FA6]  }
0x3d: {  	_ =	shalt  }
0x3e: {  	_ =	shalt  }
0x3f: {  	_ =	shalt  }
0x40: {  	_ =	shalt  }
0x41: {  	_ =	shalt  }
0x42: {  	_ =	shalt  }
0x43: {  	_ =	shalt  }
0x44: {  	_ =	shalt  }
0x45: {  	_ =	shalt  }
0x46: {  	_ =	shalt  }
0x47: {  	_ =	shalt  }
0x48: {  	_ =	shalt  }
0x49: {  	_ =	shalt  }
0x4a: {  	_ =	shalt  }
0x4b: {  	_ =	shalt  }
0x4c: {  	_ =	shalt  }
0x4d: {  	_ =	shalt  }
0x4e: {  	_ =	shalt  }
0x4f: {  	_ =	shalt  }
0x50: {  	_ =	shalt  }
0x51: {  	_ =	shalt  }
0x52: {  	_ =	shalt  }
0x53: {  	_ =	shalt  }
0x54: {  	_ =	shalt  }
0x55: {  	_ =	shalt  }
0x56: {  	_ =	shalt  }
0x57: {  	_ =	shalt  }
0x58: {  	_ =	shalt  }
0x59: {  	_ =	shalt  }
0x5a: {  	_ =	shalt  }
0x5b: {  	_ =	shalt  }
0x5c: {  	_ =	shalt  }
0x5d: {  	_ =	shalt  }
0x5e: {  	_ =	shalt  }
0x5f: {  	_ =	shalt  }
0x60: {  	_ =	shalt  }
0x61: {  	_ =	shalt  }
0x62: {  	_ =	shalt  }
0x63: {  	_ =	shalt  }
0x64: {  	_ =	shalt  }
0x65: {  	_ =	shalt  }
0x66: {  	_ =	shalt  }
0x67: {  	_ =	shalt  }
0x68: {  	_ =	shalt  }
0x69: {  	_ =	shalt  }
0x6a: {  	_ =	shalt  }
0x6b: {  	_ =	shalt  }
0x6c: {  	_ =	shalt  }
0x6d: {  	_ =	shalt  }
0x6e: {  	_ =	shalt  }
0x6f: {  	_ =	shalt  }
0x70: {  	_ =	shalt  }
0x71: {  	_ =	shalt  }
0x72: {  	_ =	shalt  }
0x73: {  	_ =	shalt  }
0x74: {  	_ =	shalt  }
0x75: {  	_ =	shalt  }
0x76: {  	_ =	shalt  }
0x77: {  	_ =	shalt  }
0x78: {  	_ =	shalt  }
0x79: {  	_ =	shalt  }
0x7a: {  	_ =	shalt  }
0x7b: {  	_ =	shalt  }
0x7c: {  	_ =	shalt  }
0x7d: {  	_ =	shalt  }
0x7e: {  	_ =	shalt  }
0x7f: {  	_ =	shalt  }
0x80: {  	_ =	shalt  }
0x81: {  	_ =	shalt  }
0x82: {  	_ =	shalt  }
0x83: {  	_ =	shalt  }
0x84: {  	_ =	shalt  }
0x85: {  	_ =	shalt  }
0x86: {  	_ =	shalt  }
0x87: {  	_ =	shalt  }
.Lfunc_end0:
.L_simem_size_0:
called_computation.1_lowered:
.L_overlay_start_0:
0x88: {  	s2 =	sld [smem:$0x3FD9]  }
0x89: {  	s3 =	sld [smem:$0x3FFE];
	_ =	sdelay $0x1  }
0x8a: {  	s1 =	srdreg.scid  }
0x8b: {  	s0 =	sand.u32 $0x1, s1  }
0x8c: {  	s16 =	sshll.u32 s0, $0xA;
	s2 =	sadd.s32 s3, s2  }
0x8d: {  	s2 =	sadd.s32 s2, s16  }
0x8e: {  	[smem:$0x3FB2] =	sst s2  }
0x8f: {  	_ = 	snop  }
0x90: {  	(tm) =	ssettm $0x1  }
0x91: {  	s17 =	sld [smem:$0x3FFB];
	_ =	sdelay $0x3  }
0x92: {  	_ =	strace s17  }
0x93: {  	s2 =	sld [smem:$0x3FFC];
	_ =	sdelay $0x3  }
0x94: {  	_ =	strace s2  }
0x95: {  	s2 =	sld [smem:$0x3FFD];
	_ =	sdelay $0x3  }
0x96: {  	_ =	strace s2  }
0x97: {  	_ =	strace $0x8FFFFFFF  }
0x98: {  	s18 =	sld [smem:$0x3FDB];
	_ =	sdelay $0x1  }
0x99: {  	s19 =	simm.s32 $_scs_section_size  }
0x9a: {  	s4 =	simm.s32 $_size__tile_overlayer_lowered;
	s5 =	simm.s32 $_tile_overlayer_lowered  }
0x9b: {  	s22 =	simm.s32 $0x1BFF;
	s21 =	sshll.u32 s5, $0x1;
	s2 =	sadd.s32 s19, s18  }
0x9c: {  	s6 =	simm.s32 $0x0;
	s20 =	sshll.u32 s4, $0x1;
	s4 =	sadd.s32 s21, s2  }
0x9d: {  	[timem:s6], [sflag:s22] =	dma.local [hbm:s4], s20  }
0x9e: {  	_ =	swait.ge [sflag:s22], s20  }
0x9f: {  	s3 =	ssub.s32 $0x0, s20;
	[sflag:s22] =	ssyncset.done $0x0  }
0xa0: {  	[sflag:s22] =	ssyncadd.s32 s3;
	_ =	sdelay $0x1  }
0xa1: {  	s23 =	simm.s32 $0x1B8B  }
0xa2: {  	_ =	swait.ge [sflag:s23], $0x1  }
0xa3: {  	[sflag:s23] =	ssyncset.done $0x0  }
0xa4: {  	s25 =	simm.s32 $0x1B8E;
	s24 =	sld [smem:$0x3FFE];
	[sflag:s23] =	ssyncadd.s32 $0xFFFFFFFF  }
0xa5: {  	s26 =	simm.s32 $execute0_lowered;
	[smem:$0x3FD2] =	sst s25  }
0xa6: {  	s4 =	sshll.u32 s26, $0x1;
	_ =	strace $0x80000049;
	[dreg:$0x1] =	wrdreg $0xFFFFFFFF  }
0xa7: {  	s28 =	simm.s32 $_size_execute0_lowered;
	s2 =	sadd.s32 s2, s4;
	[dreg:$0x0] =	wrdreg $0x0  }
0xa8: {  	s4 =	sshll.u32 s28, $0x1;
	[dreg:$0x2] =	wrdreg s2  }
0xa9: {  	[dreg:$0x3] =	wrdreg s4  }
0xaa: {  	[dreg:$0x4] =	wrdreg $0xC0  }
0xab: {  	_ =	task [dreg:s6], $0x5FFFF  }
0xac: {  	[dreg:$0x1] =	wrdreg $0xFFFFFFFF  }
0xad: {  	[dreg:$0x0] =	wrdreg $0x60  }
0xae: {  	[dreg:$0x2] =	wrdreg s24  }
0xaf: {  	[dreg:$0x3] =	wrdreg $0x30000  }
0xb0: {  	[dreg:$0x4] =	wrdreg $0x9  }
0xb1: {  	_ =	task.clear_ibuf [dreg:s6], $0x5FFFF;
	_ =	strace $0x90000049  }
0xb2: {  	s29 =	simm.s32 $0x9;
	_ =	strace $0x8000004B  }
0xb3: {  	_ =	swait.ge [sflag:s29], $0x1  }
0xb4: {  	[sflag:s29] =	ssyncadd.s32 $0xFFFFFFFF  }
0xb5: {  	_ =	strace $0x9000004B  }
0xb6: {  	_ =	sfence  }
0xb7: {  	s30 =	sld [smem:$0x0];
	_ =	sdelay $0x2  }
0xb8: {  	s31 =	sshll.u32 s1, $0xD;
	s1 =	sshrl.u32 s1, $0x2  }
0xb9: {  	s3 =	sand.u32 $0x4000, s31;
	s1 =	sadd.s32 s1, s30  }
0xba: {  	s0 =	sor.u32 s3, s0;
	s1 =	sshll.u32 s1, $0x11  }
0xbb: {  	s0 =	sor.u32 s1, s0  }
0xbc: {  	s0 =	sadd.s32 $0x8F2B, s0  }
0xbd: {  	[sflag:s0] =	ssyncadd.remote.s32 $0x1  }
0xbe: {  	_ =	sfence.sel $0xFFFF  }
0xbf: {  	[dreg:$0x0] =	wrdreg $0xFFFFFFFF;
	(pc) =	sbr.abs _section_cstart, $3  }
0xc0: {  	[dreg:$0x1] =	wrdreg $0xFFFFFFFF  }
0xc1: {  	_ =	task.clear_ibuf [dreg:s6], $0x2FFFF;
	_ =	strace $0x9FFFFFFF  }
0xc2: {  	(tm) =	ssettm $0x7FFFFFFF  }
0xc3: {  	_ =	shalt  }
tec
execute0_lowered:
.L_overlay_start_1:
0x0: {  	(tag) =	ssettag $0x1  }
0x1: {  	s21 =	stileid.u32  }
0x2: {  	s7 =	smul.u32 $0x50000, s21  }
0x3: {  	s0 =	rddreg [dreg:$0x0];
	s12 =	smul.u32 $0x280, s21  }
0x4: {  	s1 =	srdreg.scid;
	s16 =	smul.u32 $0x2800, s21  }
0x5: {  	s2 =	rddreg [dreg:$0x1];
	s1 =	sand.u32 $0x1, s1;
	s15 =	smul.u32 $0x278000, s21  }
0x6: {  	s3 =	simm.s32 $0x0;
	s28 =	simm.s32 $0x2;
	s6 =	smul.u32 $0x28000, s1  }
0x7: {  	s29 =	simm.s32 $0x0;
	s4 =	sshll.u32 s21, $0x1;
	s17 =	smul.u32 $0x13C000, s1  }
0x8: {  	s5 =	sor.u32 s1, s4;
	s19 =	ssub.s32 $0x2, s1;
	s1 =	smul.u32 $0x27800, s1  }
0x9: {  	[smem:$0x7FF] =	sst s3;
	s10 =	sadd.s32 $0xF2A600, s0;
	s4 =	smul.u32 $0x500, s5  }
0xa: {  	_ =	strace $0x8000004A;
	s20 =	sshrl.u32 s19, $0x1;
	s9 =	smul.u32 $0x27800, s5  }
0xb: {  	s7 =	sshrl.u32 s7, $0x2;
	s22 =	smul.u32 $0x13C000, s5;
	s26 =	sadd.s32 $0x80, s12  }
0xc: {  	s5 =	sadd.s32 $0x100, s12;
	s14 =	sadd.s32 $0x180, s12;
	s11 =	ssub.s32 s19, s20  }
0xd: {  	s31 =	sshll.u32 s26, $0x7;
	s13 =	sshll.u32 s5, $0x7;
	s18 =	sshll.u32 s5, $0x4  }
0xe: {  	s19 =	sshll.u32 s14, $0x4;
	s8 =	sadd.s32 s4, s0;
	s0 =	sadd.s32 s6, s0  }
0xf: {  	s4 =	sadd.s32 s7, s2;
	s6 =	sadd.s32 s10, s9;
	s24 =	sshrl.u32 s22, $0x3  }
0x10: {  	s25 =	smax.u32 s11, $0x1;
	s22 =	sadd.s32 s31, s2;
	s11 =	sshll.u32 s26, $0x4  }
0x11: {  	s7 =	sshll.u32 s14, $0x7;
	s26 =	smul.u32 $0x4F000, s21;
	s14 =	simm.s32 $0x17000  }
0x12: {  	s21 =	simm.s32 $0x80;
	s23 =	sadd.s32 $0x4600, s8;
	s20 =	sadd.s32 $0xE600, s0  }
0x13: {  	[dreg:$0x4] =	wrdreg s25;
	s0 =	sadd.s32 s10, s24;
	s30 =	sadd.s32 $0x800, s6  }
0x14: {  	s24 =	sadd.s32 s7, s2;
	s8 =	sadd.s32 $0x200, s12;
	s25 =	sadd.s32 s17, s15  }
0x15: {  	s15 =	simm.s32 $0x1;
	s22 =	sshrl.u32 s22, $0x3;
	[dreg:$0x3] =	wrdreg s23  }
0x16: {  	[dreg:$0x5] =	wrdreg s30;
	s9 =	sadd.s32 $0x1000, s0;
	s23 =	sadd.s32 s13, s2  }
0x17: {  	s30 =	sshll.u32 s8, $0x7;
	s12 =	sadd.s32 $0x10000, s25;
	s13 =	sadd.s32 s26, s10  }
0x18: {  	s31 =	sshll.u32 s8, $0x4;
	s16 =	sadd.s32 s16, s20;
	s17 =	sadd.s32 s11, s20  }
.Ltmp0:
0x19: {  	s18 =	sadd.s32 s18, s20;
	s19 =	sadd.s32 s19, s20;
	(pc) =	sbr.rel .LBB2_1-.Ltmp0, $4  }
0x1a: {  	s24 =	sshrl.u32 s24, $0x3;
	s26 =	simm.s32 $0x1B000;
	s25 =	sadd.s32 s30, s2  }
0x1b: {  	s12 =	sshrl.u32 s12, $0x3;
	s1 =	sadd.s32 s1, s13;
	s13 =	simm.s32 $0x3  }
0x1c: {  	s20 =	sadd.s32 s31, s20;
	s23 =	sshrl.u32 s23, $0x3;
	s0 =	sadd.s32 s12, s10  }
0x1d: {  	v0 =	vimm.f32 $0.0e+00;
	s1 =	sadd.s32 $0x1800, s1;
	s12 =	simm.s32 $0x2800;
	s25 =	sshrl.u32 s25, $0x3  }
.LBB2_6:
0x1e: {  	_ =	swait.ge [sflag:s28], $0x4000  }
0x1f: {  	[sflag:s28] =	ssyncset.done $0x0  }
0x20: {  	[sflag:s28] =	ssyncadd.s32 $0xFFFFC000  }
0x21: {  	_ =	swait.ge [sflag:s15], $0x4000  }
0x22: {  	s5 =	stileid.u32;
	[sflag:s15] =	ssyncset.done $0x0  }
0x23: {  	s5 =	sshll.u32 s5, $0x6;
	[sflag:s15] =	ssyncadd.s32 $0xFFFFC000  }
0x24: {  	s7 =	sshrl.u32 s4, $0x3;
	s5 =	sor.u32 $0x1C03, s5;
	[bflag:$0x0] =	sbarrier.arrive $0xFFFF  }
0x25: {  	[hbm:s16], [sflag:s5] =	dma.local [spmem:s7], $0x800  }
0x26: {  	_ =	swait.ge [sflag:s13], $0x800  }
0x27: {  	[sflag:s13] =	ssyncset.done $0x0  }
0x28: {  	[sflag:s13] =	ssyncadd.s32 $0xFFFFF800  }
0x29: {  	[hbm:s17], [sflag:s5] =	dma.local [spmem:s22], $0x800  }
0x2a: {  	_ =	swait.ge [sflag:s13], $0x800  }
0x2b: {  	[sflag:s13] =	ssyncset.done $0x0  }
0x2c: {  	[sflag:s13] =	ssyncadd.s32 $0xFFFFF800  }
0x2d: {  	[hbm:s18], [sflag:s5] =	dma.local [spmem:s23], $0x800  }
0x2e: {  	_ =	swait.ge [sflag:s13], $0x800  }
0x2f: {  	[sflag:s13] =	ssyncset.done $0x0  }
0x30: {  	[sflag:s13] =	ssyncadd.s32 $0xFFFFF800  }
0x31: {  	[hbm:s19], [sflag:s5] =	dma.local [spmem:s24], $0x800  }
0x32: {  	_ =	swait.ge [sflag:s13], $0x800  }
0x33: {  	[sflag:s13] =	ssyncset.done $0x0  }
0x34: {  	[sflag:s13] =	ssyncadd.s32 $0xFFFFF800  }
0x35: {  	[hbm:s20], [sflag:s5] =	dma.local [spmem:s25], $0x800  }
0x36: {  	_ =	swait.ge [sflag:s13], $0x800  }
0x37: {  	s29 =	sadd.s32 $0x1, s29;
	s31 =	rddreg [dreg:$0x4]  }
0x38: {  	p0 =	sne.s32 s29, s31  }
.Ltmp1:
0x39: {  	_ = 	snop;
	(pc) =	sbr.rel @!p0 .LBB2_7-.Ltmp1, $3  }
0x3a: {  	_ =	sdelay $0x1  }
0x3b: {  	[sflag:s13] =	ssyncset.done $0x0  }
0x3c: {  	[sflag:s13] =	ssyncadd.s32 $0xFFFFF800  }
.LBB2_1:
0x3d: {  	[tilespmem:$0x2800] =	vst v0  }
0x3e: {  	[tilespmem:$0x2810] =	vst v0  }
0x3f: {  	[tilespmem:$0x2820] =	vst v0  }
0x40: {  	[tilespmem:$0x2830] =	vst v0  }
0x41: {  	[tilespmem:$0x2840] =	vst v0  }
0x42: {  	[tilespmem:$0x2850] =	vst v0  }
0x43: {  	[tilespmem:$0x2860] =	vst v0  }
0x44: {  	[tilespmem:$0x2870] =	vst v0  }
0x45: {  	[tilespmem:$0x2880] =	vst v0  }
0x46: {  	[tilespmem:$0x2890] =	vst v0  }
0x47: {  	[tilespmem:$0x28A0] =	vst v0  }
0x48: {  	[tilespmem:$0x28B0] =	vst v0  }
0x49: {  	[tilespmem:$0x28C0] =	vst v0  }
0x4a: {  	[tilespmem:$0x28D0] =	vst v0  }
0x4b: {  	[tilespmem:$0x28E0] =	vst v0  }
0x4c: {  	[tilespmem:$0x28F0] =	vst v0  }
0x4d: {  	[tilespmem:$0x2900] =	vst v0  }
0x4e: {  	[tilespmem:$0x2910] =	vst v0  }
0x4f: {  	[tilespmem:$0x2920] =	vst v0  }
0x50: {  	[tilespmem:$0x2930] =	vst v0  }
0x51: {  	[tilespmem:$0x2940] =	vst v0  }
0x52: {  	[tilespmem:$0x2950] =	vst v0  }
0x53: {  	[tilespmem:$0x2960] =	vst v0  }
0x54: {  	[tilespmem:$0x2970] =	vst v0  }
0x55: {  	[tilespmem:$0x2980] =	vst v0  }
0x56: {  	[tilespmem:$0x2990] =	vst v0  }
0x57: {  	[tilespmem:$0x29A0] =	vst v0  }
0x58: {  	[tilespmem:$0x29B0] =	vst v0  }
0x59: {  	[tilespmem:$0x29C0] =	vst v0  }
0x5a: {  	[tilespmem:$0x29D0] =	vst v0  }
0x5b: {  	[tilespmem:$0x29E0] =	vst v0  }
0x5c: {  	[tilespmem:$0x29F0] =	vst v0  }
0x5d: {  	[tilespmem:$0x2A00] =	vst v0  }
0x5e: {  	[tilespmem:$0x2A10] =	vst v0  }
0x5f: {  	[tilespmem:$0x2A20] =	vst v0  }
0x60: {  	[tilespmem:$0x2A30] =	vst v0  }
0x61: {  	[tilespmem:$0x2A40] =	vst v0  }
0x62: {  	[tilespmem:$0x2A50] =	vst v0  }
0x63: {  	[tilespmem:$0x2A60] =	vst v0  }
0x64: {  	[tilespmem:$0x2A70] =	vst v0  }
0x65: {  	[tilespmem:$0x2A80] =	vst v0  }
0x66: {  	[tilespmem:$0x2A90] =	vst v0  }
0x67: {  	[tilespmem:$0x2AA0] =	vst v0  }
0x68: {  	[tilespmem:$0x2AB0] =	vst v0  }
0x69: {  	[tilespmem:$0x2AC0] =	vst v0  }
0x6a: {  	[tilespmem:$0x2AD0] =	vst v0  }
0x6b: {  	[tilespmem:$0x2AE0] =	vst v0  }
0x6c: {  	[tilespmem:$0x2AF0] =	vst v0  }
0x6d: {  	[tilespmem:$0x2B00] =	vst v0  }
0x6e: {  	[tilespmem:$0x2B10] =	vst v0  }
0x6f: {  	[tilespmem:$0x2B20] =	vst v0  }
0x70: {  	[tilespmem:$0x2B30] =	vst v0  }
0x71: {  	[tilespmem:$0x2B40] =	vst v0  }
0x72: {  	[tilespmem:$0x2B50] =	vst v0  }
0x73: {  	[tilespmem:$0x2B60] =	vst v0  }
0x74: {  	[tilespmem:$0x2B70] =	vst v0  }
0x75: {  	[tilespmem:$0x2B80] =	vst v0  }
0x76: {  	[tilespmem:$0x2B90] =	vst v0  }
0x77: {  	[tilespmem:$0x2BA0] =	vst v0  }
0x78: {  	[tilespmem:$0x2BB0] =	vst v0  }
0x79: {  	[tilespmem:$0x2BC0] =	vst v0  }
0x7a: {  	[tilespmem:$0x2BD0] =	vst v0  }
0x7b: {  	[tilespmem:$0x2BE0] =	vst v0  }
0x7c: {  	[tilespmem:$0x2BF0] =	vst v0  }
0x7d: {  	[tilespmem:$0x2C00] =	vst v0  }
0x7e: {  	[tilespmem:$0x2C10] =	vst v0  }
0x7f: {  	[tilespmem:$0x2C20] =	vst v0  }
0x80: {  	[tilespmem:$0x2C30] =	vst v0  }
0x81: {  	[tilespmem:$0x2C40] =	vst v0  }
0x82: {  	[tilespmem:$0x2C50] =	vst v0  }
0x83: {  	[tilespmem:$0x2C60] =	vst v0  }
0x84: {  	[tilespmem:$0x2C70] =	vst v0  }
0x85: {  	[tilespmem:$0x2C80] =	vst v0  }
0x86: {  	[tilespmem:$0x2C90] =	vst v0  }
0x87: {  	[tilespmem:$0x2CA0] =	vst v0  }
0x88: {  	[tilespmem:$0x2CB0] =	vst v0  }
0x89: {  	[tilespmem:$0x2CC0] =	vst v0  }
0x8a: {  	[tilespmem:$0x2CD0] =	vst v0  }
0x8b: {  	[tilespmem:$0x2CE0] =	vst v0  }
0x8c: {  	[tilespmem:$0x2CF0] =	vst v0  }
0x8d: {  	[tilespmem:$0x2D00] =	vst v0  }
0x8e: {  	[tilespmem:$0x2D10] =	vst v0  }
0x8f: {  	[tilespmem:$0x2D20] =	vst v0  }
0x90: {  	[tilespmem:$0x2D30] =	vst v0  }
0x91: {  	[tilespmem:$0x2D40] =	vst v0  }
0x92: {  	[tilespmem:$0x2D50] =	vst v0  }
0x93: {  	[tilespmem:$0x2D60] =	vst v0  }
0x94: {  	[tilespmem:$0x2D70] =	vst v0  }
0x95: {  	[tilespmem:$0x2D80] =	vst v0  }
0x96: {  	[tilespmem:$0x2D90] =	vst v0  }
0x97: {  	[tilespmem:$0x2DA0] =	vst v0  }
0x98: {  	[tilespmem:$0x2DB0] =	vst v0  }
0x99: {  	[tilespmem:$0x2DC0] =	vst v0  }
0x9a: {  	[tilespmem:$0x2DD0] =	vst v0  }
0x9b: {  	[tilespmem:$0x2DE0] =	vst v0  }
0x9c: {  	[tilespmem:$0x2DF0] =	vst v0  }
0x9d: {  	[tilespmem:$0x2E00] =	vst v0  }
0x9e: {  	[tilespmem:$0x2E10] =	vst v0  }
0x9f: {  	[tilespmem:$0x2E20] =	vst v0  }
0xa0: {  	[tilespmem:$0x2E30] =	vst v0  }
0xa1: {  	[tilespmem:$0x2E40] =	vst v0  }
0xa2: {  	[tilespmem:$0x2E50] =	vst v0  }
0xa3: {  	[tilespmem:$0x2E60] =	vst v0  }
0xa4: {  	[tilespmem:$0x2E70] =	vst v0  }
0xa5: {  	[tilespmem:$0x2E80] =	vst v0  }
0xa6: {  	[tilespmem:$0x2E90] =	vst v0  }
0xa7: {  	[tilespmem:$0x2EA0] =	vst v0  }
0xa8: {  	[tilespmem:$0x2EB0] =	vst v0  }
0xa9: {  	[tilespmem:$0x2EC0] =	vst v0  }
0xaa: {  	[tilespmem:$0x2ED0] =	vst v0  }
0xab: {  	[tilespmem:$0x2EE0] =	vst v0  }
0xac: {  	[tilespmem:$0x2EF0] =	vst v0  }
0xad: {  	[tilespmem:$0x2F00] =	vst v0  }
0xae: {  	[tilespmem:$0x2F10] =	vst v0  }
0xaf: {  	[tilespmem:$0x2F20] =	vst v0  }
0xb0: {  	[tilespmem:$0x2F30] =	vst v0  }
0xb1: {  	[tilespmem:$0x2F40] =	vst v0  }
0xb2: {  	[tilespmem:$0x2F50] =	vst v0  }
0xb3: {  	[tilespmem:$0x2F60] =	vst v0  }
0xb4: {  	[tilespmem:$0x2F70] =	vst v0  }
0xb5: {  	[tilespmem:$0x2F80] =	vst v0  }
0xb6: {  	[tilespmem:$0x2F90] =	vst v0  }
0xb7: {  	[tilespmem:$0x2FA0] =	vst v0  }
0xb8: {  	[tilespmem:$0x2FB0] =	vst v0  }
0xb9: {  	[tilespmem:$0x2FC0] =	vst v0  }
0xba: {  	[tilespmem:$0x2FD0] =	vst v0  }
0xbb: {  	[tilespmem:$0x2FE0] =	vst v0  }
0xbc: {  	[tilespmem:$0x2FF0] =	vst v0;
	s10 =	sadd.s32 $0x0, s4  }
0xbd: {  	[spmem:s10] =	stream.linear.scatter [tilespmem:s12], [sflag:$0x3], $0x800, $0x38;
	[tilespmem:$0x1F000] =	vst v63  }
0xbe: {  	s10 =	simm.s32 $0x2000;
	_ =	swait.ge [sflag:s13], $0x800  }
.LBB2_2:
0xbf: {  	s11 =	sshra.s32 s10, $0x2;
	[sflag:s13] =	ssyncset.done $0x0;
	p0 =	sne.s32 s10, $0x4E000  }
.Ltmp2:
0xc0: {  	s11 =	sadd.s32 s11, s4;
	[sflag:s13] =	ssyncadd.s32 $0xFFFFF800;
	(pc) =	sbr.rel @p0 .LBB2_2-.Ltmp2, $3  }
0xc1: {  	[spmem:s11] =	stream.linear.scatter [tilespmem:s12], [sflag:$0x3], $0x800, $0x38;
	[tilespmem:$0x1F000] =	vst v63  }
0xc2: {  	s10 =	sadd.s32 $0x2000, s10;
	_ =	sdelay $0x1  }
0xc3: {  	_ =	swait.ge [sflag:s13], $0x800  }
0xc4: {  	[sflag:s13] =	ssyncset.done $0x0  }
0xc5: {  	[sflag:s13] =	ssyncadd.s32 $0xFFFFF800  }
0xc6: {  	[bflag:$0x0] =	sbarrier.arrive $0xFFFF  }
0xc7: {  	s30 =	simm.s32 $0x3;
	s5 =	rddreg [dreg:$0x3]  }
0xc8: {  	[tilespmem:s3], [sflag:$0x3] =	stream.linear.gather [hbm4b:s5+s3], $0x2780, $0x38;
	[tilespmem:$0x1F000] =	vst v63  }
0xc9: {  	_ =	swait.ge [sflag:s30], $0x2780  }
0xca: {  	[sflag:s30] =	ssyncset.done $0x0  }
0xcb: {  	[sflag:s30] =	ssyncadd.s32 $0xFFFFD880  }
0xcc: {  	[tilespmem:s14], [sflag:$0x1] =	stream.linear.gather [hbm4b:s6+s3], $0x4000, $0x38;
	[tilespmem:$0x1F000] =	vst v63  }
0xcd: {  	_ =	swait.ge [sflag:s15], $0x4000  }
0xce: {  	[sflag:s15] =	ssyncset.done $0x0  }
0xcf: {  	[sflag:s15] =	ssyncadd.s32 $0xFFFFC000  }
0xd0: {  	[spmem:s2] =	stream.indirect.scatter.add.f32 [tilespmem:s14], [sflag:$0x1], $0x80, s3, s21, $0xb8;
	[tilespmem:$0x1F000] =	vst v63  }
0xd1: {  	s11 =	rddreg [dreg:$0x5]  }
0xd2: {  	[tilespmem:s26], [sflag:$0x2] =	stream.linear.gather [hbm4b:s11+s3], $0x4000, $0x38;
	[tilespmem:$0x1F000] =	vst v63  }
0xd3: {  	_ =	swait.ge [sflag:s28], $0x4000  }
0xd4: {  	[sflag:s28] =	ssyncset.done $0x0  }
0xd5: {  	[sflag:s28] =	ssyncadd.s32 $0xFFFFC000  }
0xd6: {  	[spmem:s2] =	stream.indirect.scatter.add.f32 [tilespmem:s26], [sflag:$0x2], $0x80, s21, s21, $0xb8;
	[tilespmem:$0x1F000] =	vst v63  }
0xd7: {  	_ =	swait.ge [sflag:s15], $0x4000  }
0xd8: {  	s31 =	simm.s32 $0x100;
	[sflag:s15] =	ssyncset.done $0x0  }
0xd9: {  	s10 =	smov.u32 s0;
	s11 =	smov.u32 s1;
	[sflag:s15] =	ssyncadd.s32 $0xFFFFC000  }
0xda: {  	[tilespmem:s14], [sflag:$0x1] =	stream.linear.gather [hbm4b:s9+s3], $0x4000, $0x38;
	[tilespmem:$0x1F000] =	vst v63  }
.LBB2_4:
0xdb: {  	_ =	swait.ge [sflag:s15], $0x4000  }
0xdc: {  	p0 =	sgt.u32 s30, $0x4E;
	[sflag:s15] =	ssyncset.done $0x0  }
0xdd: {  	s5 =	simm.s32 @!p0 $0x2;
	[sflag:s15] =	ssyncadd.s32 $0xFFFFC000  }
0xde: {  	[spmem:s2] =	stream.indirect.scatter.add.f32 [tilespmem:s14], [sflag:$0x1], $0x80, s31, s21, $0xb8;
	[tilespmem:$0x1F000] =	vst v63  }
0xdf: {  	_ =	swait.ge @!p0 [sflag:s5], $0x4000  }
0xe0: {  	[sflag:s5] =	ssyncset.done @!p0 $0x0  }
0xe1: {  	s7 =	simm.s32 @!p0 $0x0;
	s8 =	simm.s32 @!p0 $0x1B000;
	[sflag:s5] =	ssyncadd.s32 @!p0 $0xFFFFC000  }
0xe2: {  	[tilespmem:s8], [sflag:$0x2] =	stream.linear.gather @!p0 [hbm4b:s11+s7], $0x4000, $0x38;
	[tilespmem:$0x1F000] =	vst v63  }
0xe3: {  	_ =	swait.ge @!p0 [sflag:s5], $0x4000  }
0xe4: {  	[sflag:s5] =	ssyncset.done @!p0 $0x0  }
0xe5: {  	s7 =	simm.s32 @!p0 $0x80;
	[sflag:s5] =	ssyncadd.s32 @!p0 $0xFFFFC000;
	s5 =	sadd.s32 @!p0 $0x80, s31  }
0xe6: {  	[spmem:s2] =	stream.indirect.scatter.add.f32 @!p0 [tilespmem:s8], [sflag:$0x2], $0x80, s5, s7, $0xb8;
	[tilespmem:$0x1F000] =	vst v63  }
0xe7: {  	p0 =	seq.s32 s30, $0x4F  }
.Ltmp3:
0xe8: {  	_ = 	snop;
	(pc) =	sbr.rel @p0 .LBB2_6-.Ltmp3, $1  }
0xe9: {  	_ =	sdelay $0x3  }
.Ltmp4:
0xea: {  	_ =	swait.ge [sflag:s15], $0x4000;
	(pc) =	sbr.rel .LBB2_4-.Ltmp4, $4  }
0xeb: {  	[sflag:s15] =	ssyncset.done $0x0  }
0xec: {  	s31 =	sadd.s32 $0x100, s31;
	[sflag:s15] =	ssyncadd.s32 $0xFFFFC000  }
0xed: {  	[tilespmem:s14], [sflag:$0x1] =	stream.linear.gather [hbm4b:s10+s3], $0x4000, $0x38;
	[tilespmem:$0x1F000] =	vst v63  }
0xee: {  	s11 =	sadd.s32 $0x1000, s11;
	s30 =	sadd.s32 $0x2, s30;
	s10 =	sadd.s32 $0x1000, s10  }
.LBB2_7:
0xef: {  	_ =	sfence.sel $0x180000  }
0xf0: {  	[bflag:$0x0] =	sbarrier.arrive $0xFFFF  }
0xf1: {  	_ =	strace $0x9000004A  }
0xf2: {  	s0 =	stileid.u32;
	[bflag:$0x2] =	sbarrier.arrive $0xFFFF  }
0xf3: {  	p0 =	sne.s32 s0, $0x0;
	s0 =	rddreg [dreg:$0x2]  }
0xf4: {  	s0 =	sadd.s32 @!p0 $0x100000, s0  }
0xf5: {  	[sflag:s0] =	ssyncadd.tile.s32 @!p0 $0x1;
	_ =	shalt  }
.Lfunc_end2:
_tile_overlayer_lowered:
.L_overlay_start_2:
0xf6: {  	(tag) =	ssettag $0x2  }
0xf7: {  	s0 =	rddreg [dreg:$0x0];
	s2 =	stileid.u32  }
0xf8: {  	s1 =	rddreg [dreg:$0x1];
	p0 =	sne.s32 s2, $0x0  }
0xf9: {  	s3 =	rddreg [dreg:$0x2];
	[bflag:$0x3] =	sbarrier.arrive $0xFFFF;
	s2 =	simm.s32 @!p0 $0x1C03  }
0xfa: {  	[timem:s3], [sflag:s2] =	dma.local @!p0 [hbm:s0], s1  }
0xfb: {  	s0 =	simm.s32 @!p0 $0x3  }
0xfc: {  	_ =	swait.ge @!p0 [sflag:s0], s1  }
0xfd: {  	s1 =	ssub.s32 @!p0 $0x0, s1;
	[sflag:s0] =	ssyncset.done @!p0 $0x0  }
0xfe: {  	[sflag:s0] =	ssyncadd.s32 @!p0 s1  }
0xff: {  	[bflag:$0x3] =	sbarrier.arrive $0xFFFF  }
0x100: {  	_ =	shalt  }

// kernel: kernel.7.cloned.1.call-start
scs
__scs_entry_jumppad:
0x0: {  	(pc) =	sbr.rel $0x88, $3  }
0x1: {  	(tag) =	ssettag $0x0;
	lr =	simm.s32 $0x1  }
0x2: {  	[smem:$0x3F8B] =	sst lr;
	_ =	strace $0xD0000000  }
0x3: {  	_ = 	snop  }
0x4: {  	_ = 	snop  }
0x5: {  	_ = 	snop  }
0x6: {  	_ = 	snop  }
0x7: {  	_ = 	snop  }
__scs_overlays_trampoline_lowered:
0x8: {  	[smem:$0x3F9A] =	sst s0  }
0x9: {  	[smem:$0x3F9B] =	sst s1  }
0xa: {  	[smem:$0x3F9C] =	sst s2  }
0xb: {  	[smem:$0x3F9D] =	sst s3  }
0xc: {  	[smem:$0x3F9E] =	sst s4  }
0xd: {  	[smem:$0x3F9F] =	sst s5  }
0xe: {  	[smem:$0x3FA0] =	sst s6  }
0xf: {  	[smem:$0x3FA1] =	sst s7  }
0x10: {  	[smem:$0x3FA2] =	sst s8  }
0x11: {  	[smem:$0x3FA3] =	sst s9;
	s0 =	simm.s32 @!p0 $0x0  }
0x12: {  	s1 =	sld [smem:$0x3F89];
	s0 =	simm.s32 @p0 $0x1  }
0x13: {  	[smem:$0x3FA4] =	sst s0;
	s0 =	simm.s32 @!p1 $0x0  }
0x14: {  	s2 =	sld [smem:$0x3F88];
	s0 =	simm.s32 @p1 $0x1  }
0x15: {  	[smem:$0x3FA5] =	sst s0;
	s0 =	simm.s32 @!p2 $0x0  }
0x16: {  	s3 =	sld [smem:$0x3FDB];
	s0 =	simm.s32 @p2 $0x1  }
0x17: {  	s4 =	simm.s32 $0x1BF5;
	[smem:$0x3FA7] =	sst s0  }
0x18: {  	s0 =	sld [smem:$0x3F8A];
	_ =	swait.ge [sflag:s4], $0x0  }
0x19: {  	s7 =	sld [smem:$0x3F8B]  }
0x1a: {  	s8 =	sadd.s32 $0xFFFFE003, lr  }
0x1b: {  	s9 =	sadd.s32 $0xFFFFFEF7, lr;
	s5 =	simm.s32 $0xFFFFFFFF;
	p2 =	slt.u32 s8, $0xFFFFF086  }
0x1c: {  	p1 =	slt.u32 s9, $0xF7A;
	s5 =	simm.s32 @!p2 $0x0  }
0x1d: {  	s5 =	simm.s32 @p1 $0x1;
	p0 =	seq.s32 s7, s2  }
0x1e: {  	s7 =	smul.u32 @!p0 $0xF7A, s2;
	p2 =	seq.s32 @!p0 s5, $0x0  }
0x1f: {  	s9 =	smul.u32 $0xF7A, s1;
	s8 =	simm.s32 @!p0 $0x1BF5;
	p2 =	por !p2, p0  }
0x20: {  	[sflag:s8] =	ssyncset.s32 @!p0 $0xFFFFF086;
	s6 =	sadd.s32 @!p0 s3, s7;
	s7 =	simm.s32 @!p0 $0x108  }
0x21: {  	s3 =	sadd.s32 s3, s9;
	s6 =	sadd.s32 @!p0 $0x88, s6;
	s7 =	simm.s32 @p2 $0x1082  }
0x22: {  	[simem:s7], [sflag:s8] =	dma.local @!p0 [hbm:s6], $0xF7A  }
0x23: {  	s9 =	sor.u32 $0xD0000000, s2;
	s6 =	simm.s32 $0x108;
	_ =	swait.ge @!p0 [sflag:s8], $0x0  }
0x24: {  	s3 =	sadd.s32 $0x88, s3;
	s6 =	simm.s32 @!p1 $0x1082;
	[sflag:s4] =	ssyncset.s32 $0xFFFFF086  }
0x25: {  	[simem:s6], [sflag:s4] =	dma.local [hbm:s3], $0xF7A  }
0x26: {  	[smem:$0x3F8B] =	sst s1;
	(tag) =	ssettag s2;
	_ =	strace s9  }
0x27: {  	s1 =	sld [smem:$0x3F9B]  }
0x28: {  	s2 =	sld [smem:$0x3F9C]  }
0x29: {  	s4 =	sld [smem:$0x3F9E]  }
0x2a: {  	p0 =	seq.s32 s5, $0x0;
	s5 =	sld [smem:$0x3F9F]  }
0x2b: {  	s6 =	sld [smem:$0x3FA0]  }
0x2c: {  	s7 =	sld [smem:$0x3FA1]  }
0x2d: {  	s3 =	simm.s32 $0x108;
	s8 =	sld [smem:$0x3FA2]  }
0x2e: {  	s3 =	simm.s32 @!p0 $0x1082;
	s9 =	sld [smem:$0x3FA3]  }
0x2f: {  	lr =	sadd.s32 s0, s3;
	s0 =	sld [smem:$0x3F9A]  }
0x30: {  	s3 =	sld [smem:$0x3F9D]  }
0x31: {  	[smem:$0x3FA6] =	sst s10  }
0x32: {  	s10 =	sld [smem:$0x3FA4];
	_ =	sdelay $0x3  }
0x33: {  	p0 =	seq.s32 s10, $0x1;
	s10 =	sld [smem:$0x3FA6];
	_ =	sdelay $0x3  }
0x34: {  	[smem:$0x3FA6] =	sst s10  }
0x35: {  	s10 =	sld [smem:$0x3FA5];
	_ =	sdelay $0x3  }
0x36: {  	p1 =	seq.s32 s10, $0x1;
	s10 =	sld [smem:$0x3FA6];
	_ =	sdelay $0x3  }
0x37: {  	[smem:$0x3FA6] =	sst s10  }
0x38: {  	s10 =	sld [smem:$0x3FA7]  }
0x39: {  	_ = 	snop;
	(pc) =	sbr.ind lr, $3  }
0x3a: {  	_ = 	snop  }
0x3b: {  	_ = 	snop  }
0x3c: {  	p2 =	seq.s32 s10, $0x1;
	s10 =	sld [smem:$0x3FA6]  }
0x3d: {  	_ =	shalt  }
0x3e: {  	_ =	shalt  }
0x3f: {  	_ =	shalt  }
0x40: {  	_ =	shalt  }
0x41: {  	_ =	shalt  }
0x42: {  	_ =	shalt  }
0x43: {  	_ =	shalt  }
0x44: {  	_ =	shalt  }
0x45: {  	_ =	shalt  }
0x46: {  	_ =	shalt  }
0x47: {  	_ =	shalt  }
0x48: {  	_ =	shalt  }
0x49: {  	_ =	shalt  }
0x4a: {  	_ =	shalt  }
0x4b: {  	_ =	shalt  }
0x4c: {  	_ =	shalt  }
0x4d: {  	_ =	shalt  }
0x4e: {  	_ =	shalt  }
0x4f: {  	_ =	shalt  }
0x50: {  	_ =	shalt  }
0x51: {  	_ =	shalt  }
0x52: {  	_ =	shalt  }
0x53: {  	_ =	shalt  }
0x54: {  	_ =	shalt  }
0x55: {  	_ =	shalt  }
0x56: {  	_ =	shalt  }
0x57: {  	_ =	shalt  }
0x58: {  	_ =	shalt  }
0x59: {  	_ =	shalt  }
0x5a: {  	_ =	shalt  }
0x5b: {  	_ =	shalt  }
0x5c: {  	_ =	shalt  }
0x5d: {  	_ =	shalt  }
0x5e: {  	_ =	shalt  }
0x5f: {  	_ =	shalt  }
0x60: {  	_ =	shalt  }
0x61: {  	_ =	shalt  }
0x62: {  	_ =	shalt  }
0x63: {  	_ =	shalt  }
0x64: {  	_ =	shalt  }
0x65: {  	_ =	shalt  }
0x66: {  	_ =	shalt  }
0x67: {  	_ =	shalt  }
0x68: {  	_ =	shalt  }
0x69: {  	_ =	shalt  }
0x6a: {  	_ =	shalt  }
0x6b: {  	_ =	shalt  }
0x6c: {  	_ =	shalt  }
0x6d: {  	_ =	shalt  }
0x6e: {  	_ =	shalt  }
0x6f: {  	_ =	shalt  }
0x70: {  	_ =	shalt  }
0x71: {  	_ =	shalt  }
0x72: {  	_ =	shalt  }
0x73: {  	_ =	shalt  }
0x74: {  	_ =	shalt  }
0x75: {  	_ =	shalt  }
0x76: {  	_ =	shalt  }
0x77: {  	_ =	shalt  }
0x78: {  	_ =	shalt  }
0x79: {  	_ =	shalt  }
0x7a: {  	_ =	shalt  }
0x7b: {  	_ =	shalt  }
0x7c: {  	_ =	shalt  }
0x7d: {  	_ =	shalt  }
0x7e: {  	_ =	shalt  }
0x7f: {  	_ =	shalt  }
0x80: {  	_ =	shalt  }
0x81: {  	_ =	shalt  }
0x82: {  	_ =	shalt  }
0x83: {  	_ =	shalt  }
0x84: {  	_ =	shalt  }
0x85: {  	_ =	shalt  }
0x86: {  	_ =	shalt  }
0x87: {  	_ =	shalt  }
.Lfunc_end0:
.L_simem_size_0:
called_computation_lowered:
.L_overlay_start_0:
0x88: {  	s2 =	sld [smem:$0x3FD9]  }
0x89: {  	s3 =	sld [smem:$0x3FFE];
	_ =	sdelay $0x1  }
0x8a: {  	s1 =	srdreg.scid  }
0x8b: {  	s0 =	sand.u32 $0x1, s1  }
0x8c: {  	s16 =	sshll.u32 s0, $0xA;
	s2 =	sadd.s32 s3, s2  }
0x8d: {  	s2 =	sadd.s32 s2, s16  }
0x8e: {  	[smem:$0x3FB2] =	sst s2  }
0x8f: {  	_ = 	snop  }
0x90: {  	(tm) =	ssettm $0x1  }
0x91: {  	s17 =	sld [smem:$0x3FFB];
	_ =	sdelay $0x3  }
0x92: {  	_ =	strace s17  }
0x93: {  	s2 =	sld [smem:$0x3FFC];
	_ =	sdelay $0x3  }
0x94: {  	_ =	strace s2  }
0x95: {  	s2 =	sld [smem:$0x3FFD];
	_ =	sdelay $0x3  }
0x96: {  	_ =	strace s2  }
0x97: {  	_ =	strace $0x8FFFFFFF  }
0x98: {  	s18 =	sld [smem:$0x3FDB];
	_ =	sdelay $0x1  }
0x99: {  	s19 =	simm.s32 $_scs_section_size  }
0x9a: {  	s4 =	simm.s32 $_size__tile_overlayer_lowered;
	s5 =	simm.s32 $_tile_overlayer_lowered  }
0x9b: {  	s22 =	simm.s32 $0x1BFF;
	s21 =	sshll.u32 s5, $0x1;
	s2 =	sadd.s32 s19, s18  }
0x9c: {  	s6 =	simm.s32 $0x0;
	s20 =	sshll.u32 s4, $0x1;
	s4 =	sadd.s32 s21, s2  }
0x9d: {  	[timem:s6], [sflag:s22] =	dma.local [hbm:s4], s20  }
0x9e: {  	_ =	swait.ge [sflag:s22], s20  }
0x9f: {  	s3 =	ssub.s32 $0x0, s20;
	[sflag:s22] =	ssyncset.done $0x0  }
0xa0: {  	[sflag:s22] =	ssyncadd.s32 s3;
	_ =	sdelay $0x1  }
0xa1: {  	s23 =	simm.s32 $0x1B8B  }
0xa2: {  	_ =	swait.ge [sflag:s23], $0x1  }
0xa3: {  	[sflag:s23] =	ssyncset.done $0x0  }
0xa4: {  	s25 =	simm.s32 $0x1B8E;
	s24 =	sld [smem:$0x3FFE];
	[sflag:s23] =	ssyncadd.s32 $0xFFFFFFFF  }
0xa5: {  	s26 =	simm.s32 $execute0_lowered;
	[smem:$0x3FD2] =	sst s25  }
0xa6: {  	s4 =	sshll.u32 s26, $0x1;
	_ =	strace $0x80000046;
	[dreg:$0x1] =	wrdreg $0xFFFFFFFF  }
0xa7: {  	s28 =	simm.s32 $_size_execute0_lowered;
	s2 =	sadd.s32 s2, s4;
	[dreg:$0x0] =	wrdreg $0x0  }
0xa8: {  	s4 =	sshll.u32 s28, $0x1;
	[dreg:$0x2] =	wrdreg s2  }
0xa9: {  	[dreg:$0x3] =	wrdreg s4  }
0xaa: {  	[dreg:$0x4] =	wrdreg $0xC0  }
0xab: {  	_ =	task [dreg:s6], $0x5FFFF  }
0xac: {  	[dreg:$0x1] =	wrdreg $0xFFFFFFFF  }
0xad: {  	[dreg:$0x0] =	wrdreg $0x60  }
0xae: {  	[dreg:$0x2] =	wrdreg s24  }
0xaf: {  	[dreg:$0x3] =	wrdreg $0x9  }
0xb0: {  	_ =	task.clear_ibuf [dreg:s6], $0x4FFFF;
	_ =	strace $0x90000046  }
0xb1: {  	s29 =	simm.s32 $0x9;
	_ =	strace $0x80000048  }
0xb2: {  	_ =	swait.ge [sflag:s29], $0x1  }
0xb3: {  	[sflag:s29] =	ssyncadd.s32 $0xFFFFFFFF  }
0xb4: {  	_ =	strace $0x90000048  }
0xb5: {  	_ =	sfence  }
0xb6: {  	s30 =	sld [smem:$0x0];
	_ =	sdelay $0x2  }
0xb7: {  	s31 =	sshll.u32 s1, $0xD;
	s1 =	sshrl.u32 s1, $0x2  }
0xb8: {  	s3 =	sand.u32 $0x4000, s31;
	s1 =	sadd.s32 s1, s30  }
0xb9: {  	s0 =	sor.u32 s3, s0;
	s1 =	sshll.u32 s1, $0x11  }
0xba: {  	s0 =	sor.u32 s1, s0  }
0xbb: {  	s0 =	sadd.s32 $0x8F2B, s0  }
0xbc: {  	[sflag:s0] =	ssyncadd.remote.s32 $0x1  }
0xbd: {  	_ =	sfence.sel $0xFFFF  }
0xbe: {  	[dreg:$0x0] =	wrdreg $0xFFFFFFFF;
	(pc) =	sbr.abs _section_cstart, $3  }
0xbf: {  	[dreg:$0x1] =	wrdreg $0xFFFFFFFF  }
0xc0: {  	_ =	task.clear_ibuf [dreg:s6], $0x2FFFF;
	_ =	strace $0x9FFFFFFF  }
0xc1: {  	(tm) =	ssettm $0x7FFFFFFF  }
tec
execute0_lowered:
.L_overlay_start_1:
0x0: {  	(tag) =	ssettag $0x1  }
0x1: {  	s0 =	srdreg.scid  }
0x2: {  	s9 =	stileid.u32;
	s1 =	rddreg [dreg:$0x0]  }
0x3: {  	s2 =	simm.s32 $0x0;
	s13 =	simm.s32 $0x5;
	s15 =	simm.s32 $0x80  }
0x4: {  	s16 =	simm.s32 $0x5000;
	s17 =	simm.s32 $0x9000;
	s19 =	simm.s32 $0xD000  }
0x5: {  	s20 =	simm.s32 $0x1;
	s21 =	simm.s32 $0x2;
	s22 =	simm.s32 $0x11000  }
0x6: {  	s23 =	simm.s32 $0x3;
	s24 =	simm.s32 $0x4;
	s25 =	simm.s32 $0x0  }
0x7: {  	s0 =	sand.u32 $0x1, s0;
	s3 =	sshll.u32 s9, $0x1;
	s10 =	smul.u32 $0x278000, s9  }
0x8: {  	s8 =	sor.u32 s0, s3;
	s6 =	ssub.s32 $0x2, s0;
	s0 =	smul.u32 $0x13C000, s0  }
0x9: {  	[smem:$0x7FF] =	sst s2;
	s4 =	sadd.s32 $0x40600, s1;
	s5 =	smul.u32 $0x500, s8  }
0xa: {  	_ =	strace $0x80000047;
	s3 =	sadd.s32 $0x18600, s1;
	s26 =	sshrl.u32 s6, $0x1  }
0xb: {  	s8 =	smul.u32 $0x13C000, s8;
	s0 =	sadd.s32 s0, s10;
	s7 =	sadd.s32 s5, s1  }
0xc: {  	s5 =	sadd.s32 $0x68600, s1;
	s1 =	ssub.s32 s6, s26;
	s30 =	sshrl.u32 s0, $0x3  }
.Ltmp0:
0xd: {  	s11 =	sadd.s32 $0x8000, s0;
	s28 =	sadd.s32 $0xE600, s7;
	(pc) =	sbr.rel .LBB2_1-.Ltmp0, $4  }
0xe: {  	s0 =	sadd.s32 $0x4000, s0;
	s29 =	sadd.s32 $0x4600, s7;
	[dreg:$0x2] =	wrdreg s28  }
0xf: {  	s1 =	smax.u32 s1, $0x1;
	s31 =	sshrl.u32 s11, $0x3;
	[dreg:$0x3] =	wrdreg s29  }
0x10: {  	s0 =	sshrl.u32 s0, $0x3;
	[dreg:$0x4] =	wrdreg s1;
	s1 =	sadd.s32 s30, s5  }
0x11: {  	s11 =	sadd.s32 s31, s5;
	s12 =	sadd.s32 s0, s5;
	[dreg:$0x5] =	wrdreg s1  }
.LBB2_9:
0x12: {  	_ =	swait.ge [sflag:s24], $0x4000  }
0x13: {  	[sflag:s24] =	ssyncset.done $0x0  }
0x14: {  	[sflag:s24] =	ssyncadd.s32 $0xFFFFC000  }
0x15: {  	_ =	swait.ge [sflag:s20], $0x4000  }
0x16: {  	[sflag:s20] =	ssyncset.done $0x0  }
0x17: {  	[sflag:s20] =	ssyncadd.s32 $0xFFFFC000  }
0x18: {  	_ =	swait.ge [sflag:s21], $0x4000  }
0x19: {  	[sflag:s21] =	ssyncset.done $0x0  }
0x1a: {  	[sflag:s21] =	ssyncadd.s32 $0xFFFFC000  }
0x1b: {  	_ =	swait.ge [sflag:s23], $0x4000  }
0x1c: {  	s25 =	sadd.s32 $0x1, s25;
	s0 =	rddreg [dreg:$0x4]  }
0x1d: {  	p0 =	sne.s32 s25, s0  }
.Ltmp1:
0x1e: {  	_ = 	snop;
	(pc) =	sbr.rel @!p0 .LBB2_10-.Ltmp1, $3  }
0x1f: {  	_ =	sdelay $0x1  }
0x20: {  	[sflag:s23] =	ssyncset.done $0x0  }
0x21: {  	[sflag:s23] =	ssyncadd.s32 $0xFFFFC000  }
.LBB2_1:
0x22: {  	s0 =	rddreg [dreg:$0x2]  }
0x23: {  	[tilespmem:s2], [sflag:$0x5] =	stream.linear.gather [hbm4b:s0+s2], $0x2780, $0x38;
	[tilespmem:$0x15000] =	vst v63  }
0x24: {  	_ =	swait.ge [sflag:s13], $0x2780  }
0x25: {  	[sflag:s13] =	ssyncset.done $0x0  }
0x26: {  	s1 =	simm.s32 $0x2800;
	s26 =	rddreg [dreg:$0x3];
	[sflag:s13] =	ssyncadd.s32 $0xFFFFD880  }
0x27: {  	[tilespmem:s1], [sflag:$0x5] =	stream.linear.gather [hbm4b:s26+s2], $0x2780, $0x38;
	[tilespmem:$0x15000] =	vst v63  }
0x28: {  	_ =	swait.ge [sflag:s13], $0x2780  }
0x29: {  	[sflag:s13] =	ssyncset.done $0x0  }
0x2a: {  	[sflag:s13] =	ssyncadd.s32 $0xFFFFD880  }
0x2b: {  	[tilespmem:s16], [sflag:$0x1] =	stream.indirect.gather [hbm4b:s3+s15], $0x80, s2, s15, $0xb8;
	[tilespmem:$0x15000] =	vst v63  }
0x2c: {  	_ = 	snop  }
0x2d: {  	[tilespmem:s17], [sflag:$0x2] =	stream.indirect.gather [hbm4b:s3+s15], $0x80, s15, s15, $0xb8;
	[tilespmem:$0x15000] =	vst v63  }
0x2e: {  	s28 =	simm.s32 $0x100  }
0x2f: {  	[tilespmem:s19], [sflag:$0x3] =	stream.indirect.gather [hbm4b:s3+s15], $0x80, s28, s15, $0xb8;
	[tilespmem:$0x15000] =	vst v63  }
0x30: {  	s29 =	smov.u32 s11;
	_ =	swait.ge [sflag:s20], $0x4000  }
0x31: {  	s31 =	simm.s32 $0x0;
	s0 =	simm.s32 $0x3;
	[sflag:s20] =	ssyncset.done $0x0  }
0x32: {  	s26 =	smov.u32 s12;
	s30 =	rddreg [dreg:$0x5];
	[sflag:s20] =	ssyncadd.s32 $0xFFFFC000  }
0x33: {  	[tilespmem:s16], [sflag:$0x1] =	stream.indirect.gather.add.f32 [hbm:s4], $0x80, s1, s15, $0xb8;
	[tilespmem:$0x15000] =	vst v63  }
.LBB2_2:
0x34: {  	_ =	swait.ge [sflag:s20], $0x4000  }
0x35: {  	[sflag:s20] =	ssyncset.done $0x0  }
0x36: {  	p0 =	seq.s32 s31, $0x0;
	[sflag:s20] =	ssyncadd.s32 $0xFFFFC000  }
0x37: {  	[hbm4b:s30+s2] =	stream.linear.scatter [tilespmem:s16], [sflag:$0x1], $0x4000, $0x38;
	[tilespmem:$0x15000] =	vst v63  }
.Ltmp2:
0x38: {  	_ = 	snop;
	(pc) =	sbr.rel @p0 .LBB2_3-.Ltmp2, $4  }
0x39: {  	_ =	swait.ge [sflag:s21], $0x4000  }
0x3a: {  	s1 =	sshra.s32 s31, $0x2;
	[sflag:s21] =	ssyncset.done $0x0  }
0x3b: {  	s18 =	sadd.s32 $0x2880, s1;
	[sflag:s21] =	ssyncadd.s32 $0xFFFFC000  }
0x3c: {  	[tilespmem:s17], [sflag:$0x2] =	stream.indirect.gather.add.f32 [hbm:s4], $0x80, s18, s15, $0xb8;
	[tilespmem:$0x15000] =	vst v63  }
0x3d: {  	p1 =	sgt.u32 s0, $0x4E  }
.Ltmp3:
0x3e: {  	_ = 	snop;
	(pc) =	sbr.rel @p1 .LBB2_7-.Ltmp3, $2  }
0x3f: {  	_ =	sdelay $0x2  }
0x40: {  	p0 =	por $0x0, $0x0;
	s28 =	smov.u32 s0  }
.Ltmp4:
0x41: {  	(pc) =	sbr.rel .LBB2_6-.Ltmp4, $4  }
0x42: {  	_ = 	snop  }
0x43: {  	_ =	swait.ge [sflag:s24], $0x4000  }
0x44: {  	[sflag:s24] =	ssyncset.done $0x0  }
0x45: {  	s18 =	sadd.s32 $0x180, s1;
	s28 =	smov.u32 s0;
	[sflag:s24] =	ssyncadd.s32 $0xFFFFC000  }
.LBB2_3:
0x46: {  	s28 =	simm.s32 $0x3;
	s18 =	simm.s32 $0x180  }
.LBB2_6:
0x47: {  	[tilespmem:s22], [sflag:$0x4] =	stream.indirect.gather [hbm4b:s3+s15], $0x80, s18, s15, $0xb8;
	[tilespmem:$0x15000] =	vst v63  }
0x48: {  	p0 =	por $0x1, $0x1  }
.LBB2_7:
0x49: {  	_ =	swait.ge [sflag:s21], $0x4000  }
0x4a: {  	[sflag:s21] =	ssyncset.done $0x0  }
0x4b: {  	[sflag:s21] =	ssyncadd.s32 $0xFFFFC000  }
0x4c: {  	[hbm4b:s26+s2] =	stream.linear.scatter [tilespmem:s17], [sflag:$0x2], $0x4000, $0x38;
	[tilespmem:$0x15000] =	vst v63  }
0x4d: {  	_ =	swait.ge [sflag:s23], $0x4000  }
0x4e: {  	[sflag:s23] =	ssyncset.done $0x0  }
0x4f: {  	s18 =	sadd.s32 $0x2900, s1;
	p1 =	seq.s32 s31, $0x9800;
	[sflag:s23] =	ssyncadd.s32 $0xFFFFC000  }
0x50: {  	[tilespmem:s19], [sflag:$0x3] =	stream.indirect.gather.add.f32 [hbm:s4], $0x80, s18, s15, $0xb8;
	[tilespmem:$0x15000] =	vst v63  }
0x51: {  	s18 =	simm.s32 @!p1 $0x1  }
0x52: {  	_ =	swait.ge @!p1 [sflag:s18], $0x4000  }
0x53: {  	[sflag:s18] =	ssyncset.done @!p1 $0x0  }
0x54: {  	[sflag:s18] =	ssyncadd.s32 @!p1 $0xFFFFC000;
	s18 =	sshra.s32 @!p1 s31, $0x2  }
0x55: {  	s7 =	simm.s32 @!p1 $0x80;
	s9 =	simm.s32 @!p1 $0x5000;
	s6 =	sadd.s32 @!p1 $0x200, s18  }
0x56: {  	[tilespmem:s9], [sflag:$0x1] =	stream.indirect.gather @!p1 [hbm4b:s3+s7], $0x80, s6, s7, $0xb8;
	[tilespmem:$0x15000] =	vst v63  }
0x57: {  	_ =	swait.ge [sflag:s23], $0x4000  }
0x58: {  	[sflag:s23] =	ssyncset.done $0x0  }
0x59: {  	s6 =	simm.s32 @p0 $0x4;
	[sflag:s23] =	ssyncadd.s32 $0xFFFFC000  }
0x5a: {  	[hbm4b:s29+s2] =	stream.linear.scatter [tilespmem:s19], [sflag:$0x3], $0x4000, $0x38;
	[tilespmem:$0x15000] =	vst v63  }
0x5b: {  	s9 =	sshll.u32 @p0 s28, $0x7;
	_ =	swait.ge @p0 [sflag:s6], $0x4000  }
0x5c: {  	s10 =	simm.s32 @p0 $0x80;
	s9 =	sand.u32 @p0 $0x3FFFFF80, s9;
	[sflag:s6] =	ssyncset.done @p0 $0x0  }
0x5d: {  	s14 =	simm.s32 @p0 $0x11000;
	s9 =	sadd.s32 @p0 $0x2800, s9;
	[sflag:s6] =	ssyncadd.s32 @p0 $0xFFFFC000  }
0x5e: {  	[tilespmem:s14], [sflag:$0x4] =	stream.indirect.gather.add.f32 @p0 [hbm:s4], $0x80, s9, s10, $0xb8;
	[tilespmem:$0x15000] =	vst v63  }
0x5f: {  	s9 =	simm.s32 @!p1 $0x2  }
0x60: {  	_ =	swait.ge @!p1 [sflag:s9], $0x4000  }
0x61: {  	[sflag:s9] =	ssyncset.done @!p1 $0x0  }
0x62: {  	s10 =	simm.s32 @!p1 $0x9000;
	[sflag:s9] =	ssyncadd.s32 @!p1 $0xFFFFC000;
	s9 =	sadd.s32 @!p1 $0x280, s18  }
0x63: {  	[tilespmem:s10], [sflag:$0x2] =	stream.indirect.gather @!p1 [hbm4b:s3+s7], $0x80, s9, s7, $0xb8;
	[tilespmem:$0x15000] =	vst v63  }
.Ltmp5:
0x64: {  	s7 =	sshll.u32 @p0 s28, $0xE;
	(pc) =	sbr.rel @p1 .LBB2_9-.Ltmp5, $4  }
0x65: {  	_ =	swait.ge @p0 [sflag:s6], $0x4000;
	s7 =	sadd.s32 @p0 s8, s7  }
0x66: {  	[sflag:s6] =	ssyncset.done @p0 $0x0;
	s7 =	sshrl.u32 @p0 s7, $0x3  }
0x67: {  	[sflag:s6] =	ssyncadd.s32 @p0 $0xFFFFC000;
	s6 =	sadd.s32 @p0 s5, s7;
	s7 =	simm.s32 @p0 $0x0  }
0x68: {  	[hbm4b:s6+s7] =	stream.linear.scatter @p0 [tilespmem:s14], [sflag:$0x4], $0x4000, $0x38;
	[tilespmem:$0x15000] =	vst v63  }
0x69: {  	_ =	swait.ge [sflag:s20], $0x4000  }
0x6a: {  	[sflag:s20] =	ssyncset.done $0x0  }
0x6b: {  	s6 =	sadd.s32 $0x2A00, s1;
	[sflag:s20] =	ssyncadd.s32 $0xFFFFC000  }
0x6c: {  	[tilespmem:s16], [sflag:$0x1] =	stream.indirect.gather.add.f32 [hbm:s4], $0x80, s6, s15, $0xb8;
	[tilespmem:$0x15000] =	vst v63  }
.Ltmp6:
0x6d: {  	_ = 	snop;
	(pc) =	sbr.rel .LBB2_2-.Ltmp6, $4  }
0x6e: {  	s28 =	sadd.s32 $0x300, s1;
	s31 =	sadd.s32 $0x800, s31;
	_ =	swait.ge [sflag:s23], $0x4000  }
0x6f: {  	s30 =	sadd.s32 $0x2000, s30;
	s29 =	sadd.s32 $0x2000, s29;
	[sflag:s23] =	ssyncset.done $0x0  }
0x70: {  	s0 =	sadd.s32 $0x4, s0;
	s26 =	sadd.s32 $0x2000, s26;
	[sflag:s23] =	ssyncadd.s32 $0xFFFFC000  }
0x71: {  	[tilespmem:s19], [sflag:$0x3] =	stream.indirect.gather [hbm4b:s3+s15], $0x80, s28, s15, $0xb8;
	[tilespmem:$0x15000] =	vst v63  }
.LBB2_10:
0x72: {  	_ =	sfence.sel $0x180000  }
0x73: {  	[bflag:$0x0] =	sbarrier.arrive $0xFFFF  }
0x74: {  	_ =	strace $0x90000047  }
0x75: {  	s0 =	stileid.u32;
	[bflag:$0x2] =	sbarrier.arrive $0xFFFF  }
0x76: {  	p0 =	sne.s32 s0, $0x0;
	s0 =	rddreg [dreg:$0x1]  }
0x77: {  	s0 =	sadd.s32 @!p0 $0x100000, s0  }
0x78: {  	[sflag:s0] =	ssyncadd.tile.s32 @!p0 $0x1;
	_ =	shalt  }
.Lfunc_end2:
_tile_overlayer_lowered:
.L_overlay_start_2:
0x79: {  	(tag) =	ssettag $0x2  }
0x7a: {  	s0 =	rddreg [dreg:$0x0];
	s2 =	stileid.u32  }
0x7b: {  	s1 =	rddreg [dreg:$0x1];
	p0 =	sne.s32 s2, $0x0  }
0x7c: {  	s3 =	rddreg [dreg:$0x2];
	[bflag:$0x3] =	sbarrier.arrive $0xFFFF;
	s2 =	simm.s32 @!p0 $0x1C05  }
0x7d: {  	[timem:s3], [sflag:s2] =	dma.local @!p0 [hbm:s0], s1  }
0x7e: {  	s0 =	simm.s32 @!p0 $0x5  }
0x7f: {  	_ =	swait.ge @!p0 [sflag:s0], s1  }
0x80: {  	s1 =	ssub.s32 @!p0 $0x0, s1;
	[sflag:s0] =	ssyncset.done @!p0 $0x0  }
0x81: {  	[sflag:s0] =	ssyncadd.s32 @!p0 s1  }
0x82: {  	[bflag:$0x3] =	sbarrier.arrive $0xFFFF  }
0x83: {  	_ =	shalt  }

</sc_bundles>
